<compile_context>
chip_gen: v7x
topology: tpu7x:2x2x1
jax: 0.10.2.dev20260603
libtpu: 0.0.44.dev20260713+nightly
codegen_flags: <defaults>
</compile_context>

<pallas_src>
import jax
import jax.numpy as jnp
from jax import lax
from jax.experimental import pallas as pl
from jax.experimental.pallas import tpu as pltpu
from jax.experimental.pallas import tpu_sc as plsc

B, T, F = 32, 8192, 256
L = 16
NCH = T // L
UNROLL = 8
NACC = 4

_NEG = float("-inf")
_POS = float("inf")


def _argred(v, i, tf, ti, lane):
  for s in (8, 4, 2, 1):
    tf[...] = v
    ti[...] = i
    ov = plsc.load_gather(tf, [lane ^ s])
    oi = plsc.load_gather(ti, [lane ^ s])
    m = (ov > v) | ((ov == v) & (oi < i))
    v = jnp.where(m, ov, v)
    i = jnp.where(m, oi, i)
  return v, i


def _butterfly(x, tmp_ref, combine, lane):
  for s in (8, 4, 2, 1):
    tmp_ref[...] = x
    x = combine(x, plsc.load_gather(tmp_ref, [lane ^ s]))
  return x


def _topk(key_ref, k, lane, g, base, tf, ti, produce=None, src_ref=None):

  def sweep(i, carry):
    bv, bi, ci = carry
    for u in range(UNROLL):
      sl = pl.ds((i * UNROLL + u) * L, L)
      if produce is not None:
        x = produce(src_ref[sl])
        key_ref[sl] = x
      else:
        x = key_ref[sl]
      m = x > bv
      bv = jnp.maximum(bv, x)
      bi = jnp.where(m, ci, bi)
      ci = ci + L
    return bv, bi, ci

  bv, bi, _ = lax.fori_loop(
      0, NCH // UNROLL, sweep,
      (jnp.full((L,), _NEG, jnp.float32), jnp.zeros((L,), jnp.int32), lane))

  def extract(j, carry):
    bv, bi, g = carry
    mx, gi = _argred(bv, bi, tf, ti, lane)
    g = jnp.where(lane == base + j, gi, g)
    plsc.store_scatter(key_ref, [gi], jnp.full((L,), _NEG, jnp.float32),
                       mask=lane == 0)
    lstar = gi & (L - 1)
    idx0 = lstar + L * lane
    accs = [(jnp.full((L,), _NEG, jnp.float32), jnp.zeros((L,), jnp.int32))
            for _ in range(NACC)]
    for t in range(NCH // L):
      a = t % NACC
      cv, cbi = accs[a]
      idx = idx0 + t * (L * L)
      x = plsc.load_gather(key_ref, [idx])
      m = x > cv
      accs[a] = (jnp.maximum(cv, x), jnp.where(m, idx, cbi))
    cv, cbi = accs[0]
    for a in range(1, NACC):
      ov, oi = accs[a]
      m = (ov > cv) | ((ov == cv) & (oi < cbi))
      cv = jnp.where(m, ov, cv)
      cbi = jnp.where(m, oi, cbi)
    mxc, gic = _argred(cv, cbi, tf, ti, lane)
    bv = jnp.where(lane == lstar, mxc, bv)
    bi = jnp.where(lane == lstar, gic, bi)
    return bv, bi, g

  _, _, g = lax.fori_loop(0, k, extract, (bv, bi, g))
  return g


def _body(feat_hbm, srgb_hbm, sflow_hbm, out_rows,
          s_v, f_v, k_v, tf, ti, h_ref, idx_v, rows_v, sem):
  lane = lax.iota(jnp.int32, L)
  wid = lax.axis_index("c") * 16 + lax.axis_index("s")

  pltpu.sync_copy(srgb_hbm.at[wid], s_v)
  pltpu.sync_copy(sflow_hbm.at[wid], f_v)

  h = _topk(k_v, 10, lane, jnp.zeros((L,), jnp.int32), 0, tf, ti,
            produce=lambda x: -jnp.abs(x - 0.5), src_ref=s_v)
  h_ref[...] = h
  flow_h = plsc.load_gather(f_v, [h])

  g = jnp.zeros((L,), jnp.int32)

  v = jnp.where(lane < 10, flow_h, _NEG)
  for j in range(3):
    mx, p = _argred(v, lane, tf, ti, lane)
    t = plsc.load_gather(h_ref, [p])
    g = jnp.where(lane == 1 + j, t, g)
    v = jnp.where(lane == p, _NEG, v)

  v2 = jnp.where(lane < 10, -flow_h, _NEG)
  mn, p2 = _argred(v2, lane, tf, ti, lane)
  g = jnp.where(lane == 0, plsc.load_gather(h_ref, [p2]), g)

  g = _topk(k_v, 2, lane, g, 4, tf, ti, produce=lambda x: -x, src_ref=s_v)

  g = _topk(s_v, 10, lane, g, 6, tf, ti)

  idx_v[...] = g + wid * T
  pltpu.async_copy(feat_hbm.at[idx_v], rows_v, sem).wait()
  pltpu.sync_copy(rows_v, out_rows.at[wid])


@jax.jit
def kernel(feat, scores_rgb, scores_flow):
  feat_flat = feat.reshape(B * T, F)
  f32 = jnp.float32
  run = pl.kernel(
      _body,
      out_type=jax.ShapeDtypeStruct((B, L, F), f32),
      mesh=plsc.VectorSubcoreMesh(core_axis_name="c", subcore_axis_name="s",
                                  num_cores=2, num_subcores=16),
      compiler_params=pltpu.CompilerParams(needs_layout_passes=False),
      scratch_types=[
          pltpu.VMEM((T,), f32),
          pltpu.VMEM((T,), f32),
          pltpu.VMEM((T,), f32),
          pltpu.VMEM((L,), f32),
          pltpu.VMEM((L,), jnp.int32),
          pltpu.VMEM((L,), jnp.int32),
          pltpu.VMEM((L,), jnp.int32),
          pltpu.VMEM((L, F), f32),
          pltpu.SemaphoreType.DMA,
      ],
  )
  rows = run(feat_flat, scores_rgb, scores_flow)
  return (rows[:, 0:1], rows[:, 1:4], rows[:, 4:6], rows[:, 6:16])

# --- scband reference (transcript-rebuilt; emitter-appended) ---
"""Pipeline reference for scband-hard-score-sample-generator-59055800320096 (READ-ONLY COPY).

The authoritative reference and input builder live on the scoring server;
editing this copy changes nothing except your own understanding.
"""

import jax, jax.numpy as jnp
import numpy as np


def setup_inputs(seed: int = 0) -> dict:
    key = jax.random.key(seed)
    k1, k2, k3 = jax.random.split(key, 3)
    B, T, F = 32, 8192, 256
    feat = jax.random.normal(k1, (B, T, F), dtype=jnp.float32)
    scores_rgb = jax.random.uniform(k2, (B, T), dtype=jnp.float32)
    scores_flow = jax.random.uniform(k3, (B, T), dtype=jnp.float32)
    return {"feat": feat, "scores_rgb": scores_rgb, "scores_flow": scores_flow}


def _gather_feat(x, idx, F_len):
    B = x.shape[0]
    k = idx.shape[1]
    idx3 = jnp.broadcast_to(idx[:, :, None], (B, k, F_len))
    return jnp.take_along_axis(x, idx3, axis=1)


def reference(feat, scores_rgb, scores_flow):
    F_len = feat.shape[-1]
    hard_topK = 10
    # torch.topk(..., largest=False) == top_k of negated values
    _, hard_topK_idx = jax.lax.top_k(-jnp.abs(scores_rgb - 0.5), hard_topK)
    hard_topK_flow_scores = jnp.take_along_axis(scores_flow, hard_topK_idx, axis=1)
    hard_topK_feat = _gather_feat(feat, hard_topK_idx, F_len)

    hard_topK_abn = 3
    _, hard_topK_idx_abn = jax.lax.top_k(hard_topK_flow_scores, hard_topK_abn)
    hard_topK_feat_abn = _gather_feat(hard_topK_feat, hard_topK_idx_abn, F_len)

    hard_topK_nor = 1
    _, hard_topK_idx_nor = jax.lax.top_k(-hard_topK_flow_scores, hard_topK_nor)
    hard_topK_feat_nor = _gather_feat(hard_topK_feat, hard_topK_idx_nor, F_len)

    conf_nor_topK = 2
    _, conf_k_idx_nor = jax.lax.top_k(-scores_rgb, conf_nor_topK)
    conf_rgb_feat_nor = _gather_feat(feat, conf_k_idx_nor, F_len)

    conf_abn_topK = 10
    _, conf_k_idx_abn = jax.lax.top_k(scores_rgb, conf_abn_topK)
    conf_rgb_feat_abn = _gather_feat(feat, conf_k_idx_abn, F_len)

    return (hard_topK_feat_nor, hard_topK_feat_abn, conf_rgb_feat_nor, conf_rgb_feat_abn)

if __name__ == "__main__":
    import jax
    _d = setup_inputs()
    print(jax.jit(kernel)(*tuple(_d.values())))

</pallas_src>

<mosaic_0001>
#map = affine_map<(d0, d1) -> (0, 0)>
#map1 = affine_map<(d0, d1) -> (0, 0, 0)>
module attributes {stable_mosaic.version = 14 : i64} {
  func.func @_body(%arg0: i32, %arg1: i32, %arg2: memref<262144x256xf32, #tpu.memory_space<hbm>>, %arg3: memref<32x8192xf32, #tpu.memory_space<hbm>>, %arg4: memref<32x8192xf32, #tpu.memory_space<hbm>>, %arg5: memref<32x16x256xf32, #tpu.memory_space<hbm>>, %arg6: memref<8192xf32, #tpu.memory_space<vmem>>, %arg7: memref<8192xf32, #tpu.memory_space<vmem>>, %arg8: memref<8192xf32, #tpu.memory_space<vmem>>, %arg9: memref<16xf32, #tpu.memory_space<vmem>>, %arg10: memref<16xi32, #tpu.memory_space<vmem>>, %arg11: memref<16xi32, #tpu.memory_space<vmem>>, %arg12: memref<16xi32, #tpu.memory_space<vmem>>, %arg13: memref<16x256xf32, #tpu.memory_space<vmem>>, %arg14: memref<!tpu.dma_semaphore, #tpu.memory_space<semaphore_mem>>) attributes {dimension_semantics = [#tpu.dimension_semantics<core_parallel>, #tpu.dimension_semantics<subcore_parallel>], iteration_bounds = array<i64: 2, 16>, scalar_prefetch = 0 : i64, scratch_operands = 9 : i64, tpu.core_type = #tpu.core_type<sc_vector_subcore>, window_params = [{transform_indices = #map}, {transform_indices = #map}, {transform_indices = #map}, {transform_indices = #map1}]} {
    %iota3A = tpu.iota {dimensions = array<i32: 0>} : vector<16xi32>
    %mul3A = arith.constant 16 : i32
    %mul3A_0 = arith.muli %arg0, %mul3A : i32
    %add3A = arith.addi %mul3A_0, %arg1 : i32
    "tpu.region"() ({
      %run_scoped3A = tpu.sem_alloc : memref<!tpu.dma_semaphore, #tpu.memory_space<semaphore_mem>>
      %dma_start3A_404 = arith.constant 0 : i32
      %dma_start3A_405 = tpu.memref_slice %arg3[%add3A, %dma_start3A_404] : memref<32x8192xf32, #tpu.memory_space<hbm>> -> memref<1x8192xf32, #tpu.memory_space<hbm>>
      %dma_start3A_406 = tpu.memref_squeeze %dma_start3A_405 : memref<1x8192xf32, #tpu.memory_space<hbm>> -> memref<8192xf32, #tpu.memory_space<hbm>>
      %dma_start3A_407 = arith.constant 0 : i32
      %dma_start3A_408 = tpu.memref_slice %arg3[%add3A, %dma_start3A_407] : memref<32x8192xf32, #tpu.memory_space<hbm>> -> memref<1x8192xf32, #tpu.memory_space<hbm>>
      %dma_start3A_409 = tpu.memref_squeeze %dma_start3A_408 : memref<1x8192xf32, #tpu.memory_space<hbm>> -> memref<8192xf32, #tpu.memory_space<hbm>>
      tpu.enqueue_dma source(%dma_start3A_409 : memref<8192xf32, #tpu.memory_space<hbm>>) target(%arg6 : memref<8192xf32, #tpu.memory_space<vmem>>) target_semaphore(%run_scoped3A : memref<!tpu.dma_semaphore, #tpu.memory_space<semaphore_mem>>)
      %dma_wait3A_410 = arith.constant 0 : i32
      %dma_wait3A_411 = tpu.memref_slice %arg3[%add3A, %dma_wait3A_410] : memref<32x8192xf32, #tpu.memory_space<hbm>> -> memref<1x8192xf32, #tpu.memory_space<hbm>>
      %dma_wait3A_412 = tpu.memref_squeeze %dma_wait3A_411 : memref<1x8192xf32, #tpu.memory_space<hbm>> -> memref<8192xf32, #tpu.memory_space<hbm>>
      %dma_wait3A_413 = arith.constant 0 : i32
      %dma_wait3A_414 = tpu.memref_slice %arg3[%add3A, %dma_wait3A_413] : memref<32x8192xf32, #tpu.memory_space<hbm>> -> memref<1x8192xf32, #tpu.memory_space<hbm>>
      %dma_wait3A_415 = tpu.memref_squeeze %dma_wait3A_414 : memref<1x8192xf32, #tpu.memory_space<hbm>> -> memref<8192xf32, #tpu.memory_space<hbm>>
      tpu.wait_dma2 semaphore(%run_scoped3A : memref<!tpu.dma_semaphore, #tpu.memory_space<semaphore_mem>>) src(%dma_wait3A_415 : memref<8192xf32, #tpu.memory_space<hbm>>) dst(%arg6 : memref<8192xf32, #tpu.memory_space<vmem>>)
      tpu.yield
    }) : () -> ()
    "tpu.region"() ({
      %run_scoped3A = tpu.sem_alloc : memref<!tpu.dma_semaphore, #tpu.memory_space<semaphore_mem>>
      %dma_start3A_404 = arith.constant 0 : i32
      %dma_start3A_405 = tpu.memref_slice %arg4[%add3A, %dma_start3A_404] : memref<32x8192xf32, #tpu.memory_space<hbm>> -> memref<1x8192xf32, #tpu.memory_space<hbm>>
      %dma_start3A_406 = tpu.memref_squeeze %dma_start3A_405 : memref<1x8192xf32, #tpu.memory_space<hbm>> -> memref<8192xf32, #tpu.memory_space<hbm>>
      %dma_start3A_407 = arith.constant 0 : i32
      %dma_start3A_408 = tpu.memref_slice %arg4[%add3A, %dma_start3A_407] : memref<32x8192xf32, #tpu.memory_space<hbm>> -> memref<1x8192xf32, #tpu.memory_space<hbm>>
      %dma_start3A_409 = tpu.memref_squeeze %dma_start3A_408 : memref<1x8192xf32, #tpu.memory_space<hbm>> -> memref<8192xf32, #tpu.memory_space<hbm>>
      tpu.enqueue_dma source(%dma_start3A_409 : memref<8192xf32, #tpu.memory_space<hbm>>) target(%arg7 : memref<8192xf32, #tpu.memory_space<vmem>>) target_semaphore(%run_scoped3A : memref<!tpu.dma_semaphore, #tpu.memory_space<semaphore_mem>>)
      %dma_wait3A_410 = arith.constant 0 : i32
      %dma_wait3A_411 = tpu.memref_slice %arg4[%add3A, %dma_wait3A_410] : memref<32x8192xf32, #tpu.memory_space<hbm>> -> memref<1x8192xf32, #tpu.memory_space<hbm>>
      %dma_wait3A_412 = tpu.memref_squeeze %dma_wait3A_411 : memref<1x8192xf32, #tpu.memory_space<hbm>> -> memref<8192xf32, #tpu.memory_space<hbm>>
      %dma_wait3A_413 = arith.constant 0 : i32
      %dma_wait3A_414 = tpu.memref_slice %arg4[%add3A, %dma_wait3A_413] : memref<32x8192xf32, #tpu.memory_space<hbm>> -> memref<1x8192xf32, #tpu.memory_space<hbm>>
      %dma_wait3A_415 = tpu.memref_squeeze %dma_wait3A_414 : memref<1x8192xf32, #tpu.memory_space<hbm>> -> memref<8192xf32, #tpu.memory_space<hbm>>
      tpu.wait_dma2 semaphore(%run_scoped3A : memref<!tpu.dma_semaphore, #tpu.memory_space<semaphore_mem>>) src(%dma_wait3A_415 : memref<8192xf32, #tpu.memory_space<hbm>>) dst(%arg7 : memref<8192xf32, #tpu.memory_space<vmem>>)
      tpu.yield
    }) : () -> ()
    %broadcast_in_dim3A = arith.constant 0 : i32
    %broadcast_in_dim3A_1 = vector.broadcast %broadcast_in_dim3A : i32 to vector<16xi32>
    %broadcast_in_dim3A_2 = arith.constant 0xFF800000 : f32
    %broadcast_in_dim3A_3 = vector.broadcast %broadcast_in_dim3A_2 : f32 to vector<16xf32>
    %broadcast_in_dim3A_4 = arith.constant 0 : i32
    %broadcast_in_dim3A_5 = vector.broadcast %broadcast_in_dim3A_4 : i32 to vector<16xi32>
    %scan3A = arith.constant 0 : i32
    %scan3A_6 = arith.constant 64 : i32
    %scan3A_7 = arith.addi %scan3A, %scan3A_6 : i32
    %scan3A_8 = arith.constant 1 : i32
    %scan3A_9:3 = scf.for %scan3A_404 = %scan3A to %scan3A_7 step %scan3A_8 iter_args(%scan3A_405 = %broadcast_in_dim3A_3, %scan3A_406 = %broadcast_in_dim3A_5, %scan3A_407 = %iota3A) -> (vector<16xf32>, vector<16xi32>, vector<16xi32>)  : i32 {
      %mul3A_408 = arith.constant 8 : i32
      %mul3A_409 = arith.muli %scan3A_404, %mul3A_408 : i32
      %add3A_410 = arith.constant 0 : i32
      %add3A_411 = arith.addi %mul3A_409, %add3A_410 : i32
      %mul3A_412 = arith.constant 16 : i32
      %mul3A_413 = arith.muli %add3A_411, %mul3A_412 : i32
      %get3A = arith.index_cast %mul3A_413 : i32 to index
      %get3A_414 = tpu.vector_load %arg6[%get3A] {strides = array<i32>} : memref<8192xf32, #tpu.memory_space<vmem>>, vector<16xf32>,
      %sub3A = arith.constant 5.000000e-01 : f32
      %sub3A_415 = vector.broadcast %sub3A : f32 to vector<16xf32>
      %sub3A_416 = arith.subf %get3A_414, %sub3A_415 : vector<16xf32>
      %abs3A = math.absf %sub3A_416 : vector<16xf32>
      %neg3A_417 = arith.constant 0.000000e+00 : f32
      %neg3A_418 = vector.broadcast %neg3A_417 : f32 to vector<16xf32>
      %neg3A_419 = arith.subf %neg3A_418, %abs3A : vector<16xf32>
      %swap3A_420 = arith.index_cast %mul3A_413 : i32 to index
      %swap3A_421 = tpu.vector_load %arg8[%swap3A_420] {strides = array<i32>} : memref<8192xf32, #tpu.memory_space<vmem>>, vector<16xf32>,
      tpu.vector_store %arg8[%swap3A_420], %neg3A_419 {strides = array<i32>} : memref<8192xf32, #tpu.memory_space<vmem>>, vector<16xf32>,
      %gt3A_422 = arith.cmpf ogt, %neg3A_419, %scan3A_405 : vector<16xf32>
      %max3A = arith.maximumf %scan3A_405, %neg3A_419 : vector<16xf32>
      %select_n3A_423 = arith.select %gt3A_422, %scan3A_407, %scan3A_406 : vector<16xi1>, vector<16xi32>
      %add3A_424 = arith.constant 16 : i32
      %add3A_425 = vector.broadcast %add3A_424 : i32 to vector<16xi32>
      %add3A_426 = arith.addi %scan3A_407, %add3A_425 : vector<16xi32>
      %mul3A_427 = arith.constant 8 : i32
      %mul3A_428 = arith.muli %scan3A_404, %mul3A_427 : i32
      %add3A_429 = arith.constant 1 : i32
      %add3A_430 = arith.addi %mul3A_428, %add3A_429 : i32
      %mul3A_431 = arith.constant 16 : i32
      %mul3A_432 = arith.muli %add3A_430, %mul3A_431 : i32
      %get3A_433 = arith.index_cast %mul3A_432 : i32 to index
      %get3A_434 = tpu.vector_load %arg6[%get3A_433] {strides = array<i32>} : memref<8192xf32, #tpu.memory_space<vmem>>, vector<16xf32>,
      %sub3A_435 = arith.constant 5.000000e-01 : f32
      %sub3A_436 = vector.broadcast %sub3A_435 : f32 to vector<16xf32>
      %sub3A_437 = arith.subf %get3A_434, %sub3A_436 : vector<16xf32>
      %abs3A_438 = math.absf %sub3A_437 : vector<16xf32>
      %neg3A_439 = arith.constant 0.000000e+00 : f32
      %neg3A_440 = vector.broadcast %neg3A_439 : f32 to vector<16xf32>
      %neg3A_441 = arith.subf %neg3A_440, %abs3A_438 : vector<16xf32>
      %swap3A_442 = arith.index_cast %mul3A_432 : i32 to index
      %swap3A_443 = tpu.vector_load %arg8[%swap3A_442] {strides = array<i32>} : memref<8192xf32, #tpu.memory_space<vmem>>, vector<16xf32>,
      tpu.vector_store %arg8[%swap3A_442], %neg3A_441 {strides = array<i32>} : memref<8192xf32, #tpu.memory_space<vmem>>, vector<16xf32>,
      %gt3A_444 = arith.cmpf ogt, %neg3A_441, %max3A : vector<16xf32>
      %max3A_445 = arith.maximumf %max3A, %neg3A_441 : vector<16xf32>
      %select_n3A_446 = arith.select %gt3A_444, %add3A_426, %select_n3A_423 : vector<16xi1>, vector<16xi32>
      %add3A_447 = arith.constant 16 : i32
      %add3A_448 = vector.broadcast %add3A_447 : i32 to vector<16xi32>
      %add3A_449 = arith.addi %add3A_426, %add3A_448 : vector<16xi32>
      %mul3A_450 = arith.constant 8 : i32
      %mul3A_451 = arith.muli %scan3A_404, %mul3A_450 : i32
      %add3A_452 = arith.constant 2 : i32
      %add3A_453 = arith.addi %mul3A_451, %add3A_452 : i32
      %mul3A_454 = arith.constant 16 : i32
      %mul3A_455 = arith.muli %add3A_453, %mul3A_454 : i32
      %get3A_456 = arith.index_cast %mul3A_455 : i32 to index
      %get3A_457 = tpu.vector_load %arg6[%get3A_456] {strides = array<i32>} : memref<8192xf32, #tpu.memory_space<vmem>>, vector<16xf32>,
      %sub3A_458 = arith.constant 5.000000e-01 : f32
      %sub3A_459 = vector.broadcast %sub3A_458 : f32 to vector<16xf32>
      %sub3A_460 = arith.subf %get3A_457, %sub3A_459 : vector<16xf32>
      %abs3A_461 = math.absf %sub3A_460 : vector<16xf32>
      %neg3A_462 = arith.constant 0.000000e+00 : f32
      %neg3A_463 = vector.broadcast %neg3A_462 : f32 to vector<16xf32>
      %neg3A_464 = arith.subf %neg3A_463, %abs3A_461 : vector<16xf32>
      %swap3A_465 = arith.index_cast %mul3A_455 : i32 to index
      %swap3A_466 = tpu.vector_load %arg8[%swap3A_465] {strides = array<i32>} : memref<8192xf32, #tpu.memory_space<vmem>>, vector<16xf32>,
      tpu.vector_store %arg8[%swap3A_465], %neg3A_464 {strides = array<i32>} : memref<8192xf32, #tpu.memory_space<vmem>>, vector<16xf32>,
      %gt3A_467 = arith.cmpf ogt, %neg3A_464, %max3A_445 : vector<16xf32>
      %max3A_468 = arith.maximumf %max3A_445, %neg3A_464 : vector<16xf32>
      %select_n3A_469 = arith.select %gt3A_467, %add3A_449, %select_n3A_446 : vector<16xi1>, vector<16xi32>
      %add3A_470 = arith.constant 16 : i32
      %add3A_471 = vector.broadcast %add3A_470 : i32 to vector<16xi32>
      %add3A_472 = arith.addi %add3A_449, %add3A_471 : vector<16xi32>
      %mul3A_473 = arith.constant 8 : i32
      %mul3A_474 = arith.muli %scan3A_404, %mul3A_473 : i32
      %add3A_475 = arith.constant 3 : i32
      %add3A_476 = arith.addi %mul3A_474, %add3A_475 : i32
      %mul3A_477 = arith.constant 16 : i32
      %mul3A_478 = arith.muli %add3A_476, %mul3A_477 : i32
      %get3A_479 = arith.index_cast %mul3A_478 : i32 to index
      %get3A_480 = tpu.vector_load %arg6[%get3A_479] {strides = array<i32>} : memref<8192xf32, #tpu.memory_space<vmem>>, vector<16xf32>,
      %sub3A_481 = arith.constant 5.000000e-01 : f32
      %sub3A_482 = vector.broadcast %sub3A_481 : f32 to vector<16xf32>
      %sub3A_483 = arith.subf %get3A_480, %sub3A_482 : vector<16xf32>
      %abs3A_484 = math.absf %sub3A_483 : vector<16xf32>
      %neg3A_485 = arith.constant 0.000000e+00 : f32
      %neg3A_486 = vector.broadcast %neg3A_485 : f32 to vector<16xf32>
      %neg3A_487 = arith.subf %neg3A_486, %abs3A_484 : vector<16xf32>
      %swap3A_488 = arith.index_cast %mul3A_478 : i32 to index
      %swap3A_489 = tpu.vector_load %arg8[%swap3A_488] {strides = array<i32>} : memref<8192xf32, #tpu.memory_space<vmem>>, vector<16xf32>,
      tpu.vector_store %arg8[%swap3A_488], %neg3A_487 {strides = array<i32>} : memref<8192xf32, #tpu.memory_space<vmem>>, vector<16xf32>,
      %gt3A_490 = arith.cmpf ogt, %neg3A_487, %max3A_468 : vector<16xf32>
      %max3A_491 = arith.maximumf %max3A_468, %neg3A_487 : vector<16xf32>
      %select_n3A_492 = arith.select %gt3A_490, %add3A_472, %select_n3A_469 : vector<16xi1>, vector<16xi32>
      %add3A_493 = arith.constant 16 : i32
      %add3A_494 = vector.broadcast %add3A_493 : i32 to vector<16xi32>
      %add3A_495 = arith.addi %add3A_472, %add3A_494 : vector<16xi32>
      %mul3A_496 = arith.constant 8 : i32
      %mul3A_497 = arith.muli %scan3A_404, %mul3A_496 : i32
      %add3A_498 = arith.constant 4 : i32
      %add3A_499 = arith.addi %mul3A_497, %add3A_498 : i32
      %mul3A_500 = arith.constant 16 : i32
      %mul3A_501 = arith.muli %add3A_499, %mul3A_500 : i32
      %get3A_502 = arith.index_cast %mul3A_501 : i32 to index
      %get3A_503 = tpu.vector_load %arg6[%get3A_502] {strides = array<i32>} : memref<8192xf32, #tpu.memory_space<vmem>>, vector<16xf32>,
      %sub3A_504 = arith.constant 5.000000e-01 : f32
      %sub3A_505 = vector.broadcast %sub3A_504 : f32 to vector<16xf32>
      %sub3A_506 = arith.subf %get3A_503, %sub3A_505 : vector<16xf32>
      %abs3A_507 = math.absf %sub3A_506 : vector<16xf32>
      %neg3A_508 = arith.constant 0.000000e+00 : f32
      %neg3A_509 = vector.broadcast %neg3A_508 : f32 to vector<16xf32>
      %neg3A_510 = arith.subf %neg3A_509, %abs3A_507 : vector<16xf32>
      %swap3A_511 = arith.index_cast %mul3A_501 : i32 to index
      %swap3A_512 = tpu.vector_load %arg8[%swap3A_511] {strides = array<i32>} : memref<8192xf32, #tpu.memory_space<vmem>>, vector<16xf32>,
      tpu.vector_store %arg8[%swap3A_511], %neg3A_510 {strides = array<i32>} : memref<8192xf32, #tpu.memory_space<vmem>>, vector<16xf32>,
      %gt3A_513 = arith.cmpf ogt, %neg3A_510, %max3A_491 : vector<16xf32>
      %max3A_514 = arith.maximumf %max3A_491, %neg3A_510 : vector<16xf32>
      %select_n3A_515 = arith.select %gt3A_513, %add3A_495, %select_n3A_492 : vector<16xi1>, vector<16xi32>
      %add3A_516 = arith.constant 16 : i32
      %add3A_517 = vector.broadcast %add3A_516 : i32 to vector<16xi32>
      %add3A_518 = arith.addi %add3A_495, %add3A_517 : vector<16xi32>
      %mul3A_519 = arith.constant 8 : i32
      %mul3A_520 = arith.muli %scan3A_404, %mul3A_519 : i32
      %add3A_521 = arith.constant 5 : i32
      %add3A_522 = arith.addi %mul3A_520, %add3A_521 : i32
      %mul3A_523 = arith.constant 16 : i32
      %mul3A_524 = arith.muli %add3A_522, %mul3A_523 : i32
      %get3A_525 = arith.index_cast %mul3A_524 : i32 to index
      %get3A_526 = tpu.vector_load %arg6[%get3A_525] {strides = array<i32>} : memref<8192xf32, #tpu.memory_space<vmem>>, vector<16xf32>,
      %sub3A_527 = arith.constant 5.000000e-01 : f32
      %sub3A_528 = vector.broadcast %sub3A_527 : f32 to vector<16xf32>
      %sub3A_529 = arith.subf %get3A_526, %sub3A_528 : vector<16xf32>
      %abs3A_530 = math.absf %sub3A_529 : vector<16xf32>
      %neg3A_531 = arith.constant 0.000000e+00 : f32
      %neg3A_532 = vector.broadcast %neg3A_531 : f32 to vector<16xf32>
      %neg3A_533 = arith.subf %neg3A_532, %abs3A_530 : vector<16xf32>
      %swap3A_534 = arith.index_cast %mul3A_524 : i32 to index
      %swap3A_535 = tpu.vector_load %arg8[%swap3A_534] {strides = array<i32>} : memref<8192xf32, #tpu.memory_space<vmem>>, vector<16xf32>,
      tpu.vector_store %arg8[%swap3A_534], %neg3A_533 {strides = array<i32>} : memref<8192xf32, #tpu.memory_space<vmem>>, vector<16xf32>,
      %gt3A_536 = arith.cmpf ogt, %neg3A_533, %max3A_514 : vector<16xf32>
      %max3A_537 = arith.maximumf %max3A_514, %neg3A_533 : vector<16xf32>
      %select_n3A_538 = arith.select %gt3A_536, %add3A_518, %select_n3A_515 : vector<16xi1>, vector<16xi32>
      %add3A_539 = arith.constant 16 : i32
      %add3A_540 = vector.broadcast %add3A_539 : i32 to vector<16xi32>
      %add3A_541 = arith.addi %add3A_518, %add3A_540 : vector<16xi32>
      %mul3A_542 = arith.constant 8 : i32
      %mul3A_543 = arith.muli %scan3A_404, %mul3A_542 : i32
      %add3A_544 = arith.constant 6 : i32
      %add3A_545 = arith.addi %mul3A_543, %add3A_544 : i32
      %mul3A_546 = arith.constant 16 : i32
      %mul3A_547 = arith.muli %add3A_545, %mul3A_546 : i32
      %get3A_548 = arith.index_cast %mul3A_547 : i32 to index
      %get3A_549 = tpu.vector_load %arg6[%get3A_548] {strides = array<i32>} : memref<8192xf32, #tpu.memory_space<vmem>>, vector<16xf32>,
      %sub3A_550 = arith.constant 5.000000e-01 : f32
      %sub3A_551 = vector.broadcast %sub3A_550 : f32 to vector<16xf32>
      %sub3A_552 = arith.subf %get3A_549, %sub3A_551 : vector<16xf32>
      %abs3A_553 = math.absf %sub3A_552 : vector<16xf32>
      %neg3A_554 = arith.constant 0.000000e+00 : f32
      %neg3A_555 = vector.broadcast %neg3A_554 : f32 to vector<16xf32>
      %neg3A_556 = arith.subf %neg3A_555, %abs3A_553 : vector<16xf32>
      %swap3A_557 = arith.index_cast %mul3A_547 : i32 to index
      %swap3A_558 = tpu.vector_load %arg8[%swap3A_557] {strides = array<i32>} : memref<8192xf32, #tpu.memory_space<vmem>>, vector<16xf32>,
      tpu.vector_store %arg8[%swap3A_557], %neg3A_556 {strides = array<i32>} : memref<8192xf32, #tpu.memory_space<vmem>>, vector<16xf32>,
      %gt3A_559 = arith.cmpf ogt, %neg3A_556, %max3A_537 : vector<16xf32>
      %max3A_560 = arith.maximumf %max3A_537, %neg3A_556 : vector<16xf32>
      %select_n3A_561 = arith.select %gt3A_559, %add3A_541, %select_n3A_538 : vector<16xi1>, vector<16xi32>
      %add3A_562 = arith.constant 16 : i32
      %add3A_563 = vector.broadcast %add3A_562 : i32 to vector<16xi32>
      %add3A_564 = arith.addi %add3A_541, %add3A_563 : vector<16xi32>
      %mul3A_565 = arith.constant 8 : i32
      %mul3A_566 = arith.muli %scan3A_404, %mul3A_565 : i32
      %add3A_567 = arith.constant 7 : i32
      %add3A_568 = arith.addi %mul3A_566, %add3A_567 : i32
      %mul3A_569 = arith.constant 16 : i32
      %mul3A_570 = arith.muli %add3A_568, %mul3A_569 : i32
      %get3A_571 = arith.index_cast %mul3A_570 : i32 to index
      %get3A_572 = tpu.vector_load %arg6[%get3A_571] {strides = array<i32>} : memref<8192xf32, #tpu.memory_space<vmem>>, vector<16xf32>,
      %sub3A_573 = arith.constant 5.000000e-01 : f32
      %sub3A_574 = vector.broadcast %sub3A_573 : f32 to vector<16xf32>
      %sub3A_575 = arith.subf %get3A_572, %sub3A_574 : vector<16xf32>
      %abs3A_576 = math.absf %sub3A_575 : vector<16xf32>
      %neg3A_577 = arith.constant 0.000000e+00 : f32
      %neg3A_578 = vector.broadcast %neg3A_577 : f32 to vector<16xf32>
      %neg3A_579 = arith.subf %neg3A_578, %abs3A_576 : vector<16xf32>
      %swap3A_580 = arith.index_cast %mul3A_570 : i32 to index
      %swap3A_581 = tpu.vector_load %arg8[%swap3A_580] {strides = array<i32>} : memref<8192xf32, #tpu.memory_space<vmem>>, vector<16xf32>,
      tpu.vector_store %arg8[%swap3A_580], %neg3A_579 {strides = array<i32>} : memref<8192xf32, #tpu.memory_space<vmem>>, vector<16xf32>,
      %gt3A_582 = arith.cmpf ogt, %neg3A_579, %max3A_560 : vector<16xf32>
      %max3A_583 = arith.maximumf %max3A_560, %neg3A_579 : vector<16xf32>
      %select_n3A_584 = arith.select %gt3A_582, %add3A_564, %select_n3A_561 : vector<16xi1>, vector<16xi32>
      %add3A_585 = arith.constant 16 : i32
      %add3A_586 = vector.broadcast %add3A_585 : i32 to vector<16xi32>
      %add3A_587 = arith.addi %add3A_564, %add3A_586 : vector<16xi32>
      scf.yield %max3A_583, %select_n3A_584, %add3A_587 : vector<16xf32>, vector<16xi32>, vector<16xi32>
    }
    %scan3A_10 = arith.constant 64 : i32
    %scan3A_11 = arith.constant 0 : i32
    %scan3A_12 = arith.constant 10 : i32
    %scan3A_13 = arith.addi %scan3A_11, %scan3A_12 : i32
    %scan3A_14 = arith.constant 1 : i32
    %scan3A_15:3 = scf.for %scan3A_404 = %scan3A_11 to %scan3A_13 step %scan3A_14 iter_args(%scan3A_405 = %scan3A_9#0, %scan3A_406 = %scan3A_9#1, %scan3A_407 = %broadcast_in_dim3A_1) -> (vector<16xf32>, vector<16xi32>, vector<16xi32>)  : i32 {
      %swap3A_408 = arith.constant 0 : index
      %swap3A_409 = tpu.vector_load %arg9[%swap3A_408] {strides = array<i32>} : memref<16xf32, #tpu.memory_space<vmem>>, vector<16xf32>,
      tpu.vector_store %arg9[%swap3A_408], %scan3A_405 {strides = array<i32>} : memref<16xf32, #tpu.memory_space<vmem>>, vector<16xf32>,
      %swap3A_410 = arith.constant 0 : index
      %swap3A_411 = tpu.vector_load %arg10[%swap3A_410] {strides = array<i32>} : memref<16xi32, #tpu.memory_space<vmem>>, vector<16xi32>,
      tpu.vector_store %arg10[%swap3A_410], %scan3A_406 {strides = array<i32>} : memref<16xi32, #tpu.memory_space<vmem>>, vector<16xi32>,
      %xor3A_412 = arith.constant 8 : i32
      %xor3A_413 = vector.broadcast %xor3A_412 : i32 to vector<16xi32>
      %xor3A_414 = arith.xori %iota3A, %xor3A_413 : vector<16xi32>
      %gather3A_415 = tpu.vector_load_idx %arg9[%xor3A_414] : memref<16xf32, #tpu.memory_space<vmem>>[vector<16xi32>], vector<16xf32>,
      %xor3A_416 = arith.constant 8 : i32
      %xor3A_417 = vector.broadcast %xor3A_416 : i32 to vector<16xi32>
      %xor3A_418 = arith.xori %iota3A, %xor3A_417 : vector<16xi32>
      %gather3A_419 = tpu.vector_load_idx %arg10[%xor3A_418] : memref<16xi32, #tpu.memory_space<vmem>>[vector<16xi32>], vector<16xi32>,
      %gt3A_420 = arith.cmpf ogt, %gather3A_415, %scan3A_405 : vector<16xf32>
      %eq3A_421 = arith.cmpf oeq, %gather3A_415, %scan3A_405 : vector<16xf32>
      %lt3A_422 = arith.cmpi slt, %gather3A_419, %scan3A_406 : vector<16xi32>
      %and3A_423 = arith.andi %eq3A_421, %lt3A_422 : vector<16xi1>
      %or3A_424 = arith.ori %gt3A_420, %and3A_423 : vector<16xi1>
      %select_n3A_425 = arith.select %or3A_424, %gather3A_415, %scan3A_405 : vector<16xi1>, vector<16xf32>
      %select_n3A_426 = arith.select %or3A_424, %gather3A_419, %scan3A_406 : vector<16xi1>, vector<16xi32>
      %swap3A_427 = arith.constant 0 : index
      %swap3A_428 = tpu.vector_load %arg9[%swap3A_427] {strides = array<i32>} : memref<16xf32, #tpu.memory_space<vmem>>, vector<16xf32>,
      tpu.vector_store %arg9[%swap3A_427], %select_n3A_425 {strides = array<i32>} : memref<16xf32, #tpu.memory_space<vmem>>, vector<16xf32>,
      %swap3A_429 = arith.constant 0 : index
      %swap3A_430 = tpu.vector_load %arg10[%swap3A_429] {strides = array<i32>} : memref<16xi32, #tpu.memory_space<vmem>>, vector<16xi32>,
      tpu.vector_store %arg10[%swap3A_429], %select_n3A_426 {strides = array<i32>} : memref<16xi32, #tpu.memory_space<vmem>>, vector<16xi32>,
      %xor3A_431 = arith.constant 4 : i32
      %xor3A_432 = vector.broadcast %xor3A_431 : i32 to vector<16xi32>
      %xor3A_433 = arith.xori %iota3A, %xor3A_432 : vector<16xi32>
      %gather3A_434 = tpu.vector_load_idx %arg9[%xor3A_433] : memref<16xf32, #tpu.memory_space<vmem>>[vector<16xi32>], vector<16xf32>,
      %xor3A_435 = arith.constant 4 : i32
      %xor3A_436 = vector.broadcast %xor3A_435 : i32 to vector<16xi32>
      %xor3A_437 = arith.xori %iota3A, %xor3A_436 : vector<16xi32>
      %gather3A_438 = tpu.vector_load_idx %arg10[%xor3A_437] : memref<16xi32, #tpu.memory_space<vmem>>[vector<16xi32>], vector<16xi32>,
      %gt3A_439 = arith.cmpf ogt, %gather3A_434, %select_n3A_425 : vector<16xf32>
      %eq3A_440 = arith.cmpf oeq, %gather3A_434, %select_n3A_425 : vector<16xf32>
      %lt3A_441 = arith.cmpi slt, %gather3A_438, %select_n3A_426 : vector<16xi32>
      %and3A_442 = arith.andi %eq3A_440, %lt3A_441 : vector<16xi1>
      %or3A_443 = arith.ori %gt3A_439, %and3A_442 : vector<16xi1>
      %select_n3A_444 = arith.select %or3A_443, %gather3A_434, %select_n3A_425 : vector<16xi1>, vector<16xf32>
      %select_n3A_445 = arith.select %or3A_443, %gather3A_438, %select_n3A_426 : vector<16xi1>, vector<16xi32>
      %swap3A_446 = arith.constant 0 : index
      %swap3A_447 = tpu.vector_load %arg9[%swap3A_446] {strides = array<i32>} : memref<16xf32, #tpu.memory_space<vmem>>, vector<16xf32>,
      tpu.vector_store %arg9[%swap3A_446], %select_n3A_444 {strides = array<i32>} : memref<16xf32, #tpu.memory_space<vmem>>, vector<16xf32>,
      %swap3A_448 = arith.constant 0 : index
      %swap3A_449 = tpu.vector_load %arg10[%swap3A_448] {strides = array<i32>} : memref<16xi32, #tpu.memory_space<vmem>>, vector<16xi32>,
      tpu.vector_store %arg10[%swap3A_448], %select_n3A_445 {strides = array<i32>} : memref<16xi32, #tpu.memory_space<vmem>>, vector<16xi32>,
      %xor3A_450 = arith.constant 2 : i32
      %xor3A_451 = vector.broadcast %xor3A_450 : i32 to vector<16xi32>
      %xor3A_452 = arith.xori %iota3A, %xor3A_451 : vector<16xi32>
      %gather3A_453 = tpu.vector_load_idx %arg9[%xor3A_452] : memref<16xf32, #tpu.memory_space<vmem>>[vector<16xi32>], vector<16xf32>,
      %xor3A_454 = arith.constant 2 : i32
      %xor3A_455 = vector.broadcast %xor3A_454 : i32 to vector<16xi32>
      %xor3A_456 = arith.xori %iota3A, %xor3A_455 : vector<16xi32>
      %gather3A_457 = tpu.vector_load_idx %arg10[%xor3A_456] : memref<16xi32, #tpu.memory_space<vmem>>[vector<16xi32>], vector<16xi32>,
      %gt3A_458 = arith.cmpf ogt, %gather3A_453, %select_n3A_444 : vector<16xf32>
      %eq3A_459 = arith.cmpf oeq, %gather3A_453, %select_n3A_444 : vector<16xf32>
      %lt3A_460 = arith.cmpi slt, %gather3A_457, %select_n3A_445 : vector<16xi32>
      %and3A_461 = arith.andi %eq3A_459, %lt3A_460 : vector<16xi1>
      %or3A_462 = arith.ori %gt3A_458, %and3A_461 : vector<16xi1>
      %select_n3A_463 = arith.select %or3A_462, %gather3A_453, %select_n3A_444 : vector<16xi1>, vector<16xf32>
      %select_n3A_464 = arith.select %or3A_462, %gather3A_457, %select_n3A_445 : vector<16xi1>, vector<16xi32>
      %swap3A_465 = arith.constant 0 : index
      %swap3A_466 = tpu.vector_load %arg9[%swap3A_465] {strides = array<i32>} : memref<16xf32, #tpu.memory_space<vmem>>, vector<16xf32>,
      tpu.vector_store %arg9[%swap3A_465], %select_n3A_463 {strides = array<i32>} : memref<16xf32, #tpu.memory_space<vmem>>, vector<16xf32>,
      %swap3A_467 = arith.constant 0 : index
      %swap3A_468 = tpu.vector_load %arg10[%swap3A_467] {strides = array<i32>} : memref<16xi32, #tpu.memory_space<vmem>>, vector<16xi32>,
      tpu.vector_store %arg10[%swap3A_467], %select_n3A_464 {strides = array<i32>} : memref<16xi32, #tpu.memory_space<vmem>>, vector<16xi32>,
      %xor3A_469 = arith.constant 1 : i32
      %xor3A_470 = vector.broadcast %xor3A_469 : i32 to vector<16xi32>
      %xor3A_471 = arith.xori %iota3A, %xor3A_470 : vector<16xi32>
      %gather3A_472 = tpu.vector_load_idx %arg9[%xor3A_471] : memref<16xf32, #tpu.memory_space<vmem>>[vector<16xi32>], vector<16xf32>,
      %xor3A_473 = arith.constant 1 : i32
      %xor3A_474 = vector.broadcast %xor3A_473 : i32 to vector<16xi32>
      %xor3A_475 = arith.xori %iota3A, %xor3A_474 : vector<16xi32>
      %gather3A_476 = tpu.vector_load_idx %arg10[%xor3A_475] : memref<16xi32, #tpu.memory_space<vmem>>[vector<16xi32>], vector<16xi32>,
      %gt3A_477 = arith.cmpf ogt, %gather3A_472, %select_n3A_463 : vector<16xf32>
      %eq3A_478 = arith.cmpf oeq, %gather3A_472, %select_n3A_463 : vector<16xf32>
      %lt3A_479 = arith.cmpi slt, %gather3A_476, %select_n3A_464 : vector<16xi32>
      %and3A_480 = arith.andi %eq3A_478, %lt3A_479 : vector<16xi1>
      %or3A_481 = arith.ori %gt3A_477, %and3A_480 : vector<16xi1>
      %select_n3A_482 = arith.select %or3A_481, %gather3A_472, %select_n3A_463 : vector<16xi1>, vector<16xf32>
      %select_n3A_483 = arith.select %or3A_481, %gather3A_476, %select_n3A_464 : vector<16xi1>, vector<16xi32>
      %add3A_484 = arith.constant 0 : i32
      %add3A_485 = arith.addi %add3A_484, %scan3A_404 : i32
      %eq3A_486 = vector.broadcast %add3A_485 : i32 to vector<16xi32>
      %eq3A_487 = arith.cmpi eq, %iota3A, %eq3A_486 : vector<16xi32>
      %select_n3A_488 = arith.select %eq3A_487, %select_n3A_483, %scan3A_407 : vector<16xi1>, vector<16xi32>
      %broadcast_in_dim3A_489 = arith.constant 0xFF800000 : f32
      %broadcast_in_dim3A_490 = vector.broadcast %broadcast_in_dim3A_489 : f32 to vector<16xf32>
      %eq3A_491 = arith.constant 0 : i32
      %eq3A_492 = vector.broadcast %eq3A_491 : i32 to vector<16xi32>
      %eq3A_493 = arith.cmpi eq, %iota3A, %eq3A_492 : vector<16xi32>
      tpu.vector_store_idx %arg8[%select_n3A_483], %broadcast_in_dim3A_490 masked %eq3A_493 : memref<8192xf32, #tpu.memory_space<vmem>>[vector<16xi32>], vector<16xf32>, vector<16xi1>
      %and3A_494 = arith.constant 15 : i32
      %and3A_495 = vector.broadcast %and3A_494 : i32 to vector<16xi32>
      %and3A_496 = arith.andi %select_n3A_483, %and3A_495 : vector<16xi32>
      %mul3A_497 = arith.constant 16 : i32
      %mul3A_498 = vector.broadcast %mul3A_497 : i32 to vector<16xi32>
      %mul3A_499 = arith.muli %mul3A_498, %iota3A : vector<16xi32>
      %add3A_500 = arith.addi %and3A_496, %mul3A_499 : vector<16xi32>
      %broadcast_in_dim3A_501 = arith.constant 0xFF800000 : f32
      %broadcast_in_dim3A_502 = vector.broadcast %broadcast_in_dim3A_501 : f32 to vector<16xf32>
      %broadcast_in_dim3A_503 = arith.constant 0 : i32
      %broadcast_in_dim3A_504 = vector.broadcast %broadcast_in_dim3A_503 : i32 to vector<16xi32>
      %broadcast_in_dim3A_505 = arith.constant 0xFF800000 : f32
      %broadcast_in_dim3A_506 = vector.broadcast %broadcast_in_dim3A_505 : f32 to vector<16xf32>
      %broadcast_in_dim3A_507 = arith.constant 0 : i32
      %broadcast_in_dim3A_508 = vector.broadcast %broadcast_in_dim3A_507 : i32 to vector<16xi32>
      %broadcast_in_dim3A_509 = arith.constant 0xFF800000 : f32
      %broadcast_in_dim3A_510 = vector.broadcast %broadcast_in_dim3A_509 : f32 to vector<16xf32>
      %broadcast_in_dim3A_511 = arith.constant 0 : i32
      %broadcast_in_dim3A_512 = vector.broadcast %broadcast_in_dim3A_511 : i32 to vector<16xi32>
      %broadcast_in_dim3A_513 = arith.constant 0xFF800000 : f32
      %broadcast_in_dim3A_514 = vector.broadcast %broadcast_in_dim3A_513 : f32 to vector<16xf32>
      %broadcast_in_dim3A_515 = arith.constant 0 : i32
      %broadcast_in_dim3A_516 = vector.broadcast %broadcast_in_dim3A_515 : i32 to vector<16xi32>
      %add3A_517 = arith.constant 0 : i32
      %add3A_518 = vector.broadcast %add3A_517 : i32 to vector<16xi32>
      %add3A_519 = arith.addi %add3A_500, %add3A_518 : vector<16xi32>
      %gather3A_520 = tpu.vector_load_idx %arg8[%add3A_519] : memref<8192xf32, #tpu.memory_space<vmem>>[vector<16xi32>], vector<16xf32>,
      %gt3A_521 = arith.cmpf ogt, %gather3A_520, %broadcast_in_dim3A_502 : vector<16xf32>
      %max3A = arith.maximumf %broadcast_in_dim3A_502, %gather3A_520 : vector<16xf32>
      %select_n3A_522 = arith.select %gt3A_521, %add3A_519, %broadcast_in_dim3A_504 : vector<16xi1>, vector<16xi32>
      %add3A_523 = arith.constant 256 : i32
      %add3A_524 = vector.broadcast %add3A_523 : i32 to vector<16xi32>
      %add3A_525 = arith.addi %add3A_500, %add3A_524 : vector<16xi32>
      %gather3A_526 = tpu.vector_load_idx %arg8[%add3A_525] : memref<8192xf32, #tpu.memory_space<vmem>>[vector<16xi32>], vector<16xf32>,
      %gt3A_527 = arith.cmpf ogt, %gather3A_526, %broadcast_in_dim3A_506 : vector<16xf32>
      %max3A_528 = arith.maximumf %broadcast_in_dim3A_506, %gather3A_526 : vector<16xf32>
      %select_n3A_529 = arith.select %gt3A_527, %add3A_525, %broadcast_in_dim3A_508 : vector<16xi1>, vector<16xi32>
      %add3A_530 = arith.constant 512 : i32
      %add3A_531 = vector.broadcast %add3A_530 : i32 to vector<16xi32>
      %add3A_532 = arith.addi %add3A_500, %add3A_531 : vector<16xi32>
      %gather3A_533 = tpu.vector_load_idx %arg8[%add3A_532] : memref<8192xf32, #tpu.memory_space<vmem>>[vector<16xi32>], vector<16xf32>,
      %gt3A_534 = arith.cmpf ogt, %gather3A_533, %broadcast_in_dim3A_510 : vector<16xf32>
      %max3A_535 = arith.maximumf %broadcast_in_dim3A_510, %gather3A_533 : vector<16xf32>
      %select_n3A_536 = arith.select %gt3A_534, %add3A_532, %broadcast_in_dim3A_512 : vector<16xi1>, vector<16xi32>
      %add3A_537 = arith.constant 768 : i32
      %add3A_538 = vector.broadcast %add3A_537 : i32 to vector<16xi32>
      %add3A_539 = arith.addi %add3A_500, %add3A_538 : vector<16xi32>
      %gather3A_540 = tpu.vector_load_idx %arg8[%add3A_539] : memref<8192xf32, #tpu.memory_space<vmem>>[vector<16xi32>], vector<16xf32>,
      %gt3A_541 = arith.cmpf ogt, %gather3A_540, %broadcast_in_dim3A_514 : vector<16xf32>
      %max3A_542 = arith.maximumf %broadcast_in_dim3A_514, %gather3A_540 : vector<16xf32>
      %select_n3A_543 = arith.select %gt3A_541, %add3A_539, %broadcast_in_dim3A_516 : vector<16xi1>, vector<16xi32>
      %add3A_544 = arith.constant 1024 : i32
      %add3A_545 = vector.broadcast %add3A_544 : i32 to vector<16xi32>
      %add3A_546 = arith.addi %add3A_500, %add3A_545 : vector<16xi32>
      %gather3A_547 = tpu.vector_load_idx %arg8[%add3A_546] : memref<8192xf32, #tpu.memory_space<vmem>>[vector<16xi32>], vector<16xf32>,
      %gt3A_548 = arith.cmpf ogt, %gather3A_547, %max3A : vector<16xf32>
      %max3A_549 = arith.maximumf %max3A, %gather3A_547 : vector<16xf32>
      %select_n3A_550 = arith.select %gt3A_548, %add3A_546, %select_n3A_522 : vector<16xi1>, vector<16xi32>
      %add3A_551 = arith.constant 1280 : i32
      %add3A_552 = vector.broadcast %add3A_551 : i32 to vector<16xi32>
      %add3A_553 = arith.addi %add3A_500, %add3A_552 : vector<16xi32>
      %gather3A_554 = tpu.vector_load_idx %arg8[%add3A_553] : memref<8192xf32, #tpu.memory_space<vmem>>[vector<16xi32>], vector<16xf32>,
      %gt3A_555 = arith.cmpf ogt, %gather3A_554, %max3A_528 : vector<16xf32>
      %max3A_556 = arith.maximumf %max3A_528, %gather3A_554 : vector<16xf32>
      %select_n3A_557 = arith.select %gt3A_555, %add3A_553, %select_n3A_529 : vector<16xi1>, vector<16xi32>
      %add3A_558 = arith.constant 1536 : i32
      %add3A_559 = vector.broadcast %add3A_558 : i32 to vector<16xi32>
      %add3A_560 = arith.addi %add3A_500, %add3A_559 : vector<16xi32>
      %gather3A_561 = tpu.vector_load_idx %arg8[%add3A_560] : memref<8192xf32, #tpu.memory_space<vmem>>[vector<16xi32>], vector<16xf32>,
      %gt3A_562 = arith.cmpf ogt, %gather3A_561, %max3A_535 : vector<16xf32>
      %max3A_563 = arith.maximumf %max3A_535, %gather3A_561 : vector<16xf32>
      %select_n3A_564 = arith.select %gt3A_562, %add3A_560, %select_n3A_536 : vector<16xi1>, vector<16xi32>
      %add3A_565 = arith.constant 1792 : i32
      %add3A_566 = vector.broadcast %add3A_565 : i32 to vector<16xi32>
      %add3A_567 = arith.addi %add3A_500, %add3A_566 : vector<16xi32>
      %gather3A_568 = tpu.vector_load_idx %arg8[%add3A_567] : memref<8192xf32, #tpu.memory_space<vmem>>[vector<16xi32>], vector<16xf32>,
      %gt3A_569 = arith.cmpf ogt, %gather3A_568, %max3A_542 : vector<16xf32>
      %max3A_570 = arith.maximumf %max3A_542, %gather3A_568 : vector<16xf32>
      %select_n3A_571 = arith.select %gt3A_569, %add3A_567, %select_n3A_543 : vector<16xi1>, vector<16xi32>
      %add3A_572 = arith.constant 2048 : i32
      %add3A_573 = vector.broadcast %add3A_572 : i32 to vector<16xi32>
      %add3A_574 = arith.addi %add3A_500, %add3A_573 : vector<16xi32>
      %gather3A_575 = tpu.vector_load_idx %arg8[%add3A_574] : memref<8192xf32, #tpu.memory_space<vmem>>[vector<16xi32>], vector<16xf32>,
      %gt3A_576 = arith.cmpf ogt, %gather3A_575, %max3A_549 : vector<16xf32>
      %max3A_577 = arith.maximumf %max3A_549, %gather3A_575 : vector<16xf32>
      %select_n3A_578 = arith.select %gt3A_576, %add3A_574, %select_n3A_550 : vector<16xi1>, vector<16xi32>
      %add3A_579 = arith.constant 2304 : i32
      %add3A_580 = vector.broadcast %add3A_579 : i32 to vector<16xi32>
      %add3A_581 = arith.addi %add3A_500, %add3A_580 : vector<16xi32>
      %gather3A_582 = tpu.vector_load_idx %arg8[%add3A_581] : memref<8192xf32, #tpu.memory_space<vmem>>[vector<16xi32>], vector<16xf32>,
      %gt3A_583 = arith.cmpf ogt, %gather3A_582, %max3A_556 : vector<16xf32>
      %max3A_584 = arith.maximumf %max3A_556, %gather3A_582 : vector<16xf32>
      %select_n3A_585 = arith.select %gt3A_583, %add3A_581, %select_n3A_557 : vector<16xi1>, vector<16xi32>
      %add3A_586 = arith.constant 2560 : i32
      %add3A_587 = vector.broadcast %add3A_586 : i32 to vector<16xi32>
      %add3A_588 = arith.addi %add3A_500, %add3A_587 : vector<16xi32>
      %gather3A_589 = tpu.vector_load_idx %arg8[%add3A_588] : memref<8192xf32, #tpu.memory_space<vmem>>[vector<16xi32>], vector<16xf32>,
      %gt3A_590 = arith.cmpf ogt, %gather3A_589, %max3A_563 : vector<16xf32>
      %max3A_591 = arith.maximumf %max3A_563, %gather3A_589 : vector<16xf32>
      %select_n3A_592 = arith.select %gt3A_590, %add3A_588, %select_n3A_564 : vector<16xi1>, vector<16xi32>
      %add3A_593 = arith.constant 2816 : i32
      %add3A_594 = vector.broadcast %add3A_593 : i32 to vector<16xi32>
      %add3A_595 = arith.addi %add3A_500, %add3A_594 : vector<16xi32>
      %gather3A_596 = tpu.vector_load_idx %arg8[%add3A_595] : memref<8192xf32, #tpu.memory_space<vmem>>[vector<16xi32>], vector<16xf32>,
      %gt3A_597 = arith.cmpf ogt, %gather3A_596, %max3A_570 : vector<16xf32>
      %max3A_598 = arith.maximumf %max3A_570, %gather3A_596 : vector<16xf32>
      %select_n3A_599 = arith.select %gt3A_597, %add3A_595, %select_n3A_571 : vector<16xi1>, vector<16xi32>
      %add3A_600 = arith.constant 3072 : i32
      %add3A_601 = vector.broadcast %add3A_600 : i32 to vector<16xi32>
      %add3A_602 = arith.addi %add3A_500, %add3A_601 : vector<16xi32>
      %gather3A_603 = tpu.vector_load_idx %arg8[%add3A_602] : memref<8192xf32, #tpu.memory_space<vmem>>[vector<16xi32>], vector<16xf32>,
      %gt3A_604 = arith.cmpf ogt, %gather3A_603, %max3A_577 : vector<16xf32>
      %max3A_605 = arith.maximumf %max3A_577, %gather3A_603 : vector<16xf32>
      %select_n3A_606 = arith.select %gt3A_604, %add3A_602, %select_n3A_578 : vector<16xi1>, vector<16xi32>
      %add3A_607 = arith.constant 3328 : i32
      %add3A_608 = vector.broadcast %add3A_607 : i32 to vector<16xi32>
      %add3A_609 = arith.addi %add3A_500, %add3A_608 : vector<16xi32>
      %gather3A_610 = tpu.vector_load_idx %arg8[%add3A_609] : memref<8192xf32, #tpu.memory_space<vmem>>[vector<16xi32>], vector<16xf32>,
      %gt3A_611 = arith.cmpf ogt, %gather3A_610, %max3A_584 : vector<16xf32>
      %max3A_612 = arith.maximumf %max3A_584, %gather3A_610 : vector<16xf32>
      %select_n3A_613 = arith.select %gt3A_611, %add3A_609, %select_n3A_585 : vector<16xi1>, vector<16xi32>
      %add3A_614 = arith.constant 3584 : i32
      %add3A_615 = vector.broadcast %add3A_614 : i32 to vector<16xi32>
      %add3A_616 = arith.addi %add3A_500, %add3A_615 : vector<16xi32>
      %gather3A_617 = tpu.vector_load_idx %arg8[%add3A_616] : memref<8192xf32, #tpu.memory_space<vmem>>[vector<16xi32>], vector<16xf32>,
      %gt3A_618 = arith.cmpf ogt, %gather3A_617, %max3A_591 : vector<16xf32>
      %max3A_619 = arith.maximumf %max3A_591, %gather3A_617 : vector<16xf32>
      %select_n3A_620 = arith.select %gt3A_618, %add3A_616, %select_n3A_592 : vector<16xi1>, vector<16xi32>
      %add3A_621 = arith.constant 3840 : i32
      %add3A_622 = vector.broadcast %add3A_621 : i32 to vector<16xi32>
      %add3A_623 = arith.addi %add3A_500, %add3A_622 : vector<16xi32>
      %gather3A_624 = tpu.vector_load_idx %arg8[%add3A_623] : memref<8192xf32, #tpu.memory_space<vmem>>[vector<16xi32>], vector<16xf32>,
      %gt3A_625 = arith.cmpf ogt, %gather3A_624, %max3A_598 : vector<16xf32>
      %max3A_626 = arith.maximumf %max3A_598, %gather3A_624 : vector<16xf32>
      %select_n3A_627 = arith.select %gt3A_625, %add3A_623, %select_n3A_599 : vector<16xi1>, vector<16xi32>
      %add3A_628 = arith.constant 4096 : i32
      %add3A_629 = vector.broadcast %add3A_628 : i32 to vector<16xi32>
      %add3A_630 = arith.addi %add3A_500, %add3A_629 : vector<16xi32>
      %gather3A_631 = tpu.vector_load_idx %arg8[%add3A_630] : memref<8192xf32, #tpu.memory_space<vmem>>[vector<16xi32>], vector<16xf32>,
      %gt3A_632 = arith.cmpf ogt, %gather3A_631, %max3A_605 : vector<16xf32>
      %max3A_633 = arith.maximumf %max3A_605, %gather3A_631 : vector<16xf32>
      %select_n3A_634 = arith.select %gt3A_632, %add3A_630, %select_n3A_606 : vector<16xi1>, vector<16xi32>
      %add3A_635 = arith.constant 4352 : i32
      %add3A_636 = vector.broadcast %add3A_635 : i32 to vector<16xi32>
      %add3A_637 = arith.addi %add3A_500, %add3A_636 : vector<16xi32>
      %gather3A_638 = tpu.vector_load_idx %arg8[%add3A_637] : memref<8192xf32, #tpu.memory_space<vmem>>[vector<16xi32>], vector<16xf32>,
      %gt3A_639 = arith.cmpf ogt, %gather3A_638, %max3A_612 : vector<16xf32>
      %max3A_640 = arith.maximumf %max3A_612, %gather3A_638 : vector<16xf32>
      %select_n3A_641 = arith.select %gt3A_639, %add3A_637, %select_n3A_613 : vector<16xi1>, vector<16xi32>
      %add3A_642 = arith.constant 4608 : i32
      %add3A_643 = vector.broadcast %add3A_642 : i32 to vector<16xi32>
      %add3A_644 = arith.addi %add3A_500, %add3A_643 : vector<16xi32>
      %gather3A_645 = tpu.vector_load_idx %arg8[%add3A_644] : memref<8192xf32, #tpu.memory_space<vmem>>[vector<16xi32>], vector<16xf32>,
      %gt3A_646 = arith.cmpf ogt, %gather3A_645, %max3A_619 : vector<16xf32>
      %max3A_647 = arith.maximumf %max3A_619, %gather3A_645 : vector<16xf32>
      %select_n3A_648 = arith.select %gt3A_646, %add3A_644, %select_n3A_620 : vector<16xi1>, vector<16xi32>
      %add3A_649 = arith.constant 4864 : i32
      %add3A_650 = vector.broadcast %add3A_649 : i32 to vector<16xi32>
      %add3A_651 = arith.addi %add3A_500, %add3A_650 : vector<16xi32>
      %gather3A_652 = tpu.vector_load_idx %arg8[%add3A_651] : memref<8192xf32, #tpu.memory_space<vmem>>[vector<16xi32>], vector<16xf32>,
      %gt3A_653 = arith.cmpf ogt, %gather3A_652, %max3A_626 : vector<16xf32>
      %max3A_654 = arith.maximumf %max3A_626, %gather3A_652 : vector<16xf32>
      %select_n3A_655 = arith.select %gt3A_653, %add3A_651, %select_n3A_627 : vector<16xi1>, vector<16xi32>
      %add3A_656 = arith.constant 5120 : i32
      %add3A_657 = vector.broadcast %add3A_656 : i32 to vector<16xi32>
      %add3A_658 = arith.addi %add3A_500, %add3A_657 : vector<16xi32>
      %gather3A_659 = tpu.vector_load_idx %arg8[%add3A_658] : memref<8192xf32, #tpu.memory_space<vmem>>[vector<16xi32>], vector<16xf32>,
      %gt3A_660 = arith.cmpf ogt, %gather3A_659, %max3A_633 : vector<16xf32>
      %max3A_661 = arith.maximumf %max3A_633, %gather3A_659 : vector<16xf32>
      %select_n3A_662 = arith.select %gt3A_660, %add3A_658, %select_n3A_634 : vector<16xi1>, vector<16xi32>
      %add3A_663 = arith.constant 5376 : i32
      %add3A_664 = vector.broadcast %add3A_663 : i32 to vector<16xi32>
      %add3A_665 = arith.addi %add3A_500, %add3A_664 : vector<16xi32>
      %gather3A_666 = tpu.vector_load_idx %arg8[%add3A_665] : memref<8192xf32, #tpu.memory_space<vmem>>[vector<16xi32>], vector<16xf32>,
      %gt3A_667 = arith.cmpf ogt, %gather3A_666, %max3A_640 : vector<16xf32>
      %max3A_668 = arith.maximumf %max3A_640, %gather3A_666 : vector<16xf32>
      %select_n3A_669 = arith.select %gt3A_667, %add3A_665, %select_n3A_641 : vector<16xi1>, vector<16xi32>
      %add3A_670 = arith.constant 5632 : i32
      %add3A_671 = vector.broadcast %add3A_670 : i32 to vector<16xi32>
      %add3A_672 = arith.addi %add3A_500, %add3A_671 : vector<16xi32>
      %gather3A_673 = tpu.vector_load_idx %arg8[%add3A_672] : memref<8192xf32, #tpu.memory_space<vmem>>[vector<16xi32>], vector<16xf32>,
      %gt3A_674 = arith.cmpf ogt, %gather3A_673, %max3A_647 : vector<16xf32>
      %max3A_675 = arith.maximumf %max3A_647, %gather3A_673 : vector<16xf32>
      %select_n3A_676 = arith.select %gt3A_674, %add3A_672, %select_n3A_648 : vector<16xi1>, vector<16xi32>
      %add3A_677 = arith.constant 5888 : i32
      %add3A_678 = vector.broadcast %add3A_677 : i32 to vector<16xi32>
      %add3A_679 = arith.addi %add3A_500, %add3A_678 : vector<16xi32>
      %gather3A_680 = tpu.vector_load_idx %arg8[%add3A_679] : memref<8192xf32, #tpu.memory_space<vmem>>[vector<16xi32>], vector<16xf32>,
      %gt3A_681 = arith.cmpf ogt, %gather3A_680, %max3A_654 : vector<16xf32>
      %max3A_682 = arith.maximumf %max3A_654, %gather3A_680 : vector<16xf32>
      %select_n3A_683 = arith.select %gt3A_681, %add3A_679, %select_n3A_655 : vector<16xi1>, vector<16xi32>
      %add3A_684 = arith.constant 6144 : i32
      %add3A_685 = vector.broadcast %add3A_684 : i32 to vector<16xi32>
      %add3A_686 = arith.addi %add3A_500, %add3A_685 : vector<16xi32>
      %gather3A_687 = tpu.vector_load_idx %arg8[%add3A_686] : memref<8192xf32, #tpu.memory_space<vmem>>[vector<16xi32>], vector<16xf32>,
      %gt3A_688 = arith.cmpf ogt, %gather3A_687, %max3A_661 : vector<16xf32>
      %max3A_689 = arith.maximumf %max3A_661, %gather3A_687 : vector<16xf32>
      %select_n3A_690 = arith.select %gt3A_688, %add3A_686, %select_n3A_662 : vector<16xi1>, vector<16xi32>
      %add3A_691 = arith.constant 6400 : i32
      %add3A_692 = vector.broadcast %add3A_691 : i32 to vector<16xi32>
      %add3A_693 = arith.addi %add3A_500, %add3A_692 : vector<16xi32>
      %gather3A_694 = tpu.vector_load_idx %arg8[%add3A_693] : memref<8192xf32, #tpu.memory_space<vmem>>[vector<16xi32>], vector<16xf32>,
      %gt3A_695 = arith.cmpf ogt, %gather3A_694, %max3A_668 : vector<16xf32>
      %max3A_696 = arith.maximumf %max3A_668, %gather3A_694 : vector<16xf32>
      %select_n3A_697 = arith.select %gt3A_695, %add3A_693, %select_n3A_669 : vector<16xi1>, vector<16xi32>
      %add3A_698 = arith.constant 6656 : i32
      %add3A_699 = vector.broadcast %add3A_698 : i32 to vector<16xi32>
      %add3A_700 = arith.addi %add3A_500, %add3A_699 : vector<16xi32>
      %gather3A_701 = tpu.vector_load_idx %arg8[%add3A_700] : memref<8192xf32, #tpu.memory_space<vmem>>[vector<16xi32>], vector<16xf32>,
      %gt3A_702 = arith.cmpf ogt, %gather3A_701, %max3A_675 : vector<16xf32>
      %max3A_703 = arith.maximumf %max3A_675, %gather3A_701 : vector<16xf32>
      %select_n3A_704 = arith.select %gt3A_702, %add3A_700, %select_n3A_676 : vector<16xi1>, vector<16xi32>
      %add3A_705 = arith.constant 6912 : i32
      %add3A_706 = vector.broadcast %add3A_705 : i32 to vector<16xi32>
      %add3A_707 = arith.addi %add3A_500, %add3A_706 : vector<16xi32>
      %gather3A_708 = tpu.vector_load_idx %arg8[%add3A_707] : memref<8192xf32, #tpu.memory_space<vmem>>[vector<16xi32>], vector<16xf32>,
      %gt3A_709 = arith.cmpf ogt, %gather3A_708, %max3A_682 : vector<16xf32>
      %max3A_710 = arith.maximumf %max3A_682, %gather3A_708 : vector<16xf32>
      %select_n3A_711 = arith.select %gt3A_709, %add3A_707, %select_n3A_683 : vector<16xi1>, vector<16xi32>
      %add3A_712 = arith.constant 7168 : i32
      %add3A_713 = vector.broadcast %add3A_712 : i32 to vector<16xi32>
      %add3A_714 = arith.addi %add3A_500, %add3A_713 : vector<16xi32>
      %gather3A_715 = tpu.vector_load_idx %arg8[%add3A_714] : memref<8192xf32, #tpu.memory_space<vmem>>[vector<16xi32>], vector<16xf32>,
      %gt3A_716 = arith.cmpf ogt, %gather3A_715, %max3A_689 : vector<16xf32>
      %max3A_717 = arith.maximumf %max3A_689, %gather3A_715 : vector<16xf32>
      %select_n3A_718 = arith.select %gt3A_716, %add3A_714, %select_n3A_690 : vector<16xi1>, vector<16xi32>
      %add3A_719 = arith.constant 7424 : i32
      %add3A_720 = vector.broadcast %add3A_719 : i32 to vector<16xi32>
      %add3A_721 = arith.addi %add3A_500, %add3A_720 : vector<16xi32>
      %gather3A_722 = tpu.vector_load_idx %arg8[%add3A_721] : memref<8192xf32, #tpu.memory_space<vmem>>[vector<16xi32>], vector<16xf32>,
      %gt3A_723 = arith.cmpf ogt, %gather3A_722, %max3A_696 : vector<16xf32>
      %max3A_724 = arith.maximumf %max3A_696, %gather3A_722 : vector<16xf32>
      %select_n3A_725 = arith.select %gt3A_723, %add3A_721, %select_n3A_697 : vector<16xi1>, vector<16xi32>
      %add3A_726 = arith.constant 7680 : i32
      %add3A_727 = vector.broadcast %add3A_726 : i32 to vector<16xi32>
      %add3A_728 = arith.addi %add3A_500, %add3A_727 : vector<16xi32>
      %gather3A_729 = tpu.vector_load_idx %arg8[%add3A_728] : memref<8192xf32, #tpu.memory_space<vmem>>[vector<16xi32>], vector<16xf32>,
      %gt3A_730 = arith.cmpf ogt, %gather3A_729, %max3A_703 : vector<16xf32>
      %max3A_731 = arith.maximumf %max3A_703, %gather3A_729 : vector<16xf32>
      %select_n3A_732 = arith.select %gt3A_730, %add3A_728, %select_n3A_704 : vector<16xi1>, vector<16xi32>
      %add3A_733 = arith.constant 7936 : i32
      %add3A_734 = vector.broadcast %add3A_733 : i32 to vector<16xi32>
      %add3A_735 = arith.addi %add3A_500, %add3A_734 : vector<16xi32>
      %gather3A_736 = tpu.vector_load_idx %arg8[%add3A_735] : memref<8192xf32, #tpu.memory_space<vmem>>[vector<16xi32>], vector<16xf32>,
      %gt3A_737 = arith.cmpf ogt, %gather3A_736, %max3A_710 : vector<16xf32>
      %max3A_738 = arith.maximumf %max3A_710, %gather3A_736 : vector<16xf32>
      %select_n3A_739 = arith.select %gt3A_737, %add3A_735, %select_n3A_711 : vector<16xi1>, vector<16xi32>
      %gt3A_740 = arith.cmpf ogt, %max3A_724, %max3A_717 : vector<16xf32>
      %eq3A_741 = arith.cmpf oeq, %max3A_724, %max3A_717 : vector<16xf32>
      %lt3A_742 = arith.cmpi slt, %select_n3A_725, %select_n3A_718 : vector<16xi32>
      %and3A_743 = arith.andi %eq3A_741, %lt3A_742 : vector<16xi1>
      %or3A_744 = arith.ori %gt3A_740, %and3A_743 : vector<16xi1>
      %select_n3A_745 = arith.select %or3A_744, %max3A_724, %max3A_717 : vector<16xi1>, vector<16xf32>
      %select_n3A_746 = arith.select %or3A_744, %select_n3A_725, %select_n3A_718 : vector<16xi1>, vector<16xi32>
      %gt3A_747 = arith.cmpf ogt, %max3A_731, %select_n3A_745 : vector<16xf32>
      %eq3A_748 = arith.cmpf oeq, %max3A_731, %select_n3A_745 : vector<16xf32>
      %lt3A_749 = arith.cmpi slt, %select_n3A_732, %select_n3A_746 : vector<16xi32>
      %and3A_750 = arith.andi %eq3A_748, %lt3A_749 : vector<16xi1>
      %or3A_751 = arith.ori %gt3A_747, %and3A_750 : vector<16xi1>
      %select_n3A_752 = arith.select %or3A_751, %max3A_731, %select_n3A_745 : vector<16xi1>, vector<16xf32>
      %select_n3A_753 = arith.select %or3A_751, %select_n3A_732, %select_n3A_746 : vector<16xi1>, vector<16xi32>
      %gt3A_754 = arith.cmpf ogt, %max3A_738, %select_n3A_752 : vector<16xf32>
      %eq3A_755 = arith.cmpf oeq, %max3A_738, %select_n3A_752 : vector<16xf32>
      %lt3A_756 = arith.cmpi slt, %select_n3A_739, %select_n3A_753 : vector<16xi32>
      %and3A_757 = arith.andi %eq3A_755, %lt3A_756 : vector<16xi1>
      %or3A_758 = arith.ori %gt3A_754, %and3A_757 : vector<16xi1>
      %select_n3A_759 = arith.select %or3A_758, %max3A_738, %select_n3A_752 : vector<16xi1>, vector<16xf32>
      %select_n3A_760 = arith.select %or3A_758, %select_n3A_739, %select_n3A_753 : vector<16xi1>, vector<16xi32>
      %swap3A_761 = arith.constant 0 : index
      %swap3A_762 = tpu.vector_load %arg9[%swap3A_761] {strides = array<i32>} : memref<16xf32, #tpu.memory_space<vmem>>, vector<16xf32>,
      tpu.vector_store %arg9[%swap3A_761], %select_n3A_759 {strides = array<i32>} : memref<16xf32, #tpu.memory_space<vmem>>, vector<16xf32>,
      %swap3A_763 = arith.constant 0 : index
      %swap3A_764 = tpu.vector_load %arg10[%swap3A_763] {strides = array<i32>} : memref<16xi32, #tpu.memory_space<vmem>>, vector<16xi32>,
      tpu.vector_store %arg10[%swap3A_763], %select_n3A_760 {strides = array<i32>} : memref<16xi32, #tpu.memory_space<vmem>>, vector<16xi32>,
      %xor3A_765 = arith.constant 8 : i32
      %xor3A_766 = vector.broadcast %xor3A_765 : i32 to vector<16xi32>
      %xor3A_767 = arith.xori %iota3A, %xor3A_766 : vector<16xi32>
      %gather3A_768 = tpu.vector_load_idx %arg9[%xor3A_767] : memref<16xf32, #tpu.memory_space<vmem>>[vector<16xi32>], vector<16xf32>,
      %xor3A_769 = arith.constant 8 : i32
      %xor3A_770 = vector.broadcast %xor3A_769 : i32 to vector<16xi32>
      %xor3A_771 = arith.xori %iota3A, %xor3A_770 : vector<16xi32>
      %gather3A_772 = tpu.vector_load_idx %arg10[%xor3A_771] : memref<16xi32, #tpu.memory_space<vmem>>[vector<16xi32>], vector<16xi32>,
      %gt3A_773 = arith.cmpf ogt, %gather3A_768, %select_n3A_759 : vector<16xf32>
      %eq3A_774 = arith.cmpf oeq, %gather3A_768, %select_n3A_759 : vector<16xf32>
      %lt3A_775 = arith.cmpi slt, %gather3A_772, %select_n3A_760 : vector<16xi32>
      %and3A_776 = arith.andi %eq3A_774, %lt3A_775 : vector<16xi1>
      %or3A_777 = arith.ori %gt3A_773, %and3A_776 : vector<16xi1>
      %select_n3A_778 = arith.select %or3A_777, %gather3A_768, %select_n3A_759 : vector<16xi1>, vector<16xf32>
      %select_n3A_779 = arith.select %or3A_777, %gather3A_772, %select_n3A_760 : vector<16xi1>, vector<16xi32>
      %swap3A_780 = arith.constant 0 : index
      %swap3A_781 = tpu.vector_load %arg9[%swap3A_780] {strides = array<i32>} : memref<16xf32, #tpu.memory_space<vmem>>, vector<16xf32>,
      tpu.vector_store %arg9[%swap3A_780], %select_n3A_778 {strides = array<i32>} : memref<16xf32, #tpu.memory_space<vmem>>, vector<16xf32>,
      %swap3A_782 = arith.constant 0 : index
      %swap3A_783 = tpu.vector_load %arg10[%swap3A_782] {strides = array<i32>} : memref<16xi32, #tpu.memory_space<vmem>>, vector<16xi32>,
      tpu.vector_store %arg10[%swap3A_782], %select_n3A_779 {strides = array<i32>} : memref<16xi32, #tpu.memory_space<vmem>>, vector<16xi32>,
      %xor3A_784 = arith.constant 4 : i32
      %xor3A_785 = vector.broadcast %xor3A_784 : i32 to vector<16xi32>
      %xor3A_786 = arith.xori %iota3A, %xor3A_785 : vector<16xi32>
      %gather3A_787 = tpu.vector_load_idx %arg9[%xor3A_786] : memref<16xf32, #tpu.memory_space<vmem>>[vector<16xi32>], vector<16xf32>,
      %xor3A_788 = arith.constant 4 : i32
      %xor3A_789 = vector.broadcast %xor3A_788 : i32 to vector<16xi32>
      %xor3A_790 = arith.xori %iota3A, %xor3A_789 : vector<16xi32>
      %gather3A_791 = tpu.vector_load_idx %arg10[%xor3A_790] : memref<16xi32, #tpu.memory_space<vmem>>[vector<16xi32>], vector<16xi32>,
      %gt3A_792 = arith.cmpf ogt, %gather3A_787, %select_n3A_778 : vector<16xf32>
      %eq3A_793 = arith.cmpf oeq, %gather3A_787, %select_n3A_778 : vector<16xf32>
      %lt3A_794 = arith.cmpi slt, %gather3A_791, %select_n3A_779 : vector<16xi32>
      %and3A_795 = arith.andi %eq3A_793, %lt3A_794 : vector<16xi1>
      %or3A_796 = arith.ori %gt3A_792, %and3A_795 : vector<16xi1>
      %select_n3A_797 = arith.select %or3A_796, %gather3A_787, %select_n3A_778 : vector<16xi1>, vector<16xf32>
      %select_n3A_798 = arith.select %or3A_796, %gather3A_791, %select_n3A_779 : vector<16xi1>, vector<16xi32>
      %swap3A_799 = arith.constant 0 : index
      %swap3A_800 = tpu.vector_load %arg9[%swap3A_799] {strides = array<i32>} : memref<16xf32, #tpu.memory_space<vmem>>, vector<16xf32>,
      tpu.vector_store %arg9[%swap3A_799], %select_n3A_797 {strides = array<i32>} : memref<16xf32, #tpu.memory_space<vmem>>, vector<16xf32>,
      %swap3A_801 = arith.constant 0 : index
      %swap3A_802 = tpu.vector_load %arg10[%swap3A_801] {strides = array<i32>} : memref<16xi32, #tpu.memory_space<vmem>>, vector<16xi32>,
      tpu.vector_store %arg10[%swap3A_801], %select_n3A_798 {strides = array<i32>} : memref<16xi32, #tpu.memory_space<vmem>>, vector<16xi32>,
      %xor3A_803 = arith.constant 2 : i32
      %xor3A_804 = vector.broadcast %xor3A_803 : i32 to vector<16xi32>
      %xor3A_805 = arith.xori %iota3A, %xor3A_804 : vector<16xi32>
      %gather3A_806 = tpu.vector_load_idx %arg9[%xor3A_805] : memref<16xf32, #tpu.memory_space<vmem>>[vector<16xi32>], vector<16xf32>,
      %xor3A_807 = arith.constant 2 : i32
      %xor3A_808 = vector.broadcast %xor3A_807 : i32 to vector<16xi32>
      %xor3A_809 = arith.xori %iota3A, %xor3A_808 : vector<16xi32>
      %gather3A_810 = tpu.vector_load_idx %arg10[%xor3A_809] : memref<16xi32, #tpu.memory_space<vmem>>[vector<16xi32>], vector<16xi32>,
      %gt3A_811 = arith.cmpf ogt, %gather3A_806, %select_n3A_797 : vector<16xf32>
      %eq3A_812 = arith.cmpf oeq, %gather3A_806, %select_n3A_797 : vector<16xf32>
      %lt3A_813 = arith.cmpi slt, %gather3A_810, %select_n3A_798 : vector<16xi32>
      %and3A_814 = arith.andi %eq3A_812, %lt3A_813 : vector<16xi1>
      %or3A_815 = arith.ori %gt3A_811, %and3A_814 : vector<16xi1>
      %select_n3A_816 = arith.select %or3A_815, %gather3A_806, %select_n3A_797 : vector<16xi1>, vector<16xf32>
      %select_n3A_817 = arith.select %or3A_815, %gather3A_810, %select_n3A_798 : vector<16xi1>, vector<16xi32>
      %swap3A_818 = arith.constant 0 : index
      %swap3A_819 = tpu.vector_load %arg9[%swap3A_818] {strides = array<i32>} : memref<16xf32, #tpu.memory_space<vmem>>, vector<16xf32>,
      tpu.vector_store %arg9[%swap3A_818], %select_n3A_816 {strides = array<i32>} : memref<16xf32, #tpu.memory_space<vmem>>, vector<16xf32>,
      %swap3A_820 = arith.constant 0 : index
      %swap3A_821 = tpu.vector_load %arg10[%swap3A_820] {strides = array<i32>} : memref<16xi32, #tpu.memory_space<vmem>>, vector<16xi32>,
      tpu.vector_store %arg10[%swap3A_820], %select_n3A_817 {strides = array<i32>} : memref<16xi32, #tpu.memory_space<vmem>>, vector<16xi32>,
      %xor3A_822 = arith.constant 1 : i32
      %xor3A_823 = vector.broadcast %xor3A_822 : i32 to vector<16xi32>
      %xor3A_824 = arith.xori %iota3A, %xor3A_823 : vector<16xi32>
      %gather3A_825 = tpu.vector_load_idx %arg9[%xor3A_824] : memref<16xf32, #tpu.memory_space<vmem>>[vector<16xi32>], vector<16xf32>,
      %xor3A_826 = arith.constant 1 : i32
      %xor3A_827 = vector.broadcast %xor3A_826 : i32 to vector<16xi32>
      %xor3A_828 = arith.xori %iota3A, %xor3A_827 : vector<16xi32>
      %gather3A_829 = tpu.vector_load_idx %arg10[%xor3A_828] : memref<16xi32, #tpu.memory_space<vmem>>[vector<16xi32>], vector<16xi32>,
      %gt3A_830 = arith.cmpf ogt, %gather3A_825, %select_n3A_816 : vector<16xf32>
      %eq3A_831 = arith.cmpf oeq, %gather3A_825, %select_n3A_816 : vector<16xf32>
      %lt3A_832 = arith.cmpi slt, %gather3A_829, %select_n3A_817 : vector<16xi32>
      %and3A_833 = arith.andi %eq3A_831, %lt3A_832 : vector<16xi1>
      %or3A_834 = arith.ori %gt3A_830, %and3A_833 : vector<16xi1>
      %select_n3A_835 = arith.select %or3A_834, %gather3A_825, %select_n3A_816 : vector<16xi1>, vector<16xf32>
      %select_n3A_836 = arith.select %or3A_834, %gather3A_829, %select_n3A_817 : vector<16xi1>, vector<16xi32>
      %eq3A_837 = arith.cmpi eq, %iota3A, %and3A_496 : vector<16xi32>
      %select_n3A_838 = arith.select %eq3A_837, %select_n3A_835, %scan3A_405 : vector<16xi1>, vector<16xf32>
      %eq3A_839 = arith.cmpi eq, %iota3A, %and3A_496 : vector<16xi32>
      %select_n3A_840 = arith.select %eq3A_839, %select_n3A_836, %scan3A_406 : vector<16xi1>, vector<16xi32>
      scf.yield %select_n3A_838, %select_n3A_840, %select_n3A_488 : vector<16xf32>, vector<16xi32>, vector<16xi32>
    }
    %scan3A_16 = arith.constant 10 : i32
    %swap3A = arith.constant 0 : index
    %swap3A_17 = tpu.vector_load %arg11[%swap3A] {strides = array<i32>} : memref<16xi32, #tpu.memory_space<vmem>>, vector<16xi32>,
    tpu.vector_store %arg11[%swap3A], %scan3A_15#2 {strides = array<i32>} : memref<16xi32, #tpu.memory_space<vmem>>, vector<16xi32>,
    %gather3A = tpu.vector_load_idx %arg7[%scan3A_15#2] : memref<8192xf32, #tpu.memory_space<vmem>>[vector<16xi32>], vector<16xf32>,
    %broadcast_in_dim3A_18 = arith.constant 0 : i32
    %broadcast_in_dim3A_19 = vector.broadcast %broadcast_in_dim3A_18 : i32 to vector<16xi32>
    %lt3A = arith.constant 10 : i32
    %lt3A_20 = vector.broadcast %lt3A : i32 to vector<16xi32>
    %lt3A_21 = arith.cmpi slt, %iota3A, %lt3A_20 : vector<16xi32>
    %jit3A = arith.constant 0xFF800000 : f32
    %broadcast_in_dim3A_22 = vector.broadcast %jit3A : f32 to vector<16xf32>
    %select_n3A = arith.select %lt3A_21, %gather3A, %broadcast_in_dim3A_22 : vector<16xi1>, vector<16xf32>
    %swap3A_23 = arith.constant 0 : index
    %swap3A_24 = tpu.vector_load %arg9[%swap3A_23] {strides = array<i32>} : memref<16xf32, #tpu.memory_space<vmem>>, vector<16xf32>,
    tpu.vector_store %arg9[%swap3A_23], %select_n3A {strides = array<i32>} : memref<16xf32, #tpu.memory_space<vmem>>, vector<16xf32>,
    %swap3A_25 = arith.constant 0 : index
    %swap3A_26 = tpu.vector_load %arg10[%swap3A_25] {strides = array<i32>} : memref<16xi32, #tpu.memory_space<vmem>>, vector<16xi32>,
    tpu.vector_store %arg10[%swap3A_25], %iota3A {strides = array<i32>} : memref<16xi32, #tpu.memory_space<vmem>>, vector<16xi32>,
    %xor3A = arith.constant 8 : i32
    %xor3A_27 = vector.broadcast %xor3A : i32 to vector<16xi32>
    %xor3A_28 = arith.xori %iota3A, %xor3A_27 : vector<16xi32>
    %gather3A_29 = tpu.vector_load_idx %arg9[%xor3A_28] : memref<16xf32, #tpu.memory_space<vmem>>[vector<16xi32>], vector<16xf32>,
    %xor3A_30 = arith.constant 8 : i32
    %xor3A_31 = vector.broadcast %xor3A_30 : i32 to vector<16xi32>
    %xor3A_32 = arith.xori %iota3A, %xor3A_31 : vector<16xi32>
    %gather3A_33 = tpu.vector_load_idx %arg10[%xor3A_32] : memref<16xi32, #tpu.memory_space<vmem>>[vector<16xi32>], vector<16xi32>,
    %gt3A = arith.cmpf ogt, %gather3A_29, %select_n3A : vector<16xf32>
    %eq3A = arith.cmpf oeq, %gather3A_29, %select_n3A : vector<16xf32>
    %lt3A_34 = arith.cmpi slt, %gather3A_33, %iota3A : vector<16xi32>
    %and3A = arith.andi %eq3A, %lt3A_34 : vector<16xi1>
    %or3A = arith.ori %gt3A, %and3A : vector<16xi1>
    %select_n3A_35 = arith.select %or3A, %gather3A_29, %select_n3A : vector<16xi1>, vector<16xf32>
    %select_n3A_36 = arith.select %or3A, %gather3A_33, %iota3A : vector<16xi1>, vector<16xi32>
    %swap3A_37 = arith.constant 0 : index
    %swap3A_38 = tpu.vector_load %arg9[%swap3A_37] {strides = array<i32>} : memref<16xf32, #tpu.memory_space<vmem>>, vector<16xf32>,
    tpu.vector_store %arg9[%swap3A_37], %select_n3A_35 {strides = array<i32>} : memref<16xf32, #tpu.memory_space<vmem>>, vector<16xf32>,
    %swap3A_39 = arith.constant 0 : index
    %swap3A_40 = tpu.vector_load %arg10[%swap3A_39] {strides = array<i32>} : memref<16xi32, #tpu.memory_space<vmem>>, vector<16xi32>,
    tpu.vector_store %arg10[%swap3A_39], %select_n3A_36 {strides = array<i32>} : memref<16xi32, #tpu.memory_space<vmem>>, vector<16xi32>,
    %xor3A_41 = arith.constant 4 : i32
    %xor3A_42 = vector.broadcast %xor3A_41 : i32 to vector<16xi32>
    %xor3A_43 = arith.xori %iota3A, %xor3A_42 : vector<16xi32>
    %gather3A_44 = tpu.vector_load_idx %arg9[%xor3A_43] : memref<16xf32, #tpu.memory_space<vmem>>[vector<16xi32>], vector<16xf32>,
    %xor3A_45 = arith.constant 4 : i32
    %xor3A_46 = vector.broadcast %xor3A_45 : i32 to vector<16xi32>
    %xor3A_47 = arith.xori %iota3A, %xor3A_46 : vector<16xi32>
    %gather3A_48 = tpu.vector_load_idx %arg10[%xor3A_47] : memref<16xi32, #tpu.memory_space<vmem>>[vector<16xi32>], vector<16xi32>,
    %gt3A_49 = arith.cmpf ogt, %gather3A_44, %select_n3A_35 : vector<16xf32>
    %eq3A_50 = arith.cmpf oeq, %gather3A_44, %select_n3A_35 : vector<16xf32>
    %lt3A_51 = arith.cmpi slt, %gather3A_48, %select_n3A_36 : vector<16xi32>
    %and3A_52 = arith.andi %eq3A_50, %lt3A_51 : vector<16xi1>
    %or3A_53 = arith.ori %gt3A_49, %and3A_52 : vector<16xi1>
    %select_n3A_54 = arith.select %or3A_53, %gather3A_44, %select_n3A_35 : vector<16xi1>, vector<16xf32>
    %select_n3A_55 = arith.select %or3A_53, %gather3A_48, %select_n3A_36 : vector<16xi1>, vector<16xi32>
    %swap3A_56 = arith.constant 0 : index
    %swap3A_57 = tpu.vector_load %arg9[%swap3A_56] {strides = array<i32>} : memref<16xf32, #tpu.memory_space<vmem>>, vector<16xf32>,
    tpu.vector_store %arg9[%swap3A_56], %select_n3A_54 {strides = array<i32>} : memref<16xf32, #tpu.memory_space<vmem>>, vector<16xf32>,
    %swap3A_58 = arith.constant 0 : index
    %swap3A_59 = tpu.vector_load %arg10[%swap3A_58] {strides = array<i32>} : memref<16xi32, #tpu.memory_space<vmem>>, vector<16xi32>,
    tpu.vector_store %arg10[%swap3A_58], %select_n3A_55 {strides = array<i32>} : memref<16xi32, #tpu.memory_space<vmem>>, vector<16xi32>,
    %xor3A_60 = arith.constant 2 : i32
    %xor3A_61 = vector.broadcast %xor3A_60 : i32 to vector<16xi32>
    %xor3A_62 = arith.xori %iota3A, %xor3A_61 : vector<16xi32>
    %gather3A_63 = tpu.vector_load_idx %arg9[%xor3A_62] : memref<16xf32, #tpu.memory_space<vmem>>[vector<16xi32>], vector<16xf32>,
    %xor3A_64 = arith.constant 2 : i32
    %xor3A_65 = vector.broadcast %xor3A_64 : i32 to vector<16xi32>
    %xor3A_66 = arith.xori %iota3A, %xor3A_65 : vector<16xi32>
    %gather3A_67 = tpu.vector_load_idx %arg10[%xor3A_66] : memref<16xi32, #tpu.memory_space<vmem>>[vector<16xi32>], vector<16xi32>,
    %gt3A_68 = arith.cmpf ogt, %gather3A_63, %select_n3A_54 : vector<16xf32>
    %eq3A_69 = arith.cmpf oeq, %gather3A_63, %select_n3A_54 : vector<16xf32>
    %lt3A_70 = arith.cmpi slt, %gather3A_67, %select_n3A_55 : vector<16xi32>
    %and3A_71 = arith.andi %eq3A_69, %lt3A_70 : vector<16xi1>
    %or3A_72 = arith.ori %gt3A_68, %and3A_71 : vector<16xi1>
    %select_n3A_73 = arith.select %or3A_72, %gather3A_63, %select_n3A_54 : vector<16xi1>, vector<16xf32>
    %select_n3A_74 = arith.select %or3A_72, %gather3A_67, %select_n3A_55 : vector<16xi1>, vector<16xi32>
    %swap3A_75 = arith.constant 0 : index
    %swap3A_76 = tpu.vector_load %arg9[%swap3A_75] {strides = array<i32>} : memref<16xf32, #tpu.memory_space<vmem>>, vector<16xf32>,
    tpu.vector_store %arg9[%swap3A_75], %select_n3A_73 {strides = array<i32>} : memref<16xf32, #tpu.memory_space<vmem>>, vector<16xf32>,
    %swap3A_77 = arith.constant 0 : index
    %swap3A_78 = tpu.vector_load %arg10[%swap3A_77] {strides = array<i32>} : memref<16xi32, #tpu.memory_space<vmem>>, vector<16xi32>,
    tpu.vector_store %arg10[%swap3A_77], %select_n3A_74 {strides = array<i32>} : memref<16xi32, #tpu.memory_space<vmem>>, vector<16xi32>,
    %xor3A_79 = arith.constant 1 : i32
    %xor3A_80 = vector.broadcast %xor3A_79 : i32 to vector<16xi32>
    %xor3A_81 = arith.xori %iota3A, %xor3A_80 : vector<16xi32>
    %gather3A_82 = tpu.vector_load_idx %arg9[%xor3A_81] : memref<16xf32, #tpu.memory_space<vmem>>[vector<16xi32>], vector<16xf32>,
    %xor3A_83 = arith.constant 1 : i32
    %xor3A_84 = vector.broadcast %xor3A_83 : i32 to vector<16xi32>
    %xor3A_85 = arith.xori %iota3A, %xor3A_84 : vector<16xi32>
    %gather3A_86 = tpu.vector_load_idx %arg10[%xor3A_85] : memref<16xi32, #tpu.memory_space<vmem>>[vector<16xi32>], vector<16xi32>,
    %gt3A_87 = arith.cmpf ogt, %gather3A_82, %select_n3A_73 : vector<16xf32>
    %eq3A_88 = arith.cmpf oeq, %gather3A_82, %select_n3A_73 : vector<16xf32>
    %lt3A_89 = arith.cmpi slt, %gather3A_86, %select_n3A_74 : vector<16xi32>
    %and3A_90 = arith.andi %eq3A_88, %lt3A_89 : vector<16xi1>
    %or3A_91 = arith.ori %gt3A_87, %and3A_90 : vector<16xi1>
    %select_n3A_92 = arith.select %or3A_91, %gather3A_82, %select_n3A_73 : vector<16xi1>, vector<16xf32>
    %select_n3A_93 = arith.select %or3A_91, %gather3A_86, %select_n3A_74 : vector<16xi1>, vector<16xi32>
    %gather3A_94 = tpu.vector_load_idx %arg11[%select_n3A_93] : memref<16xi32, #tpu.memory_space<vmem>>[vector<16xi32>], vector<16xi32>,
    %eq3A_95 = arith.constant 1 : i32
    %eq3A_96 = vector.broadcast %eq3A_95 : i32 to vector<16xi32>
    %eq3A_97 = arith.cmpi eq, %iota3A, %eq3A_96 : vector<16xi32>
    %select_n3A_98 = arith.select %eq3A_97, %gather3A_94, %broadcast_in_dim3A_19 : vector<16xi1>, vector<16xi32>
    %eq3A_99 = arith.cmpi eq, %iota3A, %select_n3A_93 : vector<16xi32>
    %jit3A_100 = arith.constant 0xFF800000 : f32
    %broadcast_in_dim3A_101 = vector.broadcast %jit3A_100 : f32 to vector<16xf32>
    %select_n3A_102 = arith.select %eq3A_99, %broadcast_in_dim3A_101, %select_n3A : vector<16xi1>, vector<16xf32>
    %swap3A_103 = arith.constant 0 : index
    %swap3A_104 = tpu.vector_load %arg9[%swap3A_103] {strides = array<i32>} : memref<16xf32, #tpu.memory_space<vmem>>, vector<16xf32>,
    tpu.vector_store %arg9[%swap3A_103], %select_n3A_102 {strides = array<i32>} : memref<16xf32, #tpu.memory_space<vmem>>, vector<16xf32>,
    %swap3A_105 = arith.constant 0 : index
    %swap3A_106 = tpu.vector_load %arg10[%swap3A_105] {strides = array<i32>} : memref<16xi32, #tpu.memory_space<vmem>>, vector<16xi32>,
    tpu.vector_store %arg10[%swap3A_105], %iota3A {strides = array<i32>} : memref<16xi32, #tpu.memory_space<vmem>>, vector<16xi32>,
    %xor3A_107 = arith.constant 8 : i32
    %xor3A_108 = vector.broadcast %xor3A_107 : i32 to vector<16xi32>
    %xor3A_109 = arith.xori %iota3A, %xor3A_108 : vector<16xi32>
    %gather3A_110 = tpu.vector_load_idx %arg9[%xor3A_109] : memref<16xf32, #tpu.memory_space<vmem>>[vector<16xi32>], vector<16xf32>,
    %xor3A_111 = arith.constant 8 : i32
    %xor3A_112 = vector.broadcast %xor3A_111 : i32 to vector<16xi32>
    %xor3A_113 = arith.xori %iota3A, %xor3A_112 : vector<16xi32>
    %gather3A_114 = tpu.vector_load_idx %arg10[%xor3A_113] : memref<16xi32, #tpu.memory_space<vmem>>[vector<16xi32>], vector<16xi32>,
    %gt3A_115 = arith.cmpf ogt, %gather3A_110, %select_n3A_102 : vector<16xf32>
    %eq3A_116 = arith.cmpf oeq, %gather3A_110, %select_n3A_102 : vector<16xf32>
    %lt3A_117 = arith.cmpi slt, %gather3A_114, %iota3A : vector<16xi32>
    %and3A_118 = arith.andi %eq3A_116, %lt3A_117 : vector<16xi1>
    %or3A_119 = arith.ori %gt3A_115, %and3A_118 : vector<16xi1>
    %select_n3A_120 = arith.select %or3A_119, %gather3A_110, %select_n3A_102 : vector<16xi1>, vector<16xf32>
    %select_n3A_121 = arith.select %or3A_119, %gather3A_114, %iota3A : vector<16xi1>, vector<16xi32>
    %swap3A_122 = arith.constant 0 : index
    %swap3A_123 = tpu.vector_load %arg9[%swap3A_122] {strides = array<i32>} : memref<16xf32, #tpu.memory_space<vmem>>, vector<16xf32>,
    tpu.vector_store %arg9[%swap3A_122], %select_n3A_120 {strides = array<i32>} : memref<16xf32, #tpu.memory_space<vmem>>, vector<16xf32>,
    %swap3A_124 = arith.constant 0 : index
    %swap3A_125 = tpu.vector_load %arg10[%swap3A_124] {strides = array<i32>} : memref<16xi32, #tpu.memory_space<vmem>>, vector<16xi32>,
    tpu.vector_store %arg10[%swap3A_124], %select_n3A_121 {strides = array<i32>} : memref<16xi32, #tpu.memory_space<vmem>>, vector<16xi32>,
    %xor3A_126 = arith.constant 4 : i32
    %xor3A_127 = vector.broadcast %xor3A_126 : i32 to vector<16xi32>
    %xor3A_128 = arith.xori %iota3A, %xor3A_127 : vector<16xi32>
    %gather3A_129 = tpu.vector_load_idx %arg9[%xor3A_128] : memref<16xf32, #tpu.memory_space<vmem>>[vector<16xi32>], vector<16xf32>,
    %xor3A_130 = arith.constant 4 : i32
    %xor3A_131 = vector.broadcast %xor3A_130 : i32 to vector<16xi32>
    %xor3A_132 = arith.xori %iota3A, %xor3A_131 : vector<16xi32>
    %gather3A_133 = tpu.vector_load_idx %arg10[%xor3A_132] : memref<16xi32, #tpu.memory_space<vmem>>[vector<16xi32>], vector<16xi32>,
    %gt3A_134 = arith.cmpf ogt, %gather3A_129, %select_n3A_120 : vector<16xf32>
    %eq3A_135 = arith.cmpf oeq, %gather3A_129, %select_n3A_120 : vector<16xf32>
    %lt3A_136 = arith.cmpi slt, %gather3A_133, %select_n3A_121 : vector<16xi32>
    %and3A_137 = arith.andi %eq3A_135, %lt3A_136 : vector<16xi1>
    %or3A_138 = arith.ori %gt3A_134, %and3A_137 : vector<16xi1>
    %select_n3A_139 = arith.select %or3A_138, %gather3A_129, %select_n3A_120 : vector<16xi1>, vector<16xf32>
    %select_n3A_140 = arith.select %or3A_138, %gather3A_133, %select_n3A_121 : vector<16xi1>, vector<16xi32>
    %swap3A_141 = arith.constant 0 : index
    %swap3A_142 = tpu.vector_load %arg9[%swap3A_141] {strides = array<i32>} : memref<16xf32, #tpu.memory_space<vmem>>, vector<16xf32>,
    tpu.vector_store %arg9[%swap3A_141], %select_n3A_139 {strides = array<i32>} : memref<16xf32, #tpu.memory_space<vmem>>, vector<16xf32>,
    %swap3A_143 = arith.constant 0 : index
    %swap3A_144 = tpu.vector_load %arg10[%swap3A_143] {strides = array<i32>} : memref<16xi32, #tpu.memory_space<vmem>>, vector<16xi32>,
    tpu.vector_store %arg10[%swap3A_143], %select_n3A_140 {strides = array<i32>} : memref<16xi32, #tpu.memory_space<vmem>>, vector<16xi32>,
    %xor3A_145 = arith.constant 2 : i32
    %xor3A_146 = vector.broadcast %xor3A_145 : i32 to vector<16xi32>
    %xor3A_147 = arith.xori %iota3A, %xor3A_146 : vector<16xi32>
    %gather3A_148 = tpu.vector_load_idx %arg9[%xor3A_147] : memref<16xf32, #tpu.memory_space<vmem>>[vector<16xi32>], vector<16xf32>,
    %xor3A_149 = arith.constant 2 : i32
    %xor3A_150 = vector.broadcast %xor3A_149 : i32 to vector<16xi32>
    %xor3A_151 = arith.xori %iota3A, %xor3A_150 : vector<16xi32>
    %gather3A_152 = tpu.vector_load_idx %arg10[%xor3A_151] : memref<16xi32, #tpu.memory_space<vmem>>[vector<16xi32>], vector<16xi32>,
    %gt3A_153 = arith.cmpf ogt, %gather3A_148, %select_n3A_139 : vector<16xf32>
    %eq3A_154 = arith.cmpf oeq, %gather3A_148, %select_n3A_139 : vector<16xf32>
    %lt3A_155 = arith.cmpi slt, %gather3A_152, %select_n3A_140 : vector<16xi32>
    %and3A_156 = arith.andi %eq3A_154, %lt3A_155 : vector<16xi1>
    %or3A_157 = arith.ori %gt3A_153, %and3A_156 : vector<16xi1>
    %select_n3A_158 = arith.select %or3A_157, %gather3A_148, %select_n3A_139 : vector<16xi1>, vector<16xf32>
    %select_n3A_159 = arith.select %or3A_157, %gather3A_152, %select_n3A_140 : vector<16xi1>, vector<16xi32>
    %swap3A_160 = arith.constant 0 : index
    %swap3A_161 = tpu.vector_load %arg9[%swap3A_160] {strides = array<i32>} : memref<16xf32, #tpu.memory_space<vmem>>, vector<16xf32>,
    tpu.vector_store %arg9[%swap3A_160], %select_n3A_158 {strides = array<i32>} : memref<16xf32, #tpu.memory_space<vmem>>, vector<16xf32>,
    %swap3A_162 = arith.constant 0 : index
    %swap3A_163 = tpu.vector_load %arg10[%swap3A_162] {strides = array<i32>} : memref<16xi32, #tpu.memory_space<vmem>>, vector<16xi32>,
    tpu.vector_store %arg10[%swap3A_162], %select_n3A_159 {strides = array<i32>} : memref<16xi32, #tpu.memory_space<vmem>>, vector<16xi32>,
    %xor3A_164 = arith.constant 1 : i32
    %xor3A_165 = vector.broadcast %xor3A_164 : i32 to vector<16xi32>
    %xor3A_166 = arith.xori %iota3A, %xor3A_165 : vector<16xi32>
    %gather3A_167 = tpu.vector_load_idx %arg9[%xor3A_166] : memref<16xf32, #tpu.memory_space<vmem>>[vector<16xi32>], vector<16xf32>,
    %xor3A_168 = arith.constant 1 : i32
    %xor3A_169 = vector.broadcast %xor3A_168 : i32 to vector<16xi32>
    %xor3A_170 = arith.xori %iota3A, %xor3A_169 : vector<16xi32>
    %gather3A_171 = tpu.vector_load_idx %arg10[%xor3A_170] : memref<16xi32, #tpu.memory_space<vmem>>[vector<16xi32>], vector<16xi32>,
    %gt3A_172 = arith.cmpf ogt, %gather3A_167, %select_n3A_158 : vector<16xf32>
    %eq3A_173 = arith.cmpf oeq, %gather3A_167, %select_n3A_158 : vector<16xf32>
    %lt3A_174 = arith.cmpi slt, %gather3A_171, %select_n3A_159 : vector<16xi32>
    %and3A_175 = arith.andi %eq3A_173, %lt3A_174 : vector<16xi1>
    %or3A_176 = arith.ori %gt3A_172, %and3A_175 : vector<16xi1>
    %select_n3A_177 = arith.select %or3A_176, %gather3A_167, %select_n3A_158 : vector<16xi1>, vector<16xf32>
    %select_n3A_178 = arith.select %or3A_176, %gather3A_171, %select_n3A_159 : vector<16xi1>, vector<16xi32>
    %gather3A_179 = tpu.vector_load_idx %arg11[%select_n3A_178] : memref<16xi32, #tpu.memory_space<vmem>>[vector<16xi32>], vector<16xi32>,
    %eq3A_180 = arith.constant 2 : i32
    %eq3A_181 = vector.broadcast %eq3A_180 : i32 to vector<16xi32>
    %eq3A_182 = arith.cmpi eq, %iota3A, %eq3A_181 : vector<16xi32>
    %select_n3A_183 = arith.select %eq3A_182, %gather3A_179, %select_n3A_98 : vector<16xi1>, vector<16xi32>
    %eq3A_184 = arith.cmpi eq, %iota3A, %select_n3A_178 : vector<16xi32>
    %jit3A_185 = arith.constant 0xFF800000 : f32
    %broadcast_in_dim3A_186 = vector.broadcast %jit3A_185 : f32 to vector<16xf32>
    %select_n3A_187 = arith.select %eq3A_184, %broadcast_in_dim3A_186, %select_n3A_102 : vector<16xi1>, vector<16xf32>
    %swap3A_188 = arith.constant 0 : index
    %swap3A_189 = tpu.vector_load %arg9[%swap3A_188] {strides = array<i32>} : memref<16xf32, #tpu.memory_space<vmem>>, vector<16xf32>,
    tpu.vector_store %arg9[%swap3A_188], %select_n3A_187 {strides = array<i32>} : memref<16xf32, #tpu.memory_space<vmem>>, vector<16xf32>,
    %swap3A_190 = arith.constant 0 : index
    %swap3A_191 = tpu.vector_load %arg10[%swap3A_190] {strides = array<i32>} : memref<16xi32, #tpu.memory_space<vmem>>, vector<16xi32>,
    tpu.vector_store %arg10[%swap3A_190], %iota3A {strides = array<i32>} : memref<16xi32, #tpu.memory_space<vmem>>, vector<16xi32>,
    %xor3A_192 = arith.constant 8 : i32
    %xor3A_193 = vector.broadcast %xor3A_192 : i32 to vector<16xi32>
    %xor3A_194 = arith.xori %iota3A, %xor3A_193 : vector<16xi32>
    %gather3A_195 = tpu.vector_load_idx %arg9[%xor3A_194] : memref<16xf32, #tpu.memory_space<vmem>>[vector<16xi32>], vector<16xf32>,
    %xor3A_196 = arith.constant 8 : i32
    %xor3A_197 = vector.broadcast %xor3A_196 : i32 to vector<16xi32>
    %xor3A_198 = arith.xori %iota3A, %xor3A_197 : vector<16xi32>
    %gather3A_199 = tpu.vector_load_idx %arg10[%xor3A_198] : memref<16xi32, #tpu.memory_space<vmem>>[vector<16xi32>], vector<16xi32>,
    %gt3A_200 = arith.cmpf ogt, %gather3A_195, %select_n3A_187 : vector<16xf32>
    %eq3A_201 = arith.cmpf oeq, %gather3A_195, %select_n3A_187 : vector<16xf32>
    %lt3A_202 = arith.cmpi slt, %gather3A_199, %iota3A : vector<16xi32>
    %and3A_203 = arith.andi %eq3A_201, %lt3A_202 : vector<16xi1>
    %or3A_204 = arith.ori %gt3A_200, %and3A_203 : vector<16xi1>
    %select_n3A_205 = arith.select %or3A_204, %gather3A_195, %select_n3A_187 : vector<16xi1>, vector<16xf32>
    %select_n3A_206 = arith.select %or3A_204, %gather3A_199, %iota3A : vector<16xi1>, vector<16xi32>
    %swap3A_207 = arith.constant 0 : index
    %swap3A_208 = tpu.vector_load %arg9[%swap3A_207] {strides = array<i32>} : memref<16xf32, #tpu.memory_space<vmem>>, vector<16xf32>,
    tpu.vector_store %arg9[%swap3A_207], %select_n3A_205 {strides = array<i32>} : memref<16xf32, #tpu.memory_space<vmem>>, vector<16xf32>,
    %swap3A_209 = arith.constant 0 : index
    %swap3A_210 = tpu.vector_load %arg10[%swap3A_209] {strides = array<i32>} : memref<16xi32, #tpu.memory_space<vmem>>, vector<16xi32>,
    tpu.vector_store %arg10[%swap3A_209], %select_n3A_206 {strides = array<i32>} : memref<16xi32, #tpu.memory_space<vmem>>, vector<16xi32>,
    %xor3A_211 = arith.constant 4 : i32
    %xor3A_212 = vector.broadcast %xor3A_211 : i32 to vector<16xi32>
    %xor3A_213 = arith.xori %iota3A, %xor3A_212 : vector<16xi32>
    %gather3A_214 = tpu.vector_load_idx %arg9[%xor3A_213] : memref<16xf32, #tpu.memory_space<vmem>>[vector<16xi32>], vector<16xf32>,
    %xor3A_215 = arith.constant 4 : i32
    %xor3A_216 = vector.broadcast %xor3A_215 : i32 to vector<16xi32>
    %xor3A_217 = arith.xori %iota3A, %xor3A_216 : vector<16xi32>
    %gather3A_218 = tpu.vector_load_idx %arg10[%xor3A_217] : memref<16xi32, #tpu.memory_space<vmem>>[vector<16xi32>], vector<16xi32>,
    %gt3A_219 = arith.cmpf ogt, %gather3A_214, %select_n3A_205 : vector<16xf32>
    %eq3A_220 = arith.cmpf oeq, %gather3A_214, %select_n3A_205 : vector<16xf32>
    %lt3A_221 = arith.cmpi slt, %gather3A_218, %select_n3A_206 : vector<16xi32>
    %and3A_222 = arith.andi %eq3A_220, %lt3A_221 : vector<16xi1>
    %or3A_223 = arith.ori %gt3A_219, %and3A_222 : vector<16xi1>
    %select_n3A_224 = arith.select %or3A_223, %gather3A_214, %select_n3A_205 : vector<16xi1>, vector<16xf32>
    %select_n3A_225 = arith.select %or3A_223, %gather3A_218, %select_n3A_206 : vector<16xi1>, vector<16xi32>
    %swap3A_226 = arith.constant 0 : index
    %swap3A_227 = tpu.vector_load %arg9[%swap3A_226] {strides = array<i32>} : memref<16xf32, #tpu.memory_space<vmem>>, vector<16xf32>,
    tpu.vector_store %arg9[%swap3A_226], %select_n3A_224 {strides = array<i32>} : memref<16xf32, #tpu.memory_space<vmem>>, vector<16xf32>,
    %swap3A_228 = arith.constant 0 : index
    %swap3A_229 = tpu.vector_load %arg10[%swap3A_228] {strides = array<i32>} : memref<16xi32, #tpu.memory_space<vmem>>, vector<16xi32>,
    tpu.vector_store %arg10[%swap3A_228], %select_n3A_225 {strides = array<i32>} : memref<16xi32, #tpu.memory_space<vmem>>, vector<16xi32>,
    %xor3A_230 = arith.constant 2 : i32
    %xor3A_231 = vector.broadcast %xor3A_230 : i32 to vector<16xi32>
    %xor3A_232 = arith.xori %iota3A, %xor3A_231 : vector<16xi32>
    %gather3A_233 = tpu.vector_load_idx %arg9[%xor3A_232] : memref<16xf32, #tpu.memory_space<vmem>>[vector<16xi32>], vector<16xf32>,
    %xor3A_234 = arith.constant 2 : i32
    %xor3A_235 = vector.broadcast %xor3A_234 : i32 to vector<16xi32>
    %xor3A_236 = arith.xori %iota3A, %xor3A_235 : vector<16xi32>
    %gather3A_237 = tpu.vector_load_idx %arg10[%xor3A_236] : memref<16xi32, #tpu.memory_space<vmem>>[vector<16xi32>], vector<16xi32>,
    %gt3A_238 = arith.cmpf ogt, %gather3A_233, %select_n3A_224 : vector<16xf32>
    %eq3A_239 = arith.cmpf oeq, %gather3A_233, %select_n3A_224 : vector<16xf32>
    %lt3A_240 = arith.cmpi slt, %gather3A_237, %select_n3A_225 : vector<16xi32>
    %and3A_241 = arith.andi %eq3A_239, %lt3A_240 : vector<16xi1>
    %or3A_242 = arith.ori %gt3A_238, %and3A_241 : vector<16xi1>
    %select_n3A_243 = arith.select %or3A_242, %gather3A_233, %select_n3A_224 : vector<16xi1>, vector<16xf32>
    %select_n3A_244 = arith.select %or3A_242, %gather3A_237, %select_n3A_225 : vector<16xi1>, vector<16xi32>
    %swap3A_245 = arith.constant 0 : index
    %swap3A_246 = tpu.vector_load %arg9[%swap3A_245] {strides = array<i32>} : memref<16xf32, #tpu.memory_space<vmem>>, vector<16xf32>,
    tpu.vector_store %arg9[%swap3A_245], %select_n3A_243 {strides = array<i32>} : memref<16xf32, #tpu.memory_space<vmem>>, vector<16xf32>,
    %swap3A_247 = arith.constant 0 : index
    %swap3A_248 = tpu.vector_load %arg10[%swap3A_247] {strides = array<i32>} : memref<16xi32, #tpu.memory_space<vmem>>, vector<16xi32>,
    tpu.vector_store %arg10[%swap3A_247], %select_n3A_244 {strides = array<i32>} : memref<16xi32, #tpu.memory_space<vmem>>, vector<16xi32>,
    %xor3A_249 = arith.constant 1 : i32
    %xor3A_250 = vector.broadcast %xor3A_249 : i32 to vector<16xi32>
    %xor3A_251 = arith.xori %iota3A, %xor3A_250 : vector<16xi32>
    %gather3A_252 = tpu.vector_load_idx %arg9[%xor3A_251] : memref<16xf32, #tpu.memory_space<vmem>>[vector<16xi32>], vector<16xf32>,
    %xor3A_253 = arith.constant 1 : i32
    %xor3A_254 = vector.broadcast %xor3A_253 : i32 to vector<16xi32>
    %xor3A_255 = arith.xori %iota3A, %xor3A_254 : vector<16xi32>
    %gather3A_256 = tpu.vector_load_idx %arg10[%xor3A_255] : memref<16xi32, #tpu.memory_space<vmem>>[vector<16xi32>], vector<16xi32>,
    %gt3A_257 = arith.cmpf ogt, %gather3A_252, %select_n3A_243 : vector<16xf32>
    %eq3A_258 = arith.cmpf oeq, %gather3A_252, %select_n3A_243 : vector<16xf32>
    %lt3A_259 = arith.cmpi slt, %gather3A_256, %select_n3A_244 : vector<16xi32>
    %and3A_260 = arith.andi %eq3A_258, %lt3A_259 : vector<16xi1>
    %or3A_261 = arith.ori %gt3A_257, %and3A_260 : vector<16xi1>
    %select_n3A_262 = arith.select %or3A_261, %gather3A_252, %select_n3A_243 : vector<16xi1>, vector<16xf32>
    %select_n3A_263 = arith.select %or3A_261, %gather3A_256, %select_n3A_244 : vector<16xi1>, vector<16xi32>
    %gather3A_264 = tpu.vector_load_idx %arg11[%select_n3A_263] : memref<16xi32, #tpu.memory_space<vmem>>[vector<16xi32>], vector<16xi32>,
    %eq3A_265 = arith.constant 3 : i32
    %eq3A_266 = vector.broadcast %eq3A_265 : i32 to vector<16xi32>
    %eq3A_267 = arith.cmpi eq, %iota3A, %eq3A_266 : vector<16xi32>
    %select_n3A_268 = arith.select %eq3A_267, %gather3A_264, %select_n3A_183 : vector<16xi1>, vector<16xi32>
    %eq3A_269 = arith.cmpi eq, %iota3A, %select_n3A_263 : vector<16xi32>
    %jit3A_270 = arith.constant 0xFF800000 : f32
    %broadcast_in_dim3A_271 = vector.broadcast %jit3A_270 : f32 to vector<16xf32>
    %select_n3A_272 = arith.select %eq3A_269, %broadcast_in_dim3A_271, %select_n3A_187 : vector<16xi1>, vector<16xf32>
    %lt3A_273 = arith.constant 10 : i32
    %lt3A_274 = vector.broadcast %lt3A_273 : i32 to vector<16xi32>
    %lt3A_275 = arith.cmpi slt, %iota3A, %lt3A_274 : vector<16xi32>
    %neg3A = arith.constant 0.000000e+00 : f32
    %neg3A_276 = vector.broadcast %neg3A : f32 to vector<16xf32>
    %neg3A_277 = arith.subf %neg3A_276, %gather3A : vector<16xf32>
    %jit3A_278 = arith.constant 0xFF800000 : f32
    %broadcast_in_dim3A_279 = vector.broadcast %jit3A_278 : f32 to vector<16xf32>
    %select_n3A_280 = arith.select %lt3A_275, %neg3A_277, %broadcast_in_dim3A_279 : vector<16xi1>, vector<16xf32>
    %swap3A_281 = arith.constant 0 : index
    %swap3A_282 = tpu.vector_load %arg9[%swap3A_281] {strides = array<i32>} : memref<16xf32, #tpu.memory_space<vmem>>, vector<16xf32>,
    tpu.vector_store %arg9[%swap3A_281], %select_n3A_280 {strides = array<i32>} : memref<16xf32, #tpu.memory_space<vmem>>, vector<16xf32>,
    %swap3A_283 = arith.constant 0 : index
    %swap3A_284 = tpu.vector_load %arg10[%swap3A_283] {strides = array<i32>} : memref<16xi32, #tpu.memory_space<vmem>>, vector<16xi32>,
    tpu.vector_store %arg10[%swap3A_283], %iota3A {strides = array<i32>} : memref<16xi32, #tpu.memory_space<vmem>>, vector<16xi32>,
    %xor3A_285 = arith.constant 8 : i32
    %xor3A_286 = vector.broadcast %xor3A_285 : i32 to vector<16xi32>
    %xor3A_287 = arith.xori %iota3A, %xor3A_286 : vector<16xi32>
    %gather3A_288 = tpu.vector_load_idx %arg9[%xor3A_287] : memref<16xf32, #tpu.memory_space<vmem>>[vector<16xi32>], vector<16xf32>,
    %xor3A_289 = arith.constant 8 : i32
    %xor3A_290 = vector.broadcast %xor3A_289 : i32 to vector<16xi32>
    %xor3A_291 = arith.xori %iota3A, %xor3A_290 : vector<16xi32>
    %gather3A_292 = tpu.vector_load_idx %arg10[%xor3A_291] : memref<16xi32, #tpu.memory_space<vmem>>[vector<16xi32>], vector<16xi32>,
    %gt3A_293 = arith.cmpf ogt, %gather3A_288, %select_n3A_280 : vector<16xf32>
    %eq3A_294 = arith.cmpf oeq, %gather3A_288, %select_n3A_280 : vector<16xf32>
    %lt3A_295 = arith.cmpi slt, %gather3A_292, %iota3A : vector<16xi32>
    %and3A_296 = arith.andi %eq3A_294, %lt3A_295 : vector<16xi1>
    %or3A_297 = arith.ori %gt3A_293, %and3A_296 : vector<16xi1>
    %select_n3A_298 = arith.select %or3A_297, %gather3A_288, %select_n3A_280 : vector<16xi1>, vector<16xf32>
    %select_n3A_299 = arith.select %or3A_297, %gather3A_292, %iota3A : vector<16xi1>, vector<16xi32>
    %swap3A_300 = arith.constant 0 : index
    %swap3A_301 = tpu.vector_load %arg9[%swap3A_300] {strides = array<i32>} : memref<16xf32, #tpu.memory_space<vmem>>, vector<16xf32>,
    tpu.vector_store %arg9[%swap3A_300], %select_n3A_298 {strides = array<i32>} : memref<16xf32, #tpu.memory_space<vmem>>, vector<16xf32>,
    %swap3A_302 = arith.constant 0 : index
    %swap3A_303 = tpu.vector_load %arg10[%swap3A_302] {strides = array<i32>} : memref<16xi32, #tpu.memory_space<vmem>>, vector<16xi32>,
    tpu.vector_store %arg10[%swap3A_302], %select_n3A_299 {strides = array<i32>} : memref<16xi32, #tpu.memory_space<vmem>>, vector<16xi32>,
    %xor3A_304 = arith.constant 4 : i32
    %xor3A_305 = vector.broadcast %xor3A_304 : i32 to vector<16xi32>
    %xor3A_306 = arith.xori %iota3A, %xor3A_305 : vector<16xi32>
    %gather3A_307 = tpu.vector_load_idx %arg9[%xor3A_306] : memref<16xf32, #tpu.memory_space<vmem>>[vector<16xi32>], vector<16xf32>,
    %xor3A_308 = arith.constant 4 : i32
    %xor3A_309 = vector.broadcast %xor3A_308 : i32 to vector<16xi32>
    %xor3A_310 = arith.xori %iota3A, %xor3A_309 : vector<16xi32>
    %gather3A_311 = tpu.vector_load_idx %arg10[%xor3A_310] : memref<16xi32, #tpu.memory_space<vmem>>[vector<16xi32>], vector<16xi32>,
    %gt3A_312 = arith.cmpf ogt, %gather3A_307, %select_n3A_298 : vector<16xf32>
    %eq3A_313 = arith.cmpf oeq, %gather3A_307, %select_n3A_298 : vector<16xf32>
    %lt3A_314 = arith.cmpi slt, %gather3A_311, %select_n3A_299 : vector<16xi32>
    %and3A_315 = arith.andi %eq3A_313, %lt3A_314 : vector<16xi1>
    %or3A_316 = arith.ori %gt3A_312, %and3A_315 : vector<16xi1>
    %select_n3A_317 = arith.select %or3A_316, %gather3A_307, %select_n3A_298 : vector<16xi1>, vector<16xf32>
    %select_n3A_318 = arith.select %or3A_316, %gather3A_311, %select_n3A_299 : vector<16xi1>, vector<16xi32>
    %swap3A_319 = arith.constant 0 : index
    %swap3A_320 = tpu.vector_load %arg9[%swap3A_319] {strides = array<i32>} : memref<16xf32, #tpu.memory_space<vmem>>, vector<16xf32>,
    tpu.vector_store %arg9[%swap3A_319], %select_n3A_317 {strides = array<i32>} : memref<16xf32, #tpu.memory_space<vmem>>, vector<16xf32>,
    %swap3A_321 = arith.constant 0 : index
    %swap3A_322 = tpu.vector_load %arg10[%swap3A_321] {strides = array<i32>} : memref<16xi32, #tpu.memory_space<vmem>>, vector<16xi32>,
    tpu.vector_store %arg10[%swap3A_321], %select_n3A_318 {strides = array<i32>} : memref<16xi32, #tpu.memory_space<vmem>>, vector<16xi32>,
    %xor3A_323 = arith.constant 2 : i32
    %xor3A_324 = vector.broadcast %xor3A_323 : i32 to vector<16xi32>
    %xor3A_325 = arith.xori %iota3A, %xor3A_324 : vector<16xi32>
    %gather3A_326 = tpu.vector_load_idx %arg9[%xor3A_325] : memref<16xf32, #tpu.memory_space<vmem>>[vector<16xi32>], vector<16xf32>,
    %xor3A_327 = arith.constant 2 : i32
    %xor3A_328 = vector.broadcast %xor3A_327 : i32 to vector<16xi32>
    %xor3A_329 = arith.xori %iota3A, %xor3A_328 : vector<16xi32>
    %gather3A_330 = tpu.vector_load_idx %arg10[%xor3A_329] : memref<16xi32, #tpu.memory_space<vmem>>[vector<16xi32>], vector<16xi32>,
    %gt3A_331 = arith.cmpf ogt, %gather3A_326, %select_n3A_317 : vector<16xf32>
    %eq3A_332 = arith.cmpf oeq, %gather3A_326, %select_n3A_317 : vector<16xf32>
    %lt3A_333 = arith.cmpi slt, %gather3A_330, %select_n3A_318 : vector<16xi32>
    %and3A_334 = arith.andi %eq3A_332, %lt3A_333 : vector<16xi1>
    %or3A_335 = arith.ori %gt3A_331, %and3A_334 : vector<16xi1>
    %select_n3A_336 = arith.select %or3A_335, %gather3A_326, %select_n3A_317 : vector<16xi1>, vector<16xf32>
    %select_n3A_337 = arith.select %or3A_335, %gather3A_330, %select_n3A_318 : vector<16xi1>, vector<16xi32>
    %swap3A_338 = arith.constant 0 : index
    %swap3A_339 = tpu.vector_load %arg9[%swap3A_338] {strides = array<i32>} : memref<16xf32, #tpu.memory_space<vmem>>, vector<16xf32>,
    tpu.vector_store %arg9[%swap3A_338], %select_n3A_336 {strides = array<i32>} : memref<16xf32, #tpu.memory_space<vmem>>, vector<16xf32>,
    %swap3A_340 = arith.constant 0 : index
    %swap3A_341 = tpu.vector_load %arg10[%swap3A_340] {strides = array<i32>} : memref<16xi32, #tpu.memory_space<vmem>>, vector<16xi32>,
    tpu.vector_store %arg10[%swap3A_340], %select_n3A_337 {strides = array<i32>} : memref<16xi32, #tpu.memory_space<vmem>>, vector<16xi32>,
    %xor3A_342 = arith.constant 1 : i32
    %xor3A_343 = vector.broadcast %xor3A_342 : i32 to vector<16xi32>
    %xor3A_344 = arith.xori %iota3A, %xor3A_343 : vector<16xi32>
    %gather3A_345 = tpu.vector_load_idx %arg9[%xor3A_344] : memref<16xf32, #tpu.memory_space<vmem>>[vector<16xi32>], vector<16xf32>,
    %xor3A_346 = arith.constant 1 : i32
    %xor3A_347 = vector.broadcast %xor3A_346 : i32 to vector<16xi32>
    %xor3A_348 = arith.xori %iota3A, %xor3A_347 : vector<16xi32>
    %gather3A_349 = tpu.vector_load_idx %arg10[%xor3A_348] : memref<16xi32, #tpu.memory_space<vmem>>[vector<16xi32>], vector<16xi32>,
    %gt3A_350 = arith.cmpf ogt, %gather3A_345, %select_n3A_336 : vector<16xf32>
    %eq3A_351 = arith.cmpf oeq, %gather3A_345, %select_n3A_336 : vector<16xf32>
    %lt3A_352 = arith.cmpi slt, %gather3A_349, %select_n3A_337 : vector<16xi32>
    %and3A_353 = arith.andi %eq3A_351, %lt3A_352 : vector<16xi1>
    %or3A_354 = arith.ori %gt3A_350, %and3A_353 : vector<16xi1>
    %select_n3A_355 = arith.select %or3A_354, %gather3A_345, %select_n3A_336 : vector<16xi1>, vector<16xf32>
    %select_n3A_356 = arith.select %or3A_354, %gather3A_349, %select_n3A_337 : vector<16xi1>, vector<16xi32>
    %eq3A_357 = arith.constant 0 : i32
    %eq3A_358 = vector.broadcast %eq3A_357 : i32 to vector<16xi32>
    %eq3A_359 = arith.cmpi eq, %iota3A, %eq3A_358 : vector<16xi32>
    %gather3A_360 = tpu.vector_load_idx %arg11[%select_n3A_356] : memref<16xi32, #tpu.memory_space<vmem>>[vector<16xi32>], vector<16xi32>,
    %select_n3A_361 = arith.select %eq3A_359, %gather3A_360, %select_n3A_268 : vector<16xi1>, vector<16xi32>
    %broadcast_in_dim3A_362 = arith.constant 0xFF800000 : f32
    %broadcast_in_dim3A_363 = vector.broadcast %broadcast_in_dim3A_362 : f32 to vector<16xf32>
    %broadcast_in_dim3A_364 = arith.constant 0 : i32
    %broadcast_in_dim3A_365 = vector.broadcast %broadcast_in_dim3A_364 : i32 to vector<16xi32>
    %scan3A_366 = arith.constant 0 : i32
    %scan3A_367 = arith.constant 64 : i32
    %scan3A_368 = arith.addi %scan3A_366, %scan3A_367 : i32
    %scan3A_369 = arith.constant 1 : i32
    %scan3A_370:3 = scf.for %scan3A_404 = %scan3A_366 to %scan3A_368 step %scan3A_369 iter_args(%scan3A_405 = %broadcast_in_dim3A_363, %scan3A_406 = %broadcast_in_dim3A_365, %scan3A_407 = %iota3A) -> (vector<16xf32>, vector<16xi32>, vector<16xi32>)  : i32 {
      %mul3A_408 = arith.constant 8 : i32
      %mul3A_409 = arith.muli %scan3A_404, %mul3A_408 : i32
      %add3A_410 = arith.constant 0 : i32
      %add3A_411 = arith.addi %mul3A_409, %add3A_410 : i32
      %mul3A_412 = arith.constant 16 : i32
      %mul3A_413 = arith.muli %add3A_411, %mul3A_412 : i32
      %get3A = arith.index_cast %mul3A_413 : i32 to index
      %get3A_414 = tpu.vector_load %arg6[%get3A] {strides = array<i32>} : memref<8192xf32, #tpu.memory_space<vmem>>, vector<16xf32>,
      %neg3A_415 = arith.constant 0.000000e+00 : f32
      %neg3A_416 = vector.broadcast %neg3A_415 : f32 to vector<16xf32>
      %neg3A_417 = arith.subf %neg3A_416, %get3A_414 : vector<16xf32>
      %swap3A_418 = arith.index_cast %mul3A_413 : i32 to index
      %swap3A_419 = tpu.vector_load %arg8[%swap3A_418] {strides = array<i32>} : memref<8192xf32, #tpu.memory_space<vmem>>, vector<16xf32>,
      tpu.vector_store %arg8[%swap3A_418], %neg3A_417 {strides = array<i32>} : memref<8192xf32, #tpu.memory_space<vmem>>, vector<16xf32>,
      %gt3A_420 = arith.cmpf ogt, %neg3A_417, %scan3A_405 : vector<16xf32>
      %max3A = arith.maximumf %scan3A_405, %neg3A_417 : vector<16xf32>
      %select_n3A_421 = arith.select %gt3A_420, %scan3A_407, %scan3A_406 : vector<16xi1>, vector<16xi32>
      %add3A_422 = arith.constant 16 : i32
      %add3A_423 = vector.broadcast %add3A_422 : i32 to vector<16xi32>
      %add3A_424 = arith.addi %scan3A_407, %add3A_423 : vector<16xi32>
      %mul3A_425 = arith.constant 8 : i32
      %mul3A_426 = arith.muli %scan3A_404, %mul3A_425 : i32
      %add3A_427 = arith.constant 1 : i32
      %add3A_428 = arith.addi %mul3A_426, %add3A_427 : i32
      %mul3A_429 = arith.constant 16 : i32
      %mul3A_430 = arith.muli %add3A_428, %mul3A_429 : i32
      %get3A_431 = arith.index_cast %mul3A_430 : i32 to index
      %get3A_432 = tpu.vector_load %arg6[%get3A_431] {strides = array<i32>} : memref<8192xf32, #tpu.memory_space<vmem>>, vector<16xf32>,
      %neg3A_433 = arith.constant 0.000000e+00 : f32
      %neg3A_434 = vector.broadcast %neg3A_433 : f32 to vector<16xf32>
      %neg3A_435 = arith.subf %neg3A_434, %get3A_432 : vector<16xf32>
      %swap3A_436 = arith.index_cast %mul3A_430 : i32 to index
      %swap3A_437 = tpu.vector_load %arg8[%swap3A_436] {strides = array<i32>} : memref<8192xf32, #tpu.memory_space<vmem>>, vector<16xf32>,
      tpu.vector_store %arg8[%swap3A_436], %neg3A_435 {strides = array<i32>} : memref<8192xf32, #tpu.memory_space<vmem>>, vector<16xf32>,
      %gt3A_438 = arith.cmpf ogt, %neg3A_435, %max3A : vector<16xf32>
      %max3A_439 = arith.maximumf %max3A, %neg3A_435 : vector<16xf32>
      %select_n3A_440 = arith.select %gt3A_438, %add3A_424, %select_n3A_421 : vector<16xi1>, vector<16xi32>
      %add3A_441 = arith.constant 16 : i32
      %add3A_442 = vector.broadcast %add3A_441 : i32 to vector<16xi32>
      %add3A_443 = arith.addi %add3A_424, %add3A_442 : vector<16xi32>
      %mul3A_444 = arith.constant 8 : i32
      %mul3A_445 = arith.muli %scan3A_404, %mul3A_444 : i32
      %add3A_446 = arith.constant 2 : i32
      %add3A_447 = arith.addi %mul3A_445, %add3A_446 : i32
      %mul3A_448 = arith.constant 16 : i32
      %mul3A_449 = arith.muli %add3A_447, %mul3A_448 : i32
      %get3A_450 = arith.index_cast %mul3A_449 : i32 to index
      %get3A_451 = tpu.vector_load %arg6[%get3A_450] {strides = array<i32>} : memref<8192xf32, #tpu.memory_space<vmem>>, vector<16xf32>,
      %neg3A_452 = arith.constant 0.000000e+00 : f32
      %neg3A_453 = vector.broadcast %neg3A_452 : f32 to vector<16xf32>
      %neg3A_454 = arith.subf %neg3A_453, %get3A_451 : vector<16xf32>
      %swap3A_455 = arith.index_cast %mul3A_449 : i32 to index
      %swap3A_456 = tpu.vector_load %arg8[%swap3A_455] {strides = array<i32>} : memref<8192xf32, #tpu.memory_space<vmem>>, vector<16xf32>,
      tpu.vector_store %arg8[%swap3A_455], %neg3A_454 {strides = array<i32>} : memref<8192xf32, #tpu.memory_space<vmem>>, vector<16xf32>,
      %gt3A_457 = arith.cmpf ogt, %neg3A_454, %max3A_439 : vector<16xf32>
      %max3A_458 = arith.maximumf %max3A_439, %neg3A_454 : vector<16xf32>
      %select_n3A_459 = arith.select %gt3A_457, %add3A_443, %select_n3A_440 : vector<16xi1>, vector<16xi32>
      %add3A_460 = arith.constant 16 : i32
      %add3A_461 = vector.broadcast %add3A_460 : i32 to vector<16xi32>
      %add3A_462 = arith.addi %add3A_443, %add3A_461 : vector<16xi32>
      %mul3A_463 = arith.constant 8 : i32
      %mul3A_464 = arith.muli %scan3A_404, %mul3A_463 : i32
      %add3A_465 = arith.constant 3 : i32
      %add3A_466 = arith.addi %mul3A_464, %add3A_465 : i32
      %mul3A_467 = arith.constant 16 : i32
      %mul3A_468 = arith.muli %add3A_466, %mul3A_467 : i32
      %get3A_469 = arith.index_cast %mul3A_468 : i32 to index
      %get3A_470 = tpu.vector_load %arg6[%get3A_469] {strides = array<i32>} : memref<8192xf32, #tpu.memory_space<vmem>>, vector<16xf32>,
      %neg3A_471 = arith.constant 0.000000e+00 : f32
      %neg3A_472 = vector.broadcast %neg3A_471 : f32 to vector<16xf32>
      %neg3A_473 = arith.subf %neg3A_472, %get3A_470 : vector<16xf32>
      %swap3A_474 = arith.index_cast %mul3A_468 : i32 to index
      %swap3A_475 = tpu.vector_load %arg8[%swap3A_474] {strides = array<i32>} : memref<8192xf32, #tpu.memory_space<vmem>>, vector<16xf32>,
      tpu.vector_store %arg8[%swap3A_474], %neg3A_473 {strides = array<i32>} : memref<8192xf32, #tpu.memory_space<vmem>>, vector<16xf32>,
      %gt3A_476 = arith.cmpf ogt, %neg3A_473, %max3A_458 : vector<16xf32>
      %max3A_477 = arith.maximumf %max3A_458, %neg3A_473 : vector<16xf32>
      %select_n3A_478 = arith.select %gt3A_476, %add3A_462, %select_n3A_459 : vector<16xi1>, vector<16xi32>
      %add3A_479 = arith.constant 16 : i32
      %add3A_480 = vector.broadcast %add3A_479 : i32 to vector<16xi32>
      %add3A_481 = arith.addi %add3A_462, %add3A_480 : vector<16xi32>
      %mul3A_482 = arith.constant 8 : i32
      %mul3A_483 = arith.muli %scan3A_404, %mul3A_482 : i32
      %add3A_484 = arith.constant 4 : i32
      %add3A_485 = arith.addi %mul3A_483, %add3A_484 : i32
      %mul3A_486 = arith.constant 16 : i32
      %mul3A_487 = arith.muli %add3A_485, %mul3A_486 : i32
      %get3A_488 = arith.index_cast %mul3A_487 : i32 to index
      %get3A_489 = tpu.vector_load %arg6[%get3A_488] {strides = array<i32>} : memref<8192xf32, #tpu.memory_space<vmem>>, vector<16xf32>,
      %neg3A_490 = arith.constant 0.000000e+00 : f32
      %neg3A_491 = vector.broadcast %neg3A_490 : f32 to vector<16xf32>
      %neg3A_492 = arith.subf %neg3A_491, %get3A_489 : vector<16xf32>
      %swap3A_493 = arith.index_cast %mul3A_487 : i32 to index
      %swap3A_494 = tpu.vector_load %arg8[%swap3A_493] {strides = array<i32>} : memref<8192xf32, #tpu.memory_space<vmem>>, vector<16xf32>,
      tpu.vector_store %arg8[%swap3A_493], %neg3A_492 {strides = array<i32>} : memref<8192xf32, #tpu.memory_space<vmem>>, vector<16xf32>,
      %gt3A_495 = arith.cmpf ogt, %neg3A_492, %max3A_477 : vector<16xf32>
      %max3A_496 = arith.maximumf %max3A_477, %neg3A_492 : vector<16xf32>
      %select_n3A_497 = arith.select %gt3A_495, %add3A_481, %select_n3A_478 : vector<16xi1>, vector<16xi32>
      %add3A_498 = arith.constant 16 : i32
      %add3A_499 = vector.broadcast %add3A_498 : i32 to vector<16xi32>
      %add3A_500 = arith.addi %add3A_481, %add3A_499 : vector<16xi32>
      %mul3A_501 = arith.constant 8 : i32
      %mul3A_502 = arith.muli %scan3A_404, %mul3A_501 : i32
      %add3A_503 = arith.constant 5 : i32
      %add3A_504 = arith.addi %mul3A_502, %add3A_503 : i32
      %mul3A_505 = arith.constant 16 : i32
      %mul3A_506 = arith.muli %add3A_504, %mul3A_505 : i32
      %get3A_507 = arith.index_cast %mul3A_506 : i32 to index
      %get3A_508 = tpu.vector_load %arg6[%get3A_507] {strides = array<i32>} : memref<8192xf32, #tpu.memory_space<vmem>>, vector<16xf32>,
      %neg3A_509 = arith.constant 0.000000e+00 : f32
      %neg3A_510 = vector.broadcast %neg3A_509 : f32 to vector<16xf32>
      %neg3A_511 = arith.subf %neg3A_510, %get3A_508 : vector<16xf32>
      %swap3A_512 = arith.index_cast %mul3A_506 : i32 to index
      %swap3A_513 = tpu.vector_load %arg8[%swap3A_512] {strides = array<i32>} : memref<8192xf32, #tpu.memory_space<vmem>>, vector<16xf32>,
      tpu.vector_store %arg8[%swap3A_512], %neg3A_511 {strides = array<i32>} : memref<8192xf32, #tpu.memory_space<vmem>>, vector<16xf32>,
      %gt3A_514 = arith.cmpf ogt, %neg3A_511, %max3A_496 : vector<16xf32>
      %max3A_515 = arith.maximumf %max3A_496, %neg3A_511 : vector<16xf32>
      %select_n3A_516 = arith.select %gt3A_514, %add3A_500, %select_n3A_497 : vector<16xi1>, vector<16xi32>
      %add3A_517 = arith.constant 16 : i32
      %add3A_518 = vector.broadcast %add3A_517 : i32 to vector<16xi32>
      %add3A_519 = arith.addi %add3A_500, %add3A_518 : vector<16xi32>
      %mul3A_520 = arith.constant 8 : i32
      %mul3A_521 = arith.muli %scan3A_404, %mul3A_520 : i32
      %add3A_522 = arith.constant 6 : i32
      %add3A_523 = arith.addi %mul3A_521, %add3A_522 : i32
      %mul3A_524 = arith.constant 16 : i32
      %mul3A_525 = arith.muli %add3A_523, %mul3A_524 : i32
      %get3A_526 = arith.index_cast %mul3A_525 : i32 to index
      %get3A_527 = tpu.vector_load %arg6[%get3A_526] {strides = array<i32>} : memref<8192xf32, #tpu.memory_space<vmem>>, vector<16xf32>,
      %neg3A_528 = arith.constant 0.000000e+00 : f32
      %neg3A_529 = vector.broadcast %neg3A_528 : f32 to vector<16xf32>
      %neg3A_530 = arith.subf %neg3A_529, %get3A_527 : vector<16xf32>
      %swap3A_531 = arith.index_cast %mul3A_525 : i32 to index
      %swap3A_532 = tpu.vector_load %arg8[%swap3A_531] {strides = array<i32>} : memref<8192xf32, #tpu.memory_space<vmem>>, vector<16xf32>,
      tpu.vector_store %arg8[%swap3A_531], %neg3A_530 {strides = array<i32>} : memref<8192xf32, #tpu.memory_space<vmem>>, vector<16xf32>,
      %gt3A_533 = arith.cmpf ogt, %neg3A_530, %max3A_515 : vector<16xf32>
      %max3A_534 = arith.maximumf %max3A_515, %neg3A_530 : vector<16xf32>
      %select_n3A_535 = arith.select %gt3A_533, %add3A_519, %select_n3A_516 : vector<16xi1>, vector<16xi32>
      %add3A_536 = arith.constant 16 : i32
      %add3A_537 = vector.broadcast %add3A_536 : i32 to vector<16xi32>
      %add3A_538 = arith.addi %add3A_519, %add3A_537 : vector<16xi32>
      %mul3A_539 = arith.constant 8 : i32
      %mul3A_540 = arith.muli %scan3A_404, %mul3A_539 : i32
      %add3A_541 = arith.constant 7 : i32
      %add3A_542 = arith.addi %mul3A_540, %add3A_541 : i32
      %mul3A_543 = arith.constant 16 : i32
      %mul3A_544 = arith.muli %add3A_542, %mul3A_543 : i32
      %get3A_545 = arith.index_cast %mul3A_544 : i32 to index
      %get3A_546 = tpu.vector_load %arg6[%get3A_545] {strides = array<i32>} : memref<8192xf32, #tpu.memory_space<vmem>>, vector<16xf32>,
      %neg3A_547 = arith.constant 0.000000e+00 : f32
      %neg3A_548 = vector.broadcast %neg3A_547 : f32 to vector<16xf32>
      %neg3A_549 = arith.subf %neg3A_548, %get3A_546 : vector<16xf32>
      %swap3A_550 = arith.index_cast %mul3A_544 : i32 to index
      %swap3A_551 = tpu.vector_load %arg8[%swap3A_550] {strides = array<i32>} : memref<8192xf32, #tpu.memory_space<vmem>>, vector<16xf32>,
      tpu.vector_store %arg8[%swap3A_550], %neg3A_549 {strides = array<i32>} : memref<8192xf32, #tpu.memory_space<vmem>>, vector<16xf32>,
      %gt3A_552 = arith.cmpf ogt, %neg3A_549, %max3A_534 : vector<16xf32>
      %max3A_553 = arith.maximumf %max3A_534, %neg3A_549 : vector<16xf32>
      %select_n3A_554 = arith.select %gt3A_552, %add3A_538, %select_n3A_535 : vector<16xi1>, vector<16xi32>
      %add3A_555 = arith.constant 16 : i32
      %add3A_556 = vector.broadcast %add3A_555 : i32 to vector<16xi32>
      %add3A_557 = arith.addi %add3A_538, %add3A_556 : vector<16xi32>
      scf.yield %max3A_553, %select_n3A_554, %add3A_557 : vector<16xf32>, vector<16xi32>, vector<16xi32>
    }
    %scan3A_371 = arith.constant 64 : i32
    %scan3A_372 = arith.constant 0 : i32
    %scan3A_373 = arith.constant 2 : i32
    %scan3A_374 = arith.addi %scan3A_372, %scan3A_373 : i32
    %scan3A_375 = arith.constant 1 : i32
    %scan3A_376:3 = scf.for %scan3A_404 = %scan3A_372 to %scan3A_374 step %scan3A_375 iter_args(%scan3A_405 = %scan3A_370#0, %scan3A_406 = %scan3A_370#1, %scan3A_407 = %select_n3A_361) -> (vector<16xf32>, vector<16xi32>, vector<16xi32>)  : i32 {
      %swap3A_408 = arith.constant 0 : index
      %swap3A_409 = tpu.vector_load %arg9[%swap3A_408] {strides = array<i32>} : memref<16xf32, #tpu.memory_space<vmem>>, vector<16xf32>,
      tpu.vector_store %arg9[%swap3A_408], %scan3A_405 {strides = array<i32>} : memref<16xf32, #tpu.memory_space<vmem>>, vector<16xf32>,
      %swap3A_410 = arith.constant 0 : index
      %swap3A_411 = tpu.vector_load %arg10[%swap3A_410] {strides = array<i32>} : memref<16xi32, #tpu.memory_space<vmem>>, vector<16xi32>,
      tpu.vector_store %arg10[%swap3A_410], %scan3A_406 {strides = array<i32>} : memref<16xi32, #tpu.memory_space<vmem>>, vector<16xi32>,
      %xor3A_412 = arith.constant 8 : i32
      %xor3A_413 = vector.broadcast %xor3A_412 : i32 to vector<16xi32>
      %xor3A_414 = arith.xori %iota3A, %xor3A_413 : vector<16xi32>
      %gather3A_415 = tpu.vector_load_idx %arg9[%xor3A_414] : memref<16xf32, #tpu.memory_space<vmem>>[vector<16xi32>], vector<16xf32>,
      %xor3A_416 = arith.constant 8 : i32
      %xor3A_417 = vector.broadcast %xor3A_416 : i32 to vector<16xi32>
      %xor3A_418 = arith.xori %iota3A, %xor3A_417 : vector<16xi32>
      %gather3A_419 = tpu.vector_load_idx %arg10[%xor3A_418] : memref<16xi32, #tpu.memory_space<vmem>>[vector<16xi32>], vector<16xi32>,
      %gt3A_420 = arith.cmpf ogt, %gather3A_415, %scan3A_405 : vector<16xf32>
      %eq3A_421 = arith.cmpf oeq, %gather3A_415, %scan3A_405 : vector<16xf32>
      %lt3A_422 = arith.cmpi slt, %gather3A_419, %scan3A_406 : vector<16xi32>
      %and3A_423 = arith.andi %eq3A_421, %lt3A_422 : vector<16xi1>
      %or3A_424 = arith.ori %gt3A_420, %and3A_423 : vector<16xi1>
      %select_n3A_425 = arith.select %or3A_424, %gather3A_415, %scan3A_405 : vector<16xi1>, vector<16xf32>
      %select_n3A_426 = arith.select %or3A_424, %gather3A_419, %scan3A_406 : vector<16xi1>, vector<16xi32>
      %swap3A_427 = arith.constant 0 : index
      %swap3A_428 = tpu.vector_load %arg9[%swap3A_427] {strides = array<i32>} : memref<16xf32, #tpu.memory_space<vmem>>, vector<16xf32>,
      tpu.vector_store %arg9[%swap3A_427], %select_n3A_425 {strides = array<i32>} : memref<16xf32, #tpu.memory_space<vmem>>, vector<16xf32>,
      %swap3A_429 = arith.constant 0 : index
      %swap3A_430 = tpu.vector_load %arg10[%swap3A_429] {strides = array<i32>} : memref<16xi32, #tpu.memory_space<vmem>>, vector<16xi32>,
      tpu.vector_store %arg10[%swap3A_429], %select_n3A_426 {strides = array<i32>} : memref<16xi32, #tpu.memory_space<vmem>>, vector<16xi32>,
      %xor3A_431 = arith.constant 4 : i32
      %xor3A_432 = vector.broadcast %xor3A_431 : i32 to vector<16xi32>
      %xor3A_433 = arith.xori %iota3A, %xor3A_432 : vector<16xi32>
      %gather3A_434 = tpu.vector_load_idx %arg9[%xor3A_433] : memref<16xf32, #tpu.memory_space<vmem>>[vector<16xi32>], vector<16xf32>,
      %xor3A_435 = arith.constant 4 : i32
      %xor3A_436 = vector.broadcast %xor3A_435 : i32 to vector<16xi32>
      %xor3A_437 = arith.xori %iota3A, %xor3A_436 : vector<16xi32>
      %gather3A_438 = tpu.vector_load_idx %arg10[%xor3A_437] : memref<16xi32, #tpu.memory_space<vmem>>[vector<16xi32>], vector<16xi32>,
      %gt3A_439 = arith.cmpf ogt, %gather3A_434, %select_n3A_425 : vector<16xf32>
      %eq3A_440 = arith.cmpf oeq, %gather3A_434, %select_n3A_425 : vector<16xf32>
      %lt3A_441 = arith.cmpi slt, %gather3A_438, %select_n3A_426 : vector<16xi32>
      %and3A_442 = arith.andi %eq3A_440, %lt3A_441 : vector<16xi1>
      %or3A_443 = arith.ori %gt3A_439, %and3A_442 : vector<16xi1>
      %select_n3A_444 = arith.select %or3A_443, %gather3A_434, %select_n3A_425 : vector<16xi1>, vector<16xf32>
      %select_n3A_445 = arith.select %or3A_443, %gather3A_438, %select_n3A_426 : vector<16xi1>, vector<16xi32>
      %swap3A_446 = arith.constant 0 : index
      %swap3A_447 = tpu.vector_load %arg9[%swap3A_446] {strides = array<i32>} : memref<16xf32, #tpu.memory_space<vmem>>, vector<16xf32>,
      tpu.vector_store %arg9[%swap3A_446], %select_n3A_444 {strides = array<i32>} : memref<16xf32, #tpu.memory_space<vmem>>, vector<16xf32>,
      %swap3A_448 = arith.constant 0 : index
      %swap3A_449 = tpu.vector_load %arg10[%swap3A_448] {strides = array<i32>} : memref<16xi32, #tpu.memory_space<vmem>>, vector<16xi32>,
      tpu.vector_store %arg10[%swap3A_448], %select_n3A_445 {strides = array<i32>} : memref<16xi32, #tpu.memory_space<vmem>>, vector<16xi32>,
      %xor3A_450 = arith.constant 2 : i32
      %xor3A_451 = vector.broadcast %xor3A_450 : i32 to vector<16xi32>
      %xor3A_452 = arith.xori %iota3A, %xor3A_451 : vector<16xi32>
      %gather3A_453 = tpu.vector_load_idx %arg9[%xor3A_452] : memref<16xf32, #tpu.memory_space<vmem>>[vector<16xi32>], vector<16xf32>,
      %xor3A_454 = arith.constant 2 : i32
      %xor3A_455 = vector.broadcast %xor3A_454 : i32 to vector<16xi32>
      %xor3A_456 = arith.xori %iota3A, %xor3A_455 : vector<16xi32>
      %gather3A_457 = tpu.vector_load_idx %arg10[%xor3A_456] : memref<16xi32, #tpu.memory_space<vmem>>[vector<16xi32>], vector<16xi32>,
      %gt3A_458 = arith.cmpf ogt, %gather3A_453, %select_n3A_444 : vector<16xf32>
      %eq3A_459 = arith.cmpf oeq, %gather3A_453, %select_n3A_444 : vector<16xf32>
      %lt3A_460 = arith.cmpi slt, %gather3A_457, %select_n3A_445 : vector<16xi32>
      %and3A_461 = arith.andi %eq3A_459, %lt3A_460 : vector<16xi1>
      %or3A_462 = arith.ori %gt3A_458, %and3A_461 : vector<16xi1>
      %select_n3A_463 = arith.select %or3A_462, %gather3A_453, %select_n3A_444 : vector<16xi1>, vector<16xf32>
      %select_n3A_464 = arith.select %or3A_462, %gather3A_457, %select_n3A_445 : vector<16xi1>, vector<16xi32>
      %swap3A_465 = arith.constant 0 : index
      %swap3A_466 = tpu.vector_load %arg9[%swap3A_465] {strides = array<i32>} : memref<16xf32, #tpu.memory_space<vmem>>, vector<16xf32>,
      tpu.vector_store %arg9[%swap3A_465], %select_n3A_463 {strides = array<i32>} : memref<16xf32, #tpu.memory_space<vmem>>, vector<16xf32>,
      %swap3A_467 = arith.constant 0 : index
      %swap3A_468 = tpu.vector_load %arg10[%swap3A_467] {strides = array<i32>} : memref<16xi32, #tpu.memory_space<vmem>>, vector<16xi32>,
      tpu.vector_store %arg10[%swap3A_467], %select_n3A_464 {strides = array<i32>} : memref<16xi32, #tpu.memory_space<vmem>>, vector<16xi32>,
      %xor3A_469 = arith.constant 1 : i32
      %xor3A_470 = vector.broadcast %xor3A_469 : i32 to vector<16xi32>
      %xor3A_471 = arith.xori %iota3A, %xor3A_470 : vector<16xi32>
      %gather3A_472 = tpu.vector_load_idx %arg9[%xor3A_471] : memref<16xf32, #tpu.memory_space<vmem>>[vector<16xi32>], vector<16xf32>,
      %xor3A_473 = arith.constant 1 : i32
      %xor3A_474 = vector.broadcast %xor3A_473 : i32 to vector<16xi32>
      %xor3A_475 = arith.xori %iota3A, %xor3A_474 : vector<16xi32>
      %gather3A_476 = tpu.vector_load_idx %arg10[%xor3A_475] : memref<16xi32, #tpu.memory_space<vmem>>[vector<16xi32>], vector<16xi32>,
      %gt3A_477 = arith.cmpf ogt, %gather3A_472, %select_n3A_463 : vector<16xf32>
      %eq3A_478 = arith.cmpf oeq, %gather3A_472, %select_n3A_463 : vector<16xf32>
      %lt3A_479 = arith.cmpi slt, %gather3A_476, %select_n3A_464 : vector<16xi32>
      %and3A_480 = arith.andi %eq3A_478, %lt3A_479 : vector<16xi1>
      %or3A_481 = arith.ori %gt3A_477, %and3A_480 : vector<16xi1>
      %select_n3A_482 = arith.select %or3A_481, %gather3A_472, %select_n3A_463 : vector<16xi1>, vector<16xf32>
      %select_n3A_483 = arith.select %or3A_481, %gather3A_476, %select_n3A_464 : vector<16xi1>, vector<16xi32>
      %add3A_484 = arith.constant 4 : i32
      %add3A_485 = arith.addi %add3A_484, %scan3A_404 : i32
      %eq3A_486 = vector.broadcast %add3A_485 : i32 to vector<16xi32>
      %eq3A_487 = arith.cmpi eq, %iota3A, %eq3A_486 : vector<16xi32>
      %select_n3A_488 = arith.select %eq3A_487, %select_n3A_483, %scan3A_407 : vector<16xi1>, vector<16xi32>
      %broadcast_in_dim3A_489 = arith.constant 0xFF800000 : f32
      %broadcast_in_dim3A_490 = vector.broadcast %broadcast_in_dim3A_489 : f32 to vector<16xf32>
      %eq3A_491 = arith.constant 0 : i32
      %eq3A_492 = vector.broadcast %eq3A_491 : i32 to vector<16xi32>
      %eq3A_493 = arith.cmpi eq, %iota3A, %eq3A_492 : vector<16xi32>
      tpu.vector_store_idx %arg8[%select_n3A_483], %broadcast_in_dim3A_490 masked %eq3A_493 : memref<8192xf32, #tpu.memory_space<vmem>>[vector<16xi32>], vector<16xf32>, vector<16xi1>
      %and3A_494 = arith.constant 15 : i32
      %and3A_495 = vector.broadcast %and3A_494 : i32 to vector<16xi32>
      %and3A_496 = arith.andi %select_n3A_483, %and3A_495 : vector<16xi32>
      %mul3A_497 = arith.constant 16 : i32
      %mul3A_498 = vector.broadcast %mul3A_497 : i32 to vector<16xi32>
      %mul3A_499 = arith.muli %mul3A_498, %iota3A : vector<16xi32>
      %add3A_500 = arith.addi %and3A_496, %mul3A_499 : vector<16xi32>
      %broadcast_in_dim3A_501 = arith.constant 0xFF800000 : f32
      %broadcast_in_dim3A_502 = vector.broadcast %broadcast_in_dim3A_501 : f32 to vector<16xf32>
      %broadcast_in_dim3A_503 = arith.constant 0 : i32
      %broadcast_in_dim3A_504 = vector.broadcast %broadcast_in_dim3A_503 : i32 to vector<16xi32>
      %broadcast_in_dim3A_505 = arith.constant 0xFF800000 : f32
      %broadcast_in_dim3A_506 = vector.broadcast %broadcast_in_dim3A_505 : f32 to vector<16xf32>
      %broadcast_in_dim3A_507 = arith.constant 0 : i32
      %broadcast_in_dim3A_508 = vector.broadcast %broadcast_in_dim3A_507 : i32 to vector<16xi32>
      %broadcast_in_dim3A_509 = arith.constant 0xFF800000 : f32
      %broadcast_in_dim3A_510 = vector.broadcast %broadcast_in_dim3A_509 : f32 to vector<16xf32>
      %broadcast_in_dim3A_511 = arith.constant 0 : i32
      %broadcast_in_dim3A_512 = vector.broadcast %broadcast_in_dim3A_511 : i32 to vector<16xi32>
      %broadcast_in_dim3A_513 = arith.constant 0xFF800000 : f32
      %broadcast_in_dim3A_514 = vector.broadcast %broadcast_in_dim3A_513 : f32 to vector<16xf32>
      %broadcast_in_dim3A_515 = arith.constant 0 : i32
      %broadcast_in_dim3A_516 = vector.broadcast %broadcast_in_dim3A_515 : i32 to vector<16xi32>
      %add3A_517 = arith.constant 0 : i32
      %add3A_518 = vector.broadcast %add3A_517 : i32 to vector<16xi32>
      %add3A_519 = arith.addi %add3A_500, %add3A_518 : vector<16xi32>
      %gather3A_520 = tpu.vector_load_idx %arg8[%add3A_519] : memref<8192xf32, #tpu.memory_space<vmem>>[vector<16xi32>], vector<16xf32>,
      %gt3A_521 = arith.cmpf ogt, %gather3A_520, %broadcast_in_dim3A_502 : vector<16xf32>
      %max3A = arith.maximumf %broadcast_in_dim3A_502, %gather3A_520 : vector<16xf32>
      %select_n3A_522 = arith.select %gt3A_521, %add3A_519, %broadcast_in_dim3A_504 : vector<16xi1>, vector<16xi32>
      %add3A_523 = arith.constant 256 : i32
      %add3A_524 = vector.broadcast %add3A_523 : i32 to vector<16xi32>
      %add3A_525 = arith.addi %add3A_500, %add3A_524 : vector<16xi32>
      %gather3A_526 = tpu.vector_load_idx %arg8[%add3A_525] : memref<8192xf32, #tpu.memory_space<vmem>>[vector<16xi32>], vector<16xf32>,
      %gt3A_527 = arith.cmpf ogt, %gather3A_526, %broadcast_in_dim3A_506 : vector<16xf32>
      %max3A_528 = arith.maximumf %broadcast_in_dim3A_506, %gather3A_526 : vector<16xf32>
      %select_n3A_529 = arith.select %gt3A_527, %add3A_525, %broadcast_in_dim3A_508 : vector<16xi1>, vector<16xi32>
      %add3A_530 = arith.constant 512 : i32
      %add3A_531 = vector.broadcast %add3A_530 : i32 to vector<16xi32>
      %add3A_532 = arith.addi %add3A_500, %add3A_531 : vector<16xi32>
      %gather3A_533 = tpu.vector_load_idx %arg8[%add3A_532] : memref<8192xf32, #tpu.memory_space<vmem>>[vector<16xi32>], vector<16xf32>,
      %gt3A_534 = arith.cmpf ogt, %gather3A_533, %broadcast_in_dim3A_510 : vector<16xf32>
      %max3A_535 = arith.maximumf %broadcast_in_dim3A_510, %gather3A_533 : vector<16xf32>
      %select_n3A_536 = arith.select %gt3A_534, %add3A_532, %broadcast_in_dim3A_512 : vector<16xi1>, vector<16xi32>
      %add3A_537 = arith.constant 768 : i32
      %add3A_538 = vector.broadcast %add3A_537 : i32 to vector<16xi32>
      %add3A_539 = arith.addi %add3A_500, %add3A_538 : vector<16xi32>
      %gather3A_540 = tpu.vector_load_idx %arg8[%add3A_539] : memref<8192xf32, #tpu.memory_space<vmem>>[vector<16xi32>], vector<16xf32>,
      %gt3A_541 = arith.cmpf ogt, %gather3A_540, %broadcast_in_dim3A_514 : vector<16xf32>
      %max3A_542 = arith.maximumf %broadcast_in_dim3A_514, %gather3A_540 : vector<16xf32>
      %select_n3A_543 = arith.select %gt3A_541, %add3A_539, %broadcast_in_dim3A_516 : vector<16xi1>, vector<16xi32>
      %add3A_544 = arith.constant 1024 : i32
      %add3A_545 = vector.broadcast %add3A_544 : i32 to vector<16xi32>
      %add3A_546 = arith.addi %add3A_500, %add3A_545 : vector<16xi32>
      %gather3A_547 = tpu.vector_load_idx %arg8[%add3A_546] : memref<8192xf32, #tpu.memory_space<vmem>>[vector<16xi32>], vector<16xf32>,
      %gt3A_548 = arith.cmpf ogt, %gather3A_547, %max3A : vector<16xf32>
      %max3A_549 = arith.maximumf %max3A, %gather3A_547 : vector<16xf32>
      %select_n3A_550 = arith.select %gt3A_548, %add3A_546, %select_n3A_522 : vector<16xi1>, vector<16xi32>
      %add3A_551 = arith.constant 1280 : i32
      %add3A_552 = vector.broadcast %add3A_551 : i32 to vector<16xi32>
      %add3A_553 = arith.addi %add3A_500, %add3A_552 : vector<16xi32>
      %gather3A_554 = tpu.vector_load_idx %arg8[%add3A_553] : memref<8192xf32, #tpu.memory_space<vmem>>[vector<16xi32>], vector<16xf32>,
      %gt3A_555 = arith.cmpf ogt, %gather3A_554, %max3A_528 : vector<16xf32>
      %max3A_556 = arith.maximumf %max3A_528, %gather3A_554 : vector<16xf32>
      %select_n3A_557 = arith.select %gt3A_555, %add3A_553, %select_n3A_529 : vector<16xi1>, vector<16xi32>
      %add3A_558 = arith.constant 1536 : i32
      %add3A_559 = vector.broadcast %add3A_558 : i32 to vector<16xi32>
      %add3A_560 = arith.addi %add3A_500, %add3A_559 : vector<16xi32>
      %gather3A_561 = tpu.vector_load_idx %arg8[%add3A_560] : memref<8192xf32, #tpu.memory_space<vmem>>[vector<16xi32>], vector<16xf32>,
      %gt3A_562 = arith.cmpf ogt, %gather3A_561, %max3A_535 : vector<16xf32>
      %max3A_563 = arith.maximumf %max3A_535, %gather3A_561 : vector<16xf32>
      %select_n3A_564 = arith.select %gt3A_562, %add3A_560, %select_n3A_536 : vector<16xi1>, vector<16xi32>
      %add3A_565 = arith.constant 1792 : i32
      %add3A_566 = vector.broadcast %add3A_565 : i32 to vector<16xi32>
      %add3A_567 = arith.addi %add3A_500, %add3A_566 : vector<16xi32>
      %gather3A_568 = tpu.vector_load_idx %arg8[%add3A_567] : memref<8192xf32, #tpu.memory_space<vmem>>[vector<16xi32>], vector<16xf32>,
      %gt3A_569 = arith.cmpf ogt, %gather3A_568, %max3A_542 : vector<16xf32>
      %max3A_570 = arith.maximumf %max3A_542, %gather3A_568 : vector<16xf32>
      %select_n3A_571 = arith.select %gt3A_569, %add3A_567, %select_n3A_543 : vector<16xi1>, vector<16xi32>
      %add3A_572 = arith.constant 2048 : i32
      %add3A_573 = vector.broadcast %add3A_572 : i32 to vector<16xi32>
      %add3A_574 = arith.addi %add3A_500, %add3A_573 : vector<16xi32>
      %gather3A_575 = tpu.vector_load_idx %arg8[%add3A_574] : memref<8192xf32, #tpu.memory_space<vmem>>[vector<16xi32>], vector<16xf32>,
      %gt3A_576 = arith.cmpf ogt, %gather3A_575, %max3A_549 : vector<16xf32>
      %max3A_577 = arith.maximumf %max3A_549, %gather3A_575 : vector<16xf32>
      %select_n3A_578 = arith.select %gt3A_576, %add3A_574, %select_n3A_550 : vector<16xi1>, vector<16xi32>
      %add3A_579 = arith.constant 2304 : i32
      %add3A_580 = vector.broadcast %add3A_579 : i32 to vector<16xi32>
      %add3A_581 = arith.addi %add3A_500, %add3A_580 : vector<16xi32>
      %gather3A_582 = tpu.vector_load_idx %arg8[%add3A_581] : memref<8192xf32, #tpu.memory_space<vmem>>[vector<16xi32>], vector<16xf32>,
      %gt3A_583 = arith.cmpf ogt, %gather3A_582, %max3A_556 : vector<16xf32>
      %max3A_584 = arith.maximumf %max3A_556, %gather3A_582 : vector<16xf32>
      %select_n3A_585 = arith.select %gt3A_583, %add3A_581, %select_n3A_557 : vector<16xi1>, vector<16xi32>
      %add3A_586 = arith.constant 2560 : i32
      %add3A_587 = vector.broadcast %add3A_586 : i32 to vector<16xi32>
      %add3A_588 = arith.addi %add3A_500, %add3A_587 : vector<16xi32>
      %gather3A_589 = tpu.vector_load_idx %arg8[%add3A_588] : memref<8192xf32, #tpu.memory_space<vmem>>[vector<16xi32>], vector<16xf32>,
      %gt3A_590 = arith.cmpf ogt, %gather3A_589, %max3A_563 : vector<16xf32>
      %max3A_591 = arith.maximumf %max3A_563, %gather3A_589 : vector<16xf32>
      %select_n3A_592 = arith.select %gt3A_590, %add3A_588, %select_n3A_564 : vector<16xi1>, vector<16xi32>
      %add3A_593 = arith.constant 2816 : i32
      %add3A_594 = vector.broadcast %add3A_593 : i32 to vector<16xi32>
      %add3A_595 = arith.addi %add3A_500, %add3A_594 : vector<16xi32>
      %gather3A_596 = tpu.vector_load_idx %arg8[%add3A_595] : memref<8192xf32, #tpu.memory_space<vmem>>[vector<16xi32>], vector<16xf32>,
      %gt3A_597 = arith.cmpf ogt, %gather3A_596, %max3A_570 : vector<16xf32>
      %max3A_598 = arith.maximumf %max3A_570, %gather3A_596 : vector<16xf32>
      %select_n3A_599 = arith.select %gt3A_597, %add3A_595, %select_n3A_571 : vector<16xi1>, vector<16xi32>
      %add3A_600 = arith.constant 3072 : i32
      %add3A_601 = vector.broadcast %add3A_600 : i32 to vector<16xi32>
      %add3A_602 = arith.addi %add3A_500, %add3A_601 : vector<16xi32>
      %gather3A_603 = tpu.vector_load_idx %arg8[%add3A_602] : memref<8192xf32, #tpu.memory_space<vmem>>[vector<16xi32>], vector<16xf32>,
      %gt3A_604 = arith.cmpf ogt, %gather3A_603, %max3A_577 : vector<16xf32>
      %max3A_605 = arith.maximumf %max3A_577, %gather3A_603 : vector<16xf32>
      %select_n3A_606 = arith.select %gt3A_604, %add3A_602, %select_n3A_578 : vector<16xi1>, vector<16xi32>
      %add3A_607 = arith.constant 3328 : i32
      %add3A_608 = vector.broadcast %add3A_607 : i32 to vector<16xi32>
      %add3A_609 = arith.addi %add3A_500, %add3A_608 : vector<16xi32>
      %gather3A_610 = tpu.vector_load_idx %arg8[%add3A_609] : memref<8192xf32, #tpu.memory_space<vmem>>[vector<16xi32>], vector<16xf32>,
      %gt3A_611 = arith.cmpf ogt, %gather3A_610, %max3A_584 : vector<16xf32>
      %max3A_612 = arith.maximumf %max3A_584, %gather3A_610 : vector<16xf32>
      %select_n3A_613 = arith.select %gt3A_611, %add3A_609, %select_n3A_585 : vector<16xi1>, vector<16xi32>
      %add3A_614 = arith.constant 3584 : i32
      %add3A_615 = vector.broadcast %add3A_614 : i32 to vector<16xi32>
      %add3A_616 = arith.addi %add3A_500, %add3A_615 : vector<16xi32>
      %gather3A_617 = tpu.vector_load_idx %arg8[%add3A_616] : memref<8192xf32, #tpu.memory_space<vmem>>[vector<16xi32>], vector<16xf32>,
      %gt3A_618 = arith.cmpf ogt, %gather3A_617, %max3A_591 : vector<16xf32>
      %max3A_619 = arith.maximumf %max3A_591, %gather3A_617 : vector<16xf32>
      %select_n3A_620 = arith.select %gt3A_618, %add3A_616, %select_n3A_592 : vector<16xi1>, vector<16xi32>
      %add3A_621 = arith.constant 3840 : i32
      %add3A_622 = vector.broadcast %add3A_621 : i32 to vector<16xi32>
      %add3A_623 = arith.addi %add3A_500, %add3A_622 : vector<16xi32>
      %gather3A_624 = tpu.vector_load_idx %arg8[%add3A_623] : memref<8192xf32, #tpu.memory_space<vmem>>[vector<16xi32>], vector<16xf32>,
      %gt3A_625 = arith.cmpf ogt, %gather3A_624, %max3A_598 : vector<16xf32>
      %max3A_626 = arith.maximumf %max3A_598, %gather3A_624 : vector<16xf32>
      %select_n3A_627 = arith.select %gt3A_625, %add3A_623, %select_n3A_599 : vector<16xi1>, vector<16xi32>
      %add3A_628 = arith.constant 4096 : i32
      %add3A_629 = vector.broadcast %add3A_628 : i32 to vector<16xi32>
      %add3A_630 = arith.addi %add3A_500, %add3A_629 : vector<16xi32>
      %gather3A_631 = tpu.vector_load_idx %arg8[%add3A_630] : memref<8192xf32, #tpu.memory_space<vmem>>[vector<16xi32>], vector<16xf32>,
      %gt3A_632 = arith.cmpf ogt, %gather3A_631, %max3A_605 : vector<16xf32>
      %max3A_633 = arith.maximumf %max3A_605, %gather3A_631 : vector<16xf32>
      %select_n3A_634 = arith.select %gt3A_632, %add3A_630, %select_n3A_606 : vector<16xi1>, vector<16xi32>
      %add3A_635 = arith.constant 4352 : i32
      %add3A_636 = vector.broadcast %add3A_635 : i32 to vector<16xi32>
      %add3A_637 = arith.addi %add3A_500, %add3A_636 : vector<16xi32>
      %gather3A_638 = tpu.vector_load_idx %arg8[%add3A_637] : memref<8192xf32, #tpu.memory_space<vmem>>[vector<16xi32>], vector<16xf32>,
      %gt3A_639 = arith.cmpf ogt, %gather3A_638, %max3A_612 : vector<16xf32>
      %max3A_640 = arith.maximumf %max3A_612, %gather3A_638 : vector<16xf32>
      %select_n3A_641 = arith.select %gt3A_639, %add3A_637, %select_n3A_613 : vector<16xi1>, vector<16xi32>
      %add3A_642 = arith.constant 4608 : i32
      %add3A_643 = vector.broadcast %add3A_642 : i32 to vector<16xi32>
      %add3A_644 = arith.addi %add3A_500, %add3A_643 : vector<16xi32>
      %gather3A_645 = tpu.vector_load_idx %arg8[%add3A_644] : memref<8192xf32, #tpu.memory_space<vmem>>[vector<16xi32>], vector<16xf32>,
      %gt3A_646 = arith.cmpf ogt, %gather3A_645, %max3A_619 : vector<16xf32>
      %max3A_647 = arith.maximumf %max3A_619, %gather3A_645 : vector<16xf32>
      %select_n3A_648 = arith.select %gt3A_646, %add3A_644, %select_n3A_620 : vector<16xi1>, vector<16xi32>
      %add3A_649 = arith.constant 4864 : i32
      %add3A_650 = vector.broadcast %add3A_649 : i32 to vector<16xi32>
      %add3A_651 = arith.addi %add3A_500, %add3A_650 : vector<16xi32>
      %gather3A_652 = tpu.vector_load_idx %arg8[%add3A_651] : memref<8192xf32, #tpu.memory_space<vmem>>[vector<16xi32>], vector<16xf32>,
      %gt3A_653 = arith.cmpf ogt, %gather3A_652, %max3A_626 : vector<16xf32>
      %max3A_654 = arith.maximumf %max3A_626, %gather3A_652 : vector<16xf32>
      %select_n3A_655 = arith.select %gt3A_653, %add3A_651, %select_n3A_627 : vector<16xi1>, vector<16xi32>
      %add3A_656 = arith.constant 5120 : i32
      %add3A_657 = vector.broadcast %add3A_656 : i32 to vector<16xi32>
      %add3A_658 = arith.addi %add3A_500, %add3A_657 : vector<16xi32>
      %gather3A_659 = tpu.vector_load_idx %arg8[%add3A_658] : memref<8192xf32, #tpu.memory_space<vmem>>[vector<16xi32>], vector<16xf32>,
      %gt3A_660 = arith.cmpf ogt, %gather3A_659, %max3A_633 : vector<16xf32>
      %max3A_661 = arith.maximumf %max3A_633, %gather3A_659 : vector<16xf32>
      %select_n3A_662 = arith.select %gt3A_660, %add3A_658, %select_n3A_634 : vector<16xi1>, vector<16xi32>
      %add3A_663 = arith.constant 5376 : i32
      %add3A_664 = vector.broadcast %add3A_663 : i32 to vector<16xi32>
      %add3A_665 = arith.addi %add3A_500, %add3A_664 : vector<16xi32>
      %gather3A_666 = tpu.vector_load_idx %arg8[%add3A_665] : memref<8192xf32, #tpu.memory_space<vmem>>[vector<16xi32>], vector<16xf32>,
      %gt3A_667 = arith.cmpf ogt, %gather3A_666, %max3A_640 : vector<16xf32>
      %max3A_668 = arith.maximumf %max3A_640, %gather3A_666 : vector<16xf32>
      %select_n3A_669 = arith.select %gt3A_667, %add3A_665, %select_n3A_641 : vector<16xi1>, vector<16xi32>
      %add3A_670 = arith.constant 5632 : i32
      %add3A_671 = vector.broadcast %add3A_670 : i32 to vector<16xi32>
      %add3A_672 = arith.addi %add3A_500, %add3A_671 : vector<16xi32>
      %gather3A_673 = tpu.vector_load_idx %arg8[%add3A_672] : memref<8192xf32, #tpu.memory_space<vmem>>[vector<16xi32>], vector<16xf32>,
      %gt3A_674 = arith.cmpf ogt, %gather3A_673, %max3A_647 : vector<16xf32>
      %max3A_675 = arith.maximumf %max3A_647, %gather3A_673 : vector<16xf32>
      %select_n3A_676 = arith.select %gt3A_674, %add3A_672, %select_n3A_648 : vector<16xi1>, vector<16xi32>
      %add3A_677 = arith.constant 5888 : i32
      %add3A_678 = vector.broadcast %add3A_677 : i32 to vector<16xi32>
      %add3A_679 = arith.addi %add3A_500, %add3A_678 : vector<16xi32>
      %gather3A_680 = tpu.vector_load_idx %arg8[%add3A_679] : memref<8192xf32, #tpu.memory_space<vmem>>[vector<16xi32>], vector<16xf32>,
      %gt3A_681 = arith.cmpf ogt, %gather3A_680, %max3A_654 : vector<16xf32>
      %max3A_682 = arith.maximumf %max3A_654, %gather3A_680 : vector<16xf32>
      %select_n3A_683 = arith.select %gt3A_681, %add3A_679, %select_n3A_655 : vector<16xi1>, vector<16xi32>
      %add3A_684 = arith.constant 6144 : i32
      %add3A_685 = vector.broadcast %add3A_684 : i32 to vector<16xi32>
      %add3A_686 = arith.addi %add3A_500, %add3A_685 : vector<16xi32>
      %gather3A_687 = tpu.vector_load_idx %arg8[%add3A_686] : memref<8192xf32, #tpu.memory_space<vmem>>[vector<16xi32>], vector<16xf32>,
      %gt3A_688 = arith.cmpf ogt, %gather3A_687, %max3A_661 : vector<16xf32>
      %max3A_689 = arith.maximumf %max3A_661, %gather3A_687 : vector<16xf32>
      %select_n3A_690 = arith.select %gt3A_688, %add3A_686, %select_n3A_662 : vector<16xi1>, vector<16xi32>
      %add3A_691 = arith.constant 6400 : i32
      %add3A_692 = vector.broadcast %add3A_691 : i32 to vector<16xi32>
      %add3A_693 = arith.addi %add3A_500, %add3A_692 : vector<16xi32>
      %gather3A_694 = tpu.vector_load_idx %arg8[%add3A_693] : memref<8192xf32, #tpu.memory_space<vmem>>[vector<16xi32>], vector<16xf32>,
      %gt3A_695 = arith.cmpf ogt, %gather3A_694, %max3A_668 : vector<16xf32>
      %max3A_696 = arith.maximumf %max3A_668, %gather3A_694 : vector<16xf32>
      %select_n3A_697 = arith.select %gt3A_695, %add3A_693, %select_n3A_669 : vector<16xi1>, vector<16xi32>
      %add3A_698 = arith.constant 6656 : i32
      %add3A_699 = vector.broadcast %add3A_698 : i32 to vector<16xi32>
      %add3A_700 = arith.addi %add3A_500, %add3A_699 : vector<16xi32>
      %gather3A_701 = tpu.vector_load_idx %arg8[%add3A_700] : memref<8192xf32, #tpu.memory_space<vmem>>[vector<16xi32>], vector<16xf32>,
      %gt3A_702 = arith.cmpf ogt, %gather3A_701, %max3A_675 : vector<16xf32>
      %max3A_703 = arith.maximumf %max3A_675, %gather3A_701 : vector<16xf32>
      %select_n3A_704 = arith.select %gt3A_702, %add3A_700, %select_n3A_676 : vector<16xi1>, vector<16xi32>
      %add3A_705 = arith.constant 6912 : i32
      %add3A_706 = vector.broadcast %add3A_705 : i32 to vector<16xi32>
      %add3A_707 = arith.addi %add3A_500, %add3A_706 : vector<16xi32>
      %gather3A_708 = tpu.vector_load_idx %arg8[%add3A_707] : memref<8192xf32, #tpu.memory_space<vmem>>[vector<16xi32>], vector<16xf32>,
      %gt3A_709 = arith.cmpf ogt, %gather3A_708, %max3A_682 : vector<16xf32>
      %max3A_710 = arith.maximumf %max3A_682, %gather3A_708 : vector<16xf32>
      %select_n3A_711 = arith.select %gt3A_709, %add3A_707, %select_n3A_683 : vector<16xi1>, vector<16xi32>
      %add3A_712 = arith.constant 7168 : i32
      %add3A_713 = vector.broadcast %add3A_712 : i32 to vector<16xi32>
      %add3A_714 = arith.addi %add3A_500, %add3A_713 : vector<16xi32>
      %gather3A_715 = tpu.vector_load_idx %arg8[%add3A_714] : memref<8192xf32, #tpu.memory_space<vmem>>[vector<16xi32>], vector<16xf32>,
      %gt3A_716 = arith.cmpf ogt, %gather3A_715, %max3A_689 : vector<16xf32>
      %max3A_717 = arith.maximumf %max3A_689, %gather3A_715 : vector<16xf32>
      %select_n3A_718 = arith.select %gt3A_716, %add3A_714, %select_n3A_690 : vector<16xi1>, vector<16xi32>
      %add3A_719 = arith.constant 7424 : i32
      %add3A_720 = vector.broadcast %add3A_719 : i32 to vector<16xi32>
      %add3A_721 = arith.addi %add3A_500, %add3A_720 : vector<16xi32>
      %gather3A_722 = tpu.vector_load_idx %arg8[%add3A_721] : memref<8192xf32, #tpu.memory_space<vmem>>[vector<16xi32>], vector<16xf32>,
      %gt3A_723 = arith.cmpf ogt, %gather3A_722, %max3A_696 : vector<16xf32>
      %max3A_724 = arith.maximumf %max3A_696, %gather3A_722 : vector<16xf32>
      %select_n3A_725 = arith.select %gt3A_723, %add3A_721, %select_n3A_697 : vector<16xi1>, vector<16xi32>
      %add3A_726 = arith.constant 7680 : i32
      %add3A_727 = vector.broadcast %add3A_726 : i32 to vector<16xi32>
      %add3A_728 = arith.addi %add3A_500, %add3A_727 : vector<16xi32>
      %gather3A_729 = tpu.vector_load_idx %arg8[%add3A_728] : memref<8192xf32, #tpu.memory_space<vmem>>[vector<16xi32>], vector<16xf32>,
      %gt3A_730 = arith.cmpf ogt, %gather3A_729, %max3A_703 : vector<16xf32>
      %max3A_731 = arith.maximumf %max3A_703, %gather3A_729 : vector<16xf32>
      %select_n3A_732 = arith.select %gt3A_730, %add3A_728, %select_n3A_704 : vector<16xi1>, vector<16xi32>
      %add3A_733 = arith.constant 7936 : i32
      %add3A_734 = vector.broadcast %add3A_733 : i32 to vector<16xi32>
      %add3A_735 = arith.addi %add3A_500, %add3A_734 : vector<16xi32>
      %gather3A_736 = tpu.vector_load_idx %arg8[%add3A_735] : memref<8192xf32, #tpu.memory_space<vmem>>[vector<16xi32>], vector<16xf32>,
      %gt3A_737 = arith.cmpf ogt, %gather3A_736, %max3A_710 : vector<16xf32>
      %max3A_738 = arith.maximumf %max3A_710, %gather3A_736 : vector<16xf32>
      %select_n3A_739 = arith.select %gt3A_737, %add3A_735, %select_n3A_711 : vector<16xi1>, vector<16xi32>
      %gt3A_740 = arith.cmpf ogt, %max3A_724, %max3A_717 : vector<16xf32>
      %eq3A_741 = arith.cmpf oeq, %max3A_724, %max3A_717 : vector<16xf32>
      %lt3A_742 = arith.cmpi slt, %select_n3A_725, %select_n3A_718 : vector<16xi32>
      %and3A_743 = arith.andi %eq3A_741, %lt3A_742 : vector<16xi1>
      %or3A_744 = arith.ori %gt3A_740, %and3A_743 : vector<16xi1>
      %select_n3A_745 = arith.select %or3A_744, %max3A_724, %max3A_717 : vector<16xi1>, vector<16xf32>
      %select_n3A_746 = arith.select %or3A_744, %select_n3A_725, %select_n3A_718 : vector<16xi1>, vector<16xi32>
      %gt3A_747 = arith.cmpf ogt, %max3A_731, %select_n3A_745 : vector<16xf32>
      %eq3A_748 = arith.cmpf oeq, %max3A_731, %select_n3A_745 : vector<16xf32>
      %lt3A_749 = arith.cmpi slt, %select_n3A_732, %select_n3A_746 : vector<16xi32>
      %and3A_750 = arith.andi %eq3A_748, %lt3A_749 : vector<16xi1>
      %or3A_751 = arith.ori %gt3A_747, %and3A_750 : vector<16xi1>
      %select_n3A_752 = arith.select %or3A_751, %max3A_731, %select_n3A_745 : vector<16xi1>, vector<16xf32>
      %select_n3A_753 = arith.select %or3A_751, %select_n3A_732, %select_n3A_746 : vector<16xi1>, vector<16xi32>
      %gt3A_754 = arith.cmpf ogt, %max3A_738, %select_n3A_752 : vector<16xf32>
      %eq3A_755 = arith.cmpf oeq, %max3A_738, %select_n3A_752 : vector<16xf32>
      %lt3A_756 = arith.cmpi slt, %select_n3A_739, %select_n3A_753 : vector<16xi32>
      %and3A_757 = arith.andi %eq3A_755, %lt3A_756 : vector<16xi1>
      %or3A_758 = arith.ori %gt3A_754, %and3A_757 : vector<16xi1>
      %select_n3A_759 = arith.select %or3A_758, %max3A_738, %select_n3A_752 : vector<16xi1>, vector<16xf32>
      %select_n3A_760 = arith.select %or3A_758, %select_n3A_739, %select_n3A_753 : vector<16xi1>, vector<16xi32>
      %swap3A_761 = arith.constant 0 : index
      %swap3A_762 = tpu.vector_load %arg9[%swap3A_761] {strides = array<i32>} : memref<16xf32, #tpu.memory_space<vmem>>, vector<16xf32>,
      tpu.vector_store %arg9[%swap3A_761], %select_n3A_759 {strides = array<i32>} : memref<16xf32, #tpu.memory_space<vmem>>, vector<16xf32>,
      %swap3A_763 = arith.constant 0 : index
      %swap3A_764 = tpu.vector_load %arg10[%swap3A_763] {strides = array<i32>} : memref<16xi32, #tpu.memory_space<vmem>>, vector<16xi32>,
      tpu.vector_store %arg10[%swap3A_763], %select_n3A_760 {strides = array<i32>} : memref<16xi32, #tpu.memory_space<vmem>>, vector<16xi32>,
      %xor3A_765 = arith.constant 8 : i32
      %xor3A_766 = vector.broadcast %xor3A_765 : i32 to vector<16xi32>
      %xor3A_767 = arith.xori %iota3A, %xor3A_766 : vector<16xi32>
      %gather3A_768 = tpu.vector_load_idx %arg9[%xor3A_767] : memref<16xf32, #tpu.memory_space<vmem>>[vector<16xi32>], vector<16xf32>,
      %xor3A_769 = arith.constant 8 : i32
      %xor3A_770 = vector.broadcast %xor3A_769 : i32 to vector<16xi32>
      %xor3A_771 = arith.xori %iota3A, %xor3A_770 : vector<16xi32>
      %gather3A_772 = tpu.vector_load_idx %arg10[%xor3A_771] : memref<16xi32, #tpu.memory_space<vmem>>[vector<16xi32>], vector<16xi32>,
      %gt3A_773 = arith.cmpf ogt, %gather3A_768, %select_n3A_759 : vector<16xf32>
      %eq3A_774 = arith.cmpf oeq, %gather3A_768, %select_n3A_759 : vector<16xf32>
      %lt3A_775 = arith.cmpi slt, %gather3A_772, %select_n3A_760 : vector<16xi32>
      %and3A_776 = arith.andi %eq3A_774, %lt3A_775 : vector<16xi1>
      %or3A_777 = arith.ori %gt3A_773, %and3A_776 : vector<16xi1>
      %select_n3A_778 = arith.select %or3A_777, %gather3A_768, %select_n3A_759 : vector<16xi1>, vector<16xf32>
      %select_n3A_779 = arith.select %or3A_777, %gather3A_772, %select_n3A_760 : vector<16xi1>, vector<16xi32>
      %swap3A_780 = arith.constant 0 : index
      %swap3A_781 = tpu.vector_load %arg9[%swap3A_780] {strides = array<i32>} : memref<16xf32, #tpu.memory_space<vmem>>, vector<16xf32>,
      tpu.vector_store %arg9[%swap3A_780], %select_n3A_778 {strides = array<i32>} : memref<16xf32, #tpu.memory_space<vmem>>, vector<16xf32>,
      %swap3A_782 = arith.constant 0 : index
      %swap3A_783 = tpu.vector_load %arg10[%swap3A_782] {strides = array<i32>} : memref<16xi32, #tpu.memory_space<vmem>>, vector<16xi32>,
      tpu.vector_store %arg10[%swap3A_782], %select_n3A_779 {strides = array<i32>} : memref<16xi32, #tpu.memory_space<vmem>>, vector<16xi32>,
      %xor3A_784 = arith.constant 4 : i32
      %xor3A_785 = vector.broadcast %xor3A_784 : i32 to vector<16xi32>
      %xor3A_786 = arith.xori %iota3A, %xor3A_785 : vector<16xi32>
      %gather3A_787 = tpu.vector_load_idx %arg9[%xor3A_786] : memref<16xf32, #tpu.memory_space<vmem>>[vector<16xi32>], vector<16xf32>,
      %xor3A_788 = arith.constant 4 : i32
      %xor3A_789 = vector.broadcast %xor3A_788 : i32 to vector<16xi32>
      %xor3A_790 = arith.xori %iota3A, %xor3A_789 : vector<16xi32>
      %gather3A_791 = tpu.vector_load_idx %arg10[%xor3A_790] : memref<16xi32, #tpu.memory_space<vmem>>[vector<16xi32>], vector<16xi32>,
      %gt3A_792 = arith.cmpf ogt, %gather3A_787, %select_n3A_778 : vector<16xf32>
      %eq3A_793 = arith.cmpf oeq, %gather3A_787, %select_n3A_778 : vector<16xf32>
      %lt3A_794 = arith.cmpi slt, %gather3A_791, %select_n3A_779 : vector<16xi32>
      %and3A_795 = arith.andi %eq3A_793, %lt3A_794 : vector<16xi1>
      %or3A_796 = arith.ori %gt3A_792, %and3A_795 : vector<16xi1>
      %select_n3A_797 = arith.select %or3A_796, %gather3A_787, %select_n3A_778 : vector<16xi1>, vector<16xf32>
      %select_n3A_798 = arith.select %or3A_796, %gather3A_791, %select_n3A_779 : vector<16xi1>, vector<16xi32>
      %swap3A_799 = arith.constant 0 : index
      %swap3A_800 = tpu.vector_load %arg9[%swap3A_799] {strides = array<i32>} : memref<16xf32, #tpu.memory_space<vmem>>, vector<16xf32>,
      tpu.vector_store %arg9[%swap3A_799], %select_n3A_797 {strides = array<i32>} : memref<16xf32, #tpu.memory_space<vmem>>, vector<16xf32>,
      %swap3A_801 = arith.constant 0 : index
      %swap3A_802 = tpu.vector_load %arg10[%swap3A_801] {strides = array<i32>} : memref<16xi32, #tpu.memory_space<vmem>>, vector<16xi32>,
      tpu.vector_store %arg10[%swap3A_801], %select_n3A_798 {strides = array<i32>} : memref<16xi32, #tpu.memory_space<vmem>>, vector<16xi32>,
      %xor3A_803 = arith.constant 2 : i32
      %xor3A_804 = vector.broadcast %xor3A_803 : i32 to vector<16xi32>
      %xor3A_805 = arith.xori %iota3A, %xor3A_804 : vector<16xi32>
      %gather3A_806 = tpu.vector_load_idx %arg9[%xor3A_805] : memref<16xf32, #tpu.memory_space<vmem>>[vector<16xi32>], vector<16xf32>,
      %xor3A_807 = arith.constant 2 : i32
      %xor3A_808 = vector.broadcast %xor3A_807 : i32 to vector<16xi32>
      %xor3A_809 = arith.xori %iota3A, %xor3A_808 : vector<16xi32>
      %gather3A_810 = tpu.vector_load_idx %arg10[%xor3A_809] : memref<16xi32, #tpu.memory_space<vmem>>[vector<16xi32>], vector<16xi32>,
      %gt3A_811 = arith.cmpf ogt, %gather3A_806, %select_n3A_797 : vector<16xf32>
      %eq3A_812 = arith.cmpf oeq, %gather3A_806, %select_n3A_797 : vector<16xf32>
      %lt3A_813 = arith.cmpi slt, %gather3A_810, %select_n3A_798 : vector<16xi32>
      %and3A_814 = arith.andi %eq3A_812, %lt3A_813 : vector<16xi1>
      %or3A_815 = arith.ori %gt3A_811, %and3A_814 : vector<16xi1>
      %select_n3A_816 = arith.select %or3A_815, %gather3A_806, %select_n3A_797 : vector<16xi1>, vector<16xf32>
      %select_n3A_817 = arith.select %or3A_815, %gather3A_810, %select_n3A_798 : vector<16xi1>, vector<16xi32>
      %swap3A_818 = arith.constant 0 : index
      %swap3A_819 = tpu.vector_load %arg9[%swap3A_818] {strides = array<i32>} : memref<16xf32, #tpu.memory_space<vmem>>, vector<16xf32>,
      tpu.vector_store %arg9[%swap3A_818], %select_n3A_816 {strides = array<i32>} : memref<16xf32, #tpu.memory_space<vmem>>, vector<16xf32>,
      %swap3A_820 = arith.constant 0 : index
      %swap3A_821 = tpu.vector_load %arg10[%swap3A_820] {strides = array<i32>} : memref<16xi32, #tpu.memory_space<vmem>>, vector<16xi32>,
      tpu.vector_store %arg10[%swap3A_820], %select_n3A_817 {strides = array<i32>} : memref<16xi32, #tpu.memory_space<vmem>>, vector<16xi32>,
      %xor3A_822 = arith.constant 1 : i32
      %xor3A_823 = vector.broadcast %xor3A_822 : i32 to vector<16xi32>
      %xor3A_824 = arith.xori %iota3A, %xor3A_823 : vector<16xi32>
      %gather3A_825 = tpu.vector_load_idx %arg9[%xor3A_824] : memref<16xf32, #tpu.memory_space<vmem>>[vector<16xi32>], vector<16xf32>,
      %xor3A_826 = arith.constant 1 : i32
      %xor3A_827 = vector.broadcast %xor3A_826 : i32 to vector<16xi32>
      %xor3A_828 = arith.xori %iota3A, %xor3A_827 : vector<16xi32>
      %gather3A_829 = tpu.vector_load_idx %arg10[%xor3A_828] : memref<16xi32, #tpu.memory_space<vmem>>[vector<16xi32>], vector<16xi32>,
      %gt3A_830 = arith.cmpf ogt, %gather3A_825, %select_n3A_816 : vector<16xf32>
      %eq3A_831 = arith.cmpf oeq, %gather3A_825, %select_n3A_816 : vector<16xf32>
      %lt3A_832 = arith.cmpi slt, %gather3A_829, %select_n3A_817 : vector<16xi32>
      %and3A_833 = arith.andi %eq3A_831, %lt3A_832 : vector<16xi1>
      %or3A_834 = arith.ori %gt3A_830, %and3A_833 : vector<16xi1>
      %select_n3A_835 = arith.select %or3A_834, %gather3A_825, %select_n3A_816 : vector<16xi1>, vector<16xf32>
      %select_n3A_836 = arith.select %or3A_834, %gather3A_829, %select_n3A_817 : vector<16xi1>, vector<16xi32>
      %eq3A_837 = arith.cmpi eq, %iota3A, %and3A_496 : vector<16xi32>
      %select_n3A_838 = arith.select %eq3A_837, %select_n3A_835, %scan3A_405 : vector<16xi1>, vector<16xf32>
      %eq3A_839 = arith.cmpi eq, %iota3A, %and3A_496 : vector<16xi32>
      %select_n3A_840 = arith.select %eq3A_839, %select_n3A_836, %scan3A_406 : vector<16xi1>, vector<16xi32>
      scf.yield %select_n3A_838, %select_n3A_840, %select_n3A_488 : vector<16xf32>, vector<16xi32>, vector<16xi32>
    }
    %scan3A_377 = arith.constant 2 : i32
    %broadcast_in_dim3A_378 = arith.constant 0xFF800000 : f32
    %broadcast_in_dim3A_379 = vector.broadcast %broadcast_in_dim3A_378 : f32 to vector<16xf32>
    %broadcast_in_dim3A_380 = arith.constant 0 : i32
    %broadcast_in_dim3A_381 = vector.broadcast %broadcast_in_dim3A_380 : i32 to vector<16xi32>
    %scan3A_382 = arith.constant 0 : i32
    %scan3A_383 = arith.constant 64 : i32
    %scan3A_384 = arith.addi %scan3A_382, %scan3A_383 : i32
    %scan3A_385 = arith.constant 1 : i32
    %scan3A_386:3 = scf.for %scan3A_404 = %scan3A_382 to %scan3A_384 step %scan3A_385 iter_args(%scan3A_405 = %broadcast_in_dim3A_379, %scan3A_406 = %broadcast_in_dim3A_381, %scan3A_407 = %iota3A) -> (vector<16xf32>, vector<16xi32>, vector<16xi32>)  : i32 {
      %mul3A_408 = arith.constant 8 : i32
      %mul3A_409 = arith.muli %scan3A_404, %mul3A_408 : i32
      %add3A_410 = arith.constant 0 : i32
      %add3A_411 = arith.addi %mul3A_409, %add3A_410 : i32
      %mul3A_412 = arith.constant 16 : i32
      %mul3A_413 = arith.muli %add3A_411, %mul3A_412 : i32
      %get3A = arith.index_cast %mul3A_413 : i32 to index
      %get3A_414 = tpu.vector_load %arg6[%get3A] {strides = array<i32>} : memref<8192xf32, #tpu.memory_space<vmem>>, vector<16xf32>,
      %gt3A_415 = arith.cmpf ogt, %get3A_414, %scan3A_405 : vector<16xf32>
      %max3A = arith.maximumf %scan3A_405, %get3A_414 : vector<16xf32>
      %select_n3A_416 = arith.select %gt3A_415, %scan3A_407, %scan3A_406 : vector<16xi1>, vector<16xi32>
      %add3A_417 = arith.constant 16 : i32
      %add3A_418 = vector.broadcast %add3A_417 : i32 to vector<16xi32>
      %add3A_419 = arith.addi %scan3A_407, %add3A_418 : vector<16xi32>
      %mul3A_420 = arith.constant 8 : i32
      %mul3A_421 = arith.muli %scan3A_404, %mul3A_420 : i32
      %add3A_422 = arith.constant 1 : i32
      %add3A_423 = arith.addi %mul3A_421, %add3A_422 : i32
      %mul3A_424 = arith.constant 16 : i32
      %mul3A_425 = arith.muli %add3A_423, %mul3A_424 : i32
      %get3A_426 = arith.index_cast %mul3A_425 : i32 to index
      %get3A_427 = tpu.vector_load %arg6[%get3A_426] {strides = array<i32>} : memref<8192xf32, #tpu.memory_space<vmem>>, vector<16xf32>,
      %gt3A_428 = arith.cmpf ogt, %get3A_427, %max3A : vector<16xf32>
      %max3A_429 = arith.maximumf %max3A, %get3A_427 : vector<16xf32>
      %select_n3A_430 = arith.select %gt3A_428, %add3A_419, %select_n3A_416 : vector<16xi1>, vector<16xi32>
      %add3A_431 = arith.constant 16 : i32
      %add3A_432 = vector.broadcast %add3A_431 : i32 to vector<16xi32>
      %add3A_433 = arith.addi %add3A_419, %add3A_432 : vector<16xi32>
      %mul3A_434 = arith.constant 8 : i32
      %mul3A_435 = arith.muli %scan3A_404, %mul3A_434 : i32
      %add3A_436 = arith.constant 2 : i32
      %add3A_437 = arith.addi %mul3A_435, %add3A_436 : i32
      %mul3A_438 = arith.constant 16 : i32
      %mul3A_439 = arith.muli %add3A_437, %mul3A_438 : i32
      %get3A_440 = arith.index_cast %mul3A_439 : i32 to index
      %get3A_441 = tpu.vector_load %arg6[%get3A_440] {strides = array<i32>} : memref<8192xf32, #tpu.memory_space<vmem>>, vector<16xf32>,
      %gt3A_442 = arith.cmpf ogt, %get3A_441, %max3A_429 : vector<16xf32>
      %max3A_443 = arith.maximumf %max3A_429, %get3A_441 : vector<16xf32>
      %select_n3A_444 = arith.select %gt3A_442, %add3A_433, %select_n3A_430 : vector<16xi1>, vector<16xi32>
      %add3A_445 = arith.constant 16 : i32
      %add3A_446 = vector.broadcast %add3A_445 : i32 to vector<16xi32>
      %add3A_447 = arith.addi %add3A_433, %add3A_446 : vector<16xi32>
      %mul3A_448 = arith.constant 8 : i32
      %mul3A_449 = arith.muli %scan3A_404, %mul3A_448 : i32
      %add3A_450 = arith.constant 3 : i32
      %add3A_451 = arith.addi %mul3A_449, %add3A_450 : i32
      %mul3A_452 = arith.constant 16 : i32
      %mul3A_453 = arith.muli %add3A_451, %mul3A_452 : i32
      %get3A_454 = arith.index_cast %mul3A_453 : i32 to index
      %get3A_455 = tpu.vector_load %arg6[%get3A_454] {strides = array<i32>} : memref<8192xf32, #tpu.memory_space<vmem>>, vector<16xf32>,
      %gt3A_456 = arith.cmpf ogt, %get3A_455, %max3A_443 : vector<16xf32>
      %max3A_457 = arith.maximumf %max3A_443, %get3A_455 : vector<16xf32>
      %select_n3A_458 = arith.select %gt3A_456, %add3A_447, %select_n3A_444 : vector<16xi1>, vector<16xi32>
      %add3A_459 = arith.constant 16 : i32
      %add3A_460 = vector.broadcast %add3A_459 : i32 to vector<16xi32>
      %add3A_461 = arith.addi %add3A_447, %add3A_460 : vector<16xi32>
      %mul3A_462 = arith.constant 8 : i32
      %mul3A_463 = arith.muli %scan3A_404, %mul3A_462 : i32
      %add3A_464 = arith.constant 4 : i32
      %add3A_465 = arith.addi %mul3A_463, %add3A_464 : i32
      %mul3A_466 = arith.constant 16 : i32
      %mul3A_467 = arith.muli %add3A_465, %mul3A_466 : i32
      %get3A_468 = arith.index_cast %mul3A_467 : i32 to index
      %get3A_469 = tpu.vector_load %arg6[%get3A_468] {strides = array<i32>} : memref<8192xf32, #tpu.memory_space<vmem>>, vector<16xf32>,
      %gt3A_470 = arith.cmpf ogt, %get3A_469, %max3A_457 : vector<16xf32>
      %max3A_471 = arith.maximumf %max3A_457, %get3A_469 : vector<16xf32>
      %select_n3A_472 = arith.select %gt3A_470, %add3A_461, %select_n3A_458 : vector<16xi1>, vector<16xi32>
      %add3A_473 = arith.constant 16 : i32
      %add3A_474 = vector.broadcast %add3A_473 : i32 to vector<16xi32>
      %add3A_475 = arith.addi %add3A_461, %add3A_474 : vector<16xi32>
      %mul3A_476 = arith.constant 8 : i32
      %mul3A_477 = arith.muli %scan3A_404, %mul3A_476 : i32
      %add3A_478 = arith.constant 5 : i32
      %add3A_479 = arith.addi %mul3A_477, %add3A_478 : i32
      %mul3A_480 = arith.constant 16 : i32
      %mul3A_481 = arith.muli %add3A_479, %mul3A_480 : i32
      %get3A_482 = arith.index_cast %mul3A_481 : i32 to index
      %get3A_483 = tpu.vector_load %arg6[%get3A_482] {strides = array<i32>} : memref<8192xf32, #tpu.memory_space<vmem>>, vector<16xf32>,
      %gt3A_484 = arith.cmpf ogt, %get3A_483, %max3A_471 : vector<16xf32>
      %max3A_485 = arith.maximumf %max3A_471, %get3A_483 : vector<16xf32>
      %select_n3A_486 = arith.select %gt3A_484, %add3A_475, %select_n3A_472 : vector<16xi1>, vector<16xi32>
      %add3A_487 = arith.constant 16 : i32
      %add3A_488 = vector.broadcast %add3A_487 : i32 to vector<16xi32>
      %add3A_489 = arith.addi %add3A_475, %add3A_488 : vector<16xi32>
      %mul3A_490 = arith.constant 8 : i32
      %mul3A_491 = arith.muli %scan3A_404, %mul3A_490 : i32
      %add3A_492 = arith.constant 6 : i32
      %add3A_493 = arith.addi %mul3A_491, %add3A_492 : i32
      %mul3A_494 = arith.constant 16 : i32
      %mul3A_495 = arith.muli %add3A_493, %mul3A_494 : i32
      %get3A_496 = arith.index_cast %mul3A_495 : i32 to index
      %get3A_497 = tpu.vector_load %arg6[%get3A_496] {strides = array<i32>} : memref<8192xf32, #tpu.memory_space<vmem>>, vector<16xf32>,
      %gt3A_498 = arith.cmpf ogt, %get3A_497, %max3A_485 : vector<16xf32>
      %max3A_499 = arith.maximumf %max3A_485, %get3A_497 : vector<16xf32>
      %select_n3A_500 = arith.select %gt3A_498, %add3A_489, %select_n3A_486 : vector<16xi1>, vector<16xi32>
      %add3A_501 = arith.constant 16 : i32
      %add3A_502 = vector.broadcast %add3A_501 : i32 to vector<16xi32>
      %add3A_503 = arith.addi %add3A_489, %add3A_502 : vector<16xi32>
      %mul3A_504 = arith.constant 8 : i32
      %mul3A_505 = arith.muli %scan3A_404, %mul3A_504 : i32
      %add3A_506 = arith.constant 7 : i32
      %add3A_507 = arith.addi %mul3A_505, %add3A_506 : i32
      %mul3A_508 = arith.constant 16 : i32
      %mul3A_509 = arith.muli %add3A_507, %mul3A_508 : i32
      %get3A_510 = arith.index_cast %mul3A_509 : i32 to index
      %get3A_511 = tpu.vector_load %arg6[%get3A_510] {strides = array<i32>} : memref<8192xf32, #tpu.memory_space<vmem>>, vector<16xf32>,
      %gt3A_512 = arith.cmpf ogt, %get3A_511, %max3A_499 : vector<16xf32>
      %max3A_513 = arith.maximumf %max3A_499, %get3A_511 : vector<16xf32>
      %select_n3A_514 = arith.select %gt3A_512, %add3A_503, %select_n3A_500 : vector<16xi1>, vector<16xi32>
      %add3A_515 = arith.constant 16 : i32
      %add3A_516 = vector.broadcast %add3A_515 : i32 to vector<16xi32>
      %add3A_517 = arith.addi %add3A_503, %add3A_516 : vector<16xi32>
      scf.yield %max3A_513, %select_n3A_514, %add3A_517 : vector<16xf32>, vector<16xi32>, vector<16xi32>
    }
    %scan3A_387 = arith.constant 64 : i32
    %scan3A_388 = arith.constant 0 : i32
    %scan3A_389 = arith.constant 10 : i32
    %scan3A_390 = arith.addi %scan3A_388, %scan3A_389 : i32
    %scan3A_391 = arith.constant 1 : i32
    %scan3A_392:3 = scf.for %scan3A_404 = %scan3A_388 to %scan3A_390 step %scan3A_391 iter_args(%scan3A_405 = %scan3A_386#0, %scan3A_406 = %scan3A_386#1, %scan3A_407 = %scan3A_376#2) -> (vector<16xf32>, vector<16xi32>, vector<16xi32>)  : i32 {
      %swap3A_408 = arith.constant 0 : index
      %swap3A_409 = tpu.vector_load %arg9[%swap3A_408] {strides = array<i32>} : memref<16xf32, #tpu.memory_space<vmem>>, vector<16xf32>,
      tpu.vector_store %arg9[%swap3A_408], %scan3A_405 {strides = array<i32>} : memref<16xf32, #tpu.memory_space<vmem>>, vector<16xf32>,
      %swap3A_410 = arith.constant 0 : index
      %swap3A_411 = tpu.vector_load %arg10[%swap3A_410] {strides = array<i32>} : memref<16xi32, #tpu.memory_space<vmem>>, vector<16xi32>,
      tpu.vector_store %arg10[%swap3A_410], %scan3A_406 {strides = array<i32>} : memref<16xi32, #tpu.memory_space<vmem>>, vector<16xi32>,
      %xor3A_412 = arith.constant 8 : i32
      %xor3A_413 = vector.broadcast %xor3A_412 : i32 to vector<16xi32>
      %xor3A_414 = arith.xori %iota3A, %xor3A_413 : vector<16xi32>
      %gather3A_415 = tpu.vector_load_idx %arg9[%xor3A_414] : memref<16xf32, #tpu.memory_space<vmem>>[vector<16xi32>], vector<16xf32>,
      %xor3A_416 = arith.constant 8 : i32
      %xor3A_417 = vector.broadcast %xor3A_416 : i32 to vector<16xi32>
      %xor3A_418 = arith.xori %iota3A, %xor3A_417 : vector<16xi32>
      %gather3A_419 = tpu.vector_load_idx %arg10[%xor3A_418] : memref<16xi32, #tpu.memory_space<vmem>>[vector<16xi32>], vector<16xi32>,
      %gt3A_420 = arith.cmpf ogt, %gather3A_415, %scan3A_405 : vector<16xf32>
      %eq3A_421 = arith.cmpf oeq, %gather3A_415, %scan3A_405 : vector<16xf32>
      %lt3A_422 = arith.cmpi slt, %gather3A_419, %scan3A_406 : vector<16xi32>
      %and3A_423 = arith.andi %eq3A_421, %lt3A_422 : vector<16xi1>
      %or3A_424 = arith.ori %gt3A_420, %and3A_423 : vector<16xi1>
      %select_n3A_425 = arith.select %or3A_424, %gather3A_415, %scan3A_405 : vector<16xi1>, vector<16xf32>
      %select_n3A_426 = arith.select %or3A_424, %gather3A_419, %scan3A_406 : vector<16xi1>, vector<16xi32>
      %swap3A_427 = arith.constant 0 : index
      %swap3A_428 = tpu.vector_load %arg9[%swap3A_427] {strides = array<i32>} : memref<16xf32, #tpu.memory_space<vmem>>, vector<16xf32>,
      tpu.vector_store %arg9[%swap3A_427], %select_n3A_425 {strides = array<i32>} : memref<16xf32, #tpu.memory_space<vmem>>, vector<16xf32>,
      %swap3A_429 = arith.constant 0 : index
      %swap3A_430 = tpu.vector_load %arg10[%swap3A_429] {strides = array<i32>} : memref<16xi32, #tpu.memory_space<vmem>>, vector<16xi32>,
      tpu.vector_store %arg10[%swap3A_429], %select_n3A_426 {strides = array<i32>} : memref<16xi32, #tpu.memory_space<vmem>>, vector<16xi32>,
      %xor3A_431 = arith.constant 4 : i32
      %xor3A_432 = vector.broadcast %xor3A_431 : i32 to vector<16xi32>
      %xor3A_433 = arith.xori %iota3A, %xor3A_432 : vector<16xi32>
      %gather3A_434 = tpu.vector_load_idx %arg9[%xor3A_433] : memref<16xf32, #tpu.memory_space<vmem>>[vector<16xi32>], vector<16xf32>,
      %xor3A_435 = arith.constant 4 : i32
      %xor3A_436 = vector.broadcast %xor3A_435 : i32 to vector<16xi32>
      %xor3A_437 = arith.xori %iota3A, %xor3A_436 : vector<16xi32>
      %gather3A_438 = tpu.vector_load_idx %arg10[%xor3A_437] : memref<16xi32, #tpu.memory_space<vmem>>[vector<16xi32>], vector<16xi32>,
      %gt3A_439 = arith.cmpf ogt, %gather3A_434, %select_n3A_425 : vector<16xf32>
      %eq3A_440 = arith.cmpf oeq, %gather3A_434, %select_n3A_425 : vector<16xf32>
      %lt3A_441 = arith.cmpi slt, %gather3A_438, %select_n3A_426 : vector<16xi32>
      %and3A_442 = arith.andi %eq3A_440, %lt3A_441 : vector<16xi1>
      %or3A_443 = arith.ori %gt3A_439, %and3A_442 : vector<16xi1>
      %select_n3A_444 = arith.select %or3A_443, %gather3A_434, %select_n3A_425 : vector<16xi1>, vector<16xf32>
      %select_n3A_445 = arith.select %or3A_443, %gather3A_438, %select_n3A_426 : vector<16xi1>, vector<16xi32>
      %swap3A_446 = arith.constant 0 : index
      %swap3A_447 = tpu.vector_load %arg9[%swap3A_446] {strides = array<i32>} : memref<16xf32, #tpu.memory_space<vmem>>, vector<16xf32>,
      tpu.vector_store %arg9[%swap3A_446], %select_n3A_444 {strides = array<i32>} : memref<16xf32, #tpu.memory_space<vmem>>, vector<16xf32>,
      %swap3A_448 = arith.constant 0 : index
      %swap3A_449 = tpu.vector_load %arg10[%swap3A_448] {strides = array<i32>} : memref<16xi32, #tpu.memory_space<vmem>>, vector<16xi32>,
      tpu.vector_store %arg10[%swap3A_448], %select_n3A_445 {strides = array<i32>} : memref<16xi32, #tpu.memory_space<vmem>>, vector<16xi32>,
      %xor3A_450 = arith.constant 2 : i32
      %xor3A_451 = vector.broadcast %xor3A_450 : i32 to vector<16xi32>
      %xor3A_452 = arith.xori %iota3A, %xor3A_451 : vector<16xi32>
      %gather3A_453 = tpu.vector_load_idx %arg9[%xor3A_452] : memref<16xf32, #tpu.memory_space<vmem>>[vector<16xi32>], vector<16xf32>,
      %xor3A_454 = arith.constant 2 : i32
      %xor3A_455 = vector.broadcast %xor3A_454 : i32 to vector<16xi32>
      %xor3A_456 = arith.xori %iota3A, %xor3A_455 : vector<16xi32>
      %gather3A_457 = tpu.vector_load_idx %arg10[%xor3A_456] : memref<16xi32, #tpu.memory_space<vmem>>[vector<16xi32>], vector<16xi32>,
      %gt3A_458 = arith.cmpf ogt, %gather3A_453, %select_n3A_444 : vector<16xf32>
      %eq3A_459 = arith.cmpf oeq, %gather3A_453, %select_n3A_444 : vector<16xf32>
      %lt3A_460 = arith.cmpi slt, %gather3A_457, %select_n3A_445 : vector<16xi32>
      %and3A_461 = arith.andi %eq3A_459, %lt3A_460 : vector<16xi1>
      %or3A_462 = arith.ori %gt3A_458, %and3A_461 : vector<16xi1>
      %select_n3A_463 = arith.select %or3A_462, %gather3A_453, %select_n3A_444 : vector<16xi1>, vector<16xf32>
      %select_n3A_464 = arith.select %or3A_462, %gather3A_457, %select_n3A_445 : vector<16xi1>, vector<16xi32>
      %swap3A_465 = arith.constant 0 : index
      %swap3A_466 = tpu.vector_load %arg9[%swap3A_465] {strides = array<i32>} : memref<16xf32, #tpu.memory_space<vmem>>, vector<16xf32>,
      tpu.vector_store %arg9[%swap3A_465], %select_n3A_463 {strides = array<i32>} : memref<16xf32, #tpu.memory_space<vmem>>, vector<16xf32>,
      %swap3A_467 = arith.constant 0 : index
      %swap3A_468 = tpu.vector_load %arg10[%swap3A_467] {strides = array<i32>} : memref<16xi32, #tpu.memory_space<vmem>>, vector<16xi32>,
      tpu.vector_store %arg10[%swap3A_467], %select_n3A_464 {strides = array<i32>} : memref<16xi32, #tpu.memory_space<vmem>>, vector<16xi32>,
      %xor3A_469 = arith.constant 1 : i32
      %xor3A_470 = vector.broadcast %xor3A_469 : i32 to vector<16xi32>
      %xor3A_471 = arith.xori %iota3A, %xor3A_470 : vector<16xi32>
      %gather3A_472 = tpu.vector_load_idx %arg9[%xor3A_471] : memref<16xf32, #tpu.memory_space<vmem>>[vector<16xi32>], vector<16xf32>,
      %xor3A_473 = arith.constant 1 : i32
      %xor3A_474 = vector.broadcast %xor3A_473 : i32 to vector<16xi32>
      %xor3A_475 = arith.xori %iota3A, %xor3A_474 : vector<16xi32>
      %gather3A_476 = tpu.vector_load_idx %arg10[%xor3A_475] : memref<16xi32, #tpu.memory_space<vmem>>[vector<16xi32>], vector<16xi32>,
      %gt3A_477 = arith.cmpf ogt, %gather3A_472, %select_n3A_463 : vector<16xf32>
      %eq3A_478 = arith.cmpf oeq, %gather3A_472, %select_n3A_463 : vector<16xf32>
      %lt3A_479 = arith.cmpi slt, %gather3A_476, %select_n3A_464 : vector<16xi32>
      %and3A_480 = arith.andi %eq3A_478, %lt3A_479 : vector<16xi1>
      %or3A_481 = arith.ori %gt3A_477, %and3A_480 : vector<16xi1>
      %select_n3A_482 = arith.select %or3A_481, %gather3A_472, %select_n3A_463 : vector<16xi1>, vector<16xf32>
      %select_n3A_483 = arith.select %or3A_481, %gather3A_476, %select_n3A_464 : vector<16xi1>, vector<16xi32>
      %add3A_484 = arith.constant 6 : i32
      %add3A_485 = arith.addi %add3A_484, %scan3A_404 : i32
      %eq3A_486 = vector.broadcast %add3A_485 : i32 to vector<16xi32>
      %eq3A_487 = arith.cmpi eq, %iota3A, %eq3A_486 : vector<16xi32>
      %select_n3A_488 = arith.select %eq3A_487, %select_n3A_483, %scan3A_407 : vector<16xi1>, vector<16xi32>
      %broadcast_in_dim3A_489 = arith.constant 0xFF800000 : f32
      %broadcast_in_dim3A_490 = vector.broadcast %broadcast_in_dim3A_489 : f32 to vector<16xf32>
      %eq3A_491 = arith.constant 0 : i32
      %eq3A_492 = vector.broadcast %eq3A_491 : i32 to vector<16xi32>
      %eq3A_493 = arith.cmpi eq, %iota3A, %eq3A_492 : vector<16xi32>
      tpu.vector_store_idx %arg6[%select_n3A_483], %broadcast_in_dim3A_490 masked %eq3A_493 : memref<8192xf32, #tpu.memory_space<vmem>>[vector<16xi32>], vector<16xf32>, vector<16xi1>
      %and3A_494 = arith.constant 15 : i32
      %and3A_495 = vector.broadcast %and3A_494 : i32 to vector<16xi32>
      %and3A_496 = arith.andi %select_n3A_483, %and3A_495 : vector<16xi32>
      %mul3A_497 = arith.constant 16 : i32
      %mul3A_498 = vector.broadcast %mul3A_497 : i32 to vector<16xi32>
      %mul3A_499 = arith.muli %mul3A_498, %iota3A : vector<16xi32>
      %add3A_500 = arith.addi %and3A_496, %mul3A_499 : vector<16xi32>
      %broadcast_in_dim3A_501 = arith.constant 0xFF800000 : f32
      %broadcast_in_dim3A_502 = vector.broadcast %broadcast_in_dim3A_501 : f32 to vector<16xf32>
      %broadcast_in_dim3A_503 = arith.constant 0 : i32
      %broadcast_in_dim3A_504 = vector.broadcast %broadcast_in_dim3A_503 : i32 to vector<16xi32>
      %broadcast_in_dim3A_505 = arith.constant 0xFF800000 : f32
      %broadcast_in_dim3A_506 = vector.broadcast %broadcast_in_dim3A_505 : f32 to vector<16xf32>
      %broadcast_in_dim3A_507 = arith.constant 0 : i32
      %broadcast_in_dim3A_508 = vector.broadcast %broadcast_in_dim3A_507 : i32 to vector<16xi32>
      %broadcast_in_dim3A_509 = arith.constant 0xFF800000 : f32
      %broadcast_in_dim3A_510 = vector.broadcast %broadcast_in_dim3A_509 : f32 to vector<16xf32>
      %broadcast_in_dim3A_511 = arith.constant 0 : i32
      %broadcast_in_dim3A_512 = vector.broadcast %broadcast_in_dim3A_511 : i32 to vector<16xi32>
      %broadcast_in_dim3A_513 = arith.constant 0xFF800000 : f32
      %broadcast_in_dim3A_514 = vector.broadcast %broadcast_in_dim3A_513 : f32 to vector<16xf32>
      %broadcast_in_dim3A_515 = arith.constant 0 : i32
      %broadcast_in_dim3A_516 = vector.broadcast %broadcast_in_dim3A_515 : i32 to vector<16xi32>
      %add3A_517 = arith.constant 0 : i32
      %add3A_518 = vector.broadcast %add3A_517 : i32 to vector<16xi32>
      %add3A_519 = arith.addi %add3A_500, %add3A_518 : vector<16xi32>
      %gather3A_520 = tpu.vector_load_idx %arg6[%add3A_519] : memref<8192xf32, #tpu.memory_space<vmem>>[vector<16xi32>], vector<16xf32>,
      %gt3A_521 = arith.cmpf ogt, %gather3A_520, %broadcast_in_dim3A_502 : vector<16xf32>
      %max3A = arith.maximumf %broadcast_in_dim3A_502, %gather3A_520 : vector<16xf32>
      %select_n3A_522 = arith.select %gt3A_521, %add3A_519, %broadcast_in_dim3A_504 : vector<16xi1>, vector<16xi32>
      %add3A_523 = arith.constant 256 : i32
      %add3A_524 = vector.broadcast %add3A_523 : i32 to vector<16xi32>
      %add3A_525 = arith.addi %add3A_500, %add3A_524 : vector<16xi32>
      %gather3A_526 = tpu.vector_load_idx %arg6[%add3A_525] : memref<8192xf32, #tpu.memory_space<vmem>>[vector<16xi32>], vector<16xf32>,
      %gt3A_527 = arith.cmpf ogt, %gather3A_526, %broadcast_in_dim3A_506 : vector<16xf32>
      %max3A_528 = arith.maximumf %broadcast_in_dim3A_506, %gather3A_526 : vector<16xf32>
      %select_n3A_529 = arith.select %gt3A_527, %add3A_525, %broadcast_in_dim3A_508 : vector<16xi1>, vector<16xi32>
      %add3A_530 = arith.constant 512 : i32
      %add3A_531 = vector.broadcast %add3A_530 : i32 to vector<16xi32>
      %add3A_532 = arith.addi %add3A_500, %add3A_531 : vector<16xi32>
      %gather3A_533 = tpu.vector_load_idx %arg6[%add3A_532] : memref<8192xf32, #tpu.memory_space<vmem>>[vector<16xi32>], vector<16xf32>,
      %gt3A_534 = arith.cmpf ogt, %gather3A_533, %broadcast_in_dim3A_510 : vector<16xf32>
      %max3A_535 = arith.maximumf %broadcast_in_dim3A_510, %gather3A_533 : vector<16xf32>
      %select_n3A_536 = arith.select %gt3A_534, %add3A_532, %broadcast_in_dim3A_512 : vector<16xi1>, vector<16xi32>
      %add3A_537 = arith.constant 768 : i32
      %add3A_538 = vector.broadcast %add3A_537 : i32 to vector<16xi32>
      %add3A_539 = arith.addi %add3A_500, %add3A_538 : vector<16xi32>
      %gather3A_540 = tpu.vector_load_idx %arg6[%add3A_539] : memref<8192xf32, #tpu.memory_space<vmem>>[vector<16xi32>], vector<16xf32>,
      %gt3A_541 = arith.cmpf ogt, %gather3A_540, %broadcast_in_dim3A_514 : vector<16xf32>
      %max3A_542 = arith.maximumf %broadcast_in_dim3A_514, %gather3A_540 : vector<16xf32>
      %select_n3A_543 = arith.select %gt3A_541, %add3A_539, %broadcast_in_dim3A_516 : vector<16xi1>, vector<16xi32>
      %add3A_544 = arith.constant 1024 : i32
      %add3A_545 = vector.broadcast %add3A_544 : i32 to vector<16xi32>
      %add3A_546 = arith.addi %add3A_500, %add3A_545 : vector<16xi32>
      %gather3A_547 = tpu.vector_load_idx %arg6[%add3A_546] : memref<8192xf32, #tpu.memory_space<vmem>>[vector<16xi32>], vector<16xf32>,
      %gt3A_548 = arith.cmpf ogt, %gather3A_547, %max3A : vector<16xf32>
      %max3A_549 = arith.maximumf %max3A, %gather3A_547 : vector<16xf32>
      %select_n3A_550 = arith.select %gt3A_548, %add3A_546, %select_n3A_522 : vector<16xi1>, vector<16xi32>
      %add3A_551 = arith.constant 1280 : i32
      %add3A_552 = vector.broadcast %add3A_551 : i32 to vector<16xi32>
      %add3A_553 = arith.addi %add3A_500, %add3A_552 : vector<16xi32>
      %gather3A_554 = tpu.vector_load_idx %arg6[%add3A_553] : memref<8192xf32, #tpu.memory_space<vmem>>[vector<16xi32>], vector<16xf32>,
      %gt3A_555 = arith.cmpf ogt, %gather3A_554, %max3A_528 : vector<16xf32>
      %max3A_556 = arith.maximumf %max3A_528, %gather3A_554 : vector<16xf32>
      %select_n3A_557 = arith.select %gt3A_555, %add3A_553, %select_n3A_529 : vector<16xi1>, vector<16xi32>
      %add3A_558 = arith.constant 1536 : i32
      %add3A_559 = vector.broadcast %add3A_558 : i32 to vector<16xi32>
      %add3A_560 = arith.addi %add3A_500, %add3A_559 : vector<16xi32>
      %gather3A_561 = tpu.vector_load_idx %arg6[%add3A_560] : memref<8192xf32, #tpu.memory_space<vmem>>[vector<16xi32>], vector<16xf32>,
      %gt3A_562 = arith.cmpf ogt, %gather3A_561, %max3A_535 : vector<16xf32>
      %max3A_563 = arith.maximumf %max3A_535, %gather3A_561 : vector<16xf32>
      %select_n3A_564 = arith.select %gt3A_562, %add3A_560, %select_n3A_536 : vector<16xi1>, vector<16xi32>
      %add3A_565 = arith.constant 1792 : i32
      %add3A_566 = vector.broadcast %add3A_565 : i32 to vector<16xi32>
      %add3A_567 = arith.addi %add3A_500, %add3A_566 : vector<16xi32>
      %gather3A_568 = tpu.vector_load_idx %arg6[%add3A_567] : memref<8192xf32, #tpu.memory_space<vmem>>[vector<16xi32>], vector<16xf32>,
      %gt3A_569 = arith.cmpf ogt, %gather3A_568, %max3A_542 : vector<16xf32>
      %max3A_570 = arith.maximumf %max3A_542, %gather3A_568 : vector<16xf32>
      %select_n3A_571 = arith.select %gt3A_569, %add3A_567, %select_n3A_543 : vector<16xi1>, vector<16xi32>
      %add3A_572 = arith.constant 2048 : i32
      %add3A_573 = vector.broadcast %add3A_572 : i32 to vector<16xi32>
      %add3A_574 = arith.addi %add3A_500, %add3A_573 : vector<16xi32>
      %gather3A_575 = tpu.vector_load_idx %arg6[%add3A_574] : memref<8192xf32, #tpu.memory_space<vmem>>[vector<16xi32>], vector<16xf32>,
      %gt3A_576 = arith.cmpf ogt, %gather3A_575, %max3A_549 : vector<16xf32>
      %max3A_577 = arith.maximumf %max3A_549, %gather3A_575 : vector<16xf32>
      %select_n3A_578 = arith.select %gt3A_576, %add3A_574, %select_n3A_550 : vector<16xi1>, vector<16xi32>
      %add3A_579 = arith.constant 2304 : i32
      %add3A_580 = vector.broadcast %add3A_579 : i32 to vector<16xi32>
      %add3A_581 = arith.addi %add3A_500, %add3A_580 : vector<16xi32>
      %gather3A_582 = tpu.vector_load_idx %arg6[%add3A_581] : memref<8192xf32, #tpu.memory_space<vmem>>[vector<16xi32>], vector<16xf32>,
      %gt3A_583 = arith.cmpf ogt, %gather3A_582, %max3A_556 : vector<16xf32>
      %max3A_584 = arith.maximumf %max3A_556, %gather3A_582 : vector<16xf32>
      %select_n3A_585 = arith.select %gt3A_583, %add3A_581, %select_n3A_557 : vector<16xi1>, vector<16xi32>
      %add3A_586 = arith.constant 2560 : i32
      %add3A_587 = vector.broadcast %add3A_586 : i32 to vector<16xi32>
      %add3A_588 = arith.addi %add3A_500, %add3A_587 : vector<16xi32>
      %gather3A_589 = tpu.vector_load_idx %arg6[%add3A_588] : memref<8192xf32, #tpu.memory_space<vmem>>[vector<16xi32>], vector<16xf32>,
      %gt3A_590 = arith.cmpf ogt, %gather3A_589, %max3A_563 : vector<16xf32>
      %max3A_591 = arith.maximumf %max3A_563, %gather3A_589 : vector<16xf32>
      %select_n3A_592 = arith.select %gt3A_590, %add3A_588, %select_n3A_564 : vector<16xi1>, vector<16xi32>
      %add3A_593 = arith.constant 2816 : i32
      %add3A_594 = vector.broadcast %add3A_593 : i32 to vector<16xi32>
      %add3A_595 = arith.addi %add3A_500, %add3A_594 : vector<16xi32>
      %gather3A_596 = tpu.vector_load_idx %arg6[%add3A_595] : memref<8192xf32, #tpu.memory_space<vmem>>[vector<16xi32>], vector<16xf32>,
      %gt3A_597 = arith.cmpf ogt, %gather3A_596, %max3A_570 : vector<16xf32>
      %max3A_598 = arith.maximumf %max3A_570, %gather3A_596 : vector<16xf32>
      %select_n3A_599 = arith.select %gt3A_597, %add3A_595, %select_n3A_571 : vector<16xi1>, vector<16xi32>
      %add3A_600 = arith.constant 3072 : i32
      %add3A_601 = vector.broadcast %add3A_600 : i32 to vector<16xi32>
      %add3A_602 = arith.addi %add3A_500, %add3A_601 : vector<16xi32>
      %gather3A_603 = tpu.vector_load_idx %arg6[%add3A_602] : memref<8192xf32, #tpu.memory_space<vmem>>[vector<16xi32>], vector<16xf32>,
      %gt3A_604 = arith.cmpf ogt, %gather3A_603, %max3A_577 : vector<16xf32>
      %max3A_605 = arith.maximumf %max3A_577, %gather3A_603 : vector<16xf32>
      %select_n3A_606 = arith.select %gt3A_604, %add3A_602, %select_n3A_578 : vector<16xi1>, vector<16xi32>
      %add3A_607 = arith.constant 3328 : i32
      %add3A_608 = vector.broadcast %add3A_607 : i32 to vector<16xi32>
      %add3A_609 = arith.addi %add3A_500, %add3A_608 : vector<16xi32>
      %gather3A_610 = tpu.vector_load_idx %arg6[%add3A_609] : memref<8192xf32, #tpu.memory_space<vmem>>[vector<16xi32>], vector<16xf32>,
      %gt3A_611 = arith.cmpf ogt, %gather3A_610, %max3A_584 : vector<16xf32>
      %max3A_612 = arith.maximumf %max3A_584, %gather3A_610 : vector<16xf32>
      %select_n3A_613 = arith.select %gt3A_611, %add3A_609, %select_n3A_585 : vector<16xi1>, vector<16xi32>
      %add3A_614 = arith.constant 3584 : i32
      %add3A_615 = vector.broadcast %add3A_614 : i32 to vector<16xi32>
      %add3A_616 = arith.addi %add3A_500, %add3A_615 : vector<16xi32>
      %gather3A_617 = tpu.vector_load_idx %arg6[%add3A_616] : memref<8192xf32, #tpu.memory_space<vmem>>[vector<16xi32>], vector<16xf32>,
      %gt3A_618 = arith.cmpf ogt, %gather3A_617, %max3A_591 : vector<16xf32>
      %max3A_619 = arith.maximumf %max3A_591, %gather3A_617 : vector<16xf32>
      %select_n3A_620 = arith.select %gt3A_618, %add3A_616, %select_n3A_592 : vector<16xi1>, vector<16xi32>
      %add3A_621 = arith.constant 3840 : i32
      %add3A_622 = vector.broadcast %add3A_621 : i32 to vector<16xi32>
      %add3A_623 = arith.addi %add3A_500, %add3A_622 : vector<16xi32>
      %gather3A_624 = tpu.vector_load_idx %arg6[%add3A_623] : memref<8192xf32, #tpu.memory_space<vmem>>[vector<16xi32>], vector<16xf32>,
      %gt3A_625 = arith.cmpf ogt, %gather3A_624, %max3A_598 : vector<16xf32>
      %max3A_626 = arith.maximumf %max3A_598, %gather3A_624 : vector<16xf32>
      %select_n3A_627 = arith.select %gt3A_625, %add3A_623, %select_n3A_599 : vector<16xi1>, vector<16xi32>
      %add3A_628 = arith.constant 4096 : i32
      %add3A_629 = vector.broadcast %add3A_628 : i32 to vector<16xi32>
      %add3A_630 = arith.addi %add3A_500, %add3A_629 : vector<16xi32>
      %gather3A_631 = tpu.vector_load_idx %arg6[%add3A_630] : memref<8192xf32, #tpu.memory_space<vmem>>[vector<16xi32>], vector<16xf32>,
      %gt3A_632 = arith.cmpf ogt, %gather3A_631, %max3A_605 : vector<16xf32>
      %max3A_633 = arith.maximumf %max3A_605, %gather3A_631 : vector<16xf32>
      %select_n3A_634 = arith.select %gt3A_632, %add3A_630, %select_n3A_606 : vector<16xi1>, vector<16xi32>
      %add3A_635 = arith.constant 4352 : i32
      %add3A_636 = vector.broadcast %add3A_635 : i32 to vector<16xi32>
      %add3A_637 = arith.addi %add3A_500, %add3A_636 : vector<16xi32>
      %gather3A_638 = tpu.vector_load_idx %arg6[%add3A_637] : memref<8192xf32, #tpu.memory_space<vmem>>[vector<16xi32>], vector<16xf32>,
      %gt3A_639 = arith.cmpf ogt, %gather3A_638, %max3A_612 : vector<16xf32>
      %max3A_640 = arith.maximumf %max3A_612, %gather3A_638 : vector<16xf32>
      %select_n3A_641 = arith.select %gt3A_639, %add3A_637, %select_n3A_613 : vector<16xi1>, vector<16xi32>
      %add3A_642 = arith.constant 4608 : i32
      %add3A_643 = vector.broadcast %add3A_642 : i32 to vector<16xi32>
      %add3A_644 = arith.addi %add3A_500, %add3A_643 : vector<16xi32>
      %gather3A_645 = tpu.vector_load_idx %arg6[%add3A_644] : memref<8192xf32, #tpu.memory_space<vmem>>[vector<16xi32>], vector<16xf32>,
      %gt3A_646 = arith.cmpf ogt, %gather3A_645, %max3A_619 : vector<16xf32>
      %max3A_647 = arith.maximumf %max3A_619, %gather3A_645 : vector<16xf32>
      %select_n3A_648 = arith.select %gt3A_646, %add3A_644, %select_n3A_620 : vector<16xi1>, vector<16xi32>
      %add3A_649 = arith.constant 4864 : i32
      %add3A_650 = vector.broadcast %add3A_649 : i32 to vector<16xi32>
      %add3A_651 = arith.addi %add3A_500, %add3A_650 : vector<16xi32>
      %gather3A_652 = tpu.vector_load_idx %arg6[%add3A_651] : memref<8192xf32, #tpu.memory_space<vmem>>[vector<16xi32>], vector<16xf32>,
      %gt3A_653 = arith.cmpf ogt, %gather3A_652, %max3A_626 : vector<16xf32>
      %max3A_654 = arith.maximumf %max3A_626, %gather3A_652 : vector<16xf32>
      %select_n3A_655 = arith.select %gt3A_653, %add3A_651, %select_n3A_627 : vector<16xi1>, vector<16xi32>
      %add3A_656 = arith.constant 5120 : i32
      %add3A_657 = vector.broadcast %add3A_656 : i32 to vector<16xi32>
      %add3A_658 = arith.addi %add3A_500, %add3A_657 : vector<16xi32>
      %gather3A_659 = tpu.vector_load_idx %arg6[%add3A_658] : memref<8192xf32, #tpu.memory_space<vmem>>[vector<16xi32>], vector<16xf32>,
      %gt3A_660 = arith.cmpf ogt, %gather3A_659, %max3A_633 : vector<16xf32>
      %max3A_661 = arith.maximumf %max3A_633, %gather3A_659 : vector<16xf32>
      %select_n3A_662 = arith.select %gt3A_660, %add3A_658, %select_n3A_634 : vector<16xi1>, vector<16xi32>
      %add3A_663 = arith.constant 5376 : i32
      %add3A_664 = vector.broadcast %add3A_663 : i32 to vector<16xi32>
      %add3A_665 = arith.addi %add3A_500, %add3A_664 : vector<16xi32>
      %gather3A_666 = tpu.vector_load_idx %arg6[%add3A_665] : memref<8192xf32, #tpu.memory_space<vmem>>[vector<16xi32>], vector<16xf32>,
      %gt3A_667 = arith.cmpf ogt, %gather3A_666, %max3A_640 : vector<16xf32>
      %max3A_668 = arith.maximumf %max3A_640, %gather3A_666 : vector<16xf32>
      %select_n3A_669 = arith.select %gt3A_667, %add3A_665, %select_n3A_641 : vector<16xi1>, vector<16xi32>
      %add3A_670 = arith.constant 5632 : i32
      %add3A_671 = vector.broadcast %add3A_670 : i32 to vector<16xi32>
      %add3A_672 = arith.addi %add3A_500, %add3A_671 : vector<16xi32>
      %gather3A_673 = tpu.vector_load_idx %arg6[%add3A_672] : memref<8192xf32, #tpu.memory_space<vmem>>[vector<16xi32>], vector<16xf32>,
      %gt3A_674 = arith.cmpf ogt, %gather3A_673, %max3A_647 : vector<16xf32>
      %max3A_675 = arith.maximumf %max3A_647, %gather3A_673 : vector<16xf32>
      %select_n3A_676 = arith.select %gt3A_674, %add3A_672, %select_n3A_648 : vector<16xi1>, vector<16xi32>
      %add3A_677 = arith.constant 5888 : i32
      %add3A_678 = vector.broadcast %add3A_677 : i32 to vector<16xi32>
      %add3A_679 = arith.addi %add3A_500, %add3A_678 : vector<16xi32>
      %gather3A_680 = tpu.vector_load_idx %arg6[%add3A_679] : memref<8192xf32, #tpu.memory_space<vmem>>[vector<16xi32>], vector<16xf32>,
      %gt3A_681 = arith.cmpf ogt, %gather3A_680, %max3A_654 : vector<16xf32>
      %max3A_682 = arith.maximumf %max3A_654, %gather3A_680 : vector<16xf32>
      %select_n3A_683 = arith.select %gt3A_681, %add3A_679, %select_n3A_655 : vector<16xi1>, vector<16xi32>
      %add3A_684 = arith.constant 6144 : i32
      %add3A_685 = vector.broadcast %add3A_684 : i32 to vector<16xi32>
      %add3A_686 = arith.addi %add3A_500, %add3A_685 : vector<16xi32>
      %gather3A_687 = tpu.vector_load_idx %arg6[%add3A_686] : memref<8192xf32, #tpu.memory_space<vmem>>[vector<16xi32>], vector<16xf32>,
      %gt3A_688 = arith.cmpf ogt, %gather3A_687, %max3A_661 : vector<16xf32>
      %max3A_689 = arith.maximumf %max3A_661, %gather3A_687 : vector<16xf32>
      %select_n3A_690 = arith.select %gt3A_688, %add3A_686, %select_n3A_662 : vector<16xi1>, vector<16xi32>
      %add3A_691 = arith.constant 6400 : i32
      %add3A_692 = vector.broadcast %add3A_691 : i32 to vector<16xi32>
      %add3A_693 = arith.addi %add3A_500, %add3A_692 : vector<16xi32>
      %gather3A_694 = tpu.vector_load_idx %arg6[%add3A_693] : memref<8192xf32, #tpu.memory_space<vmem>>[vector<16xi32>], vector<16xf32>,
      %gt3A_695 = arith.cmpf ogt, %gather3A_694, %max3A_668 : vector<16xf32>
      %max3A_696 = arith.maximumf %max3A_668, %gather3A_694 : vector<16xf32>
      %select_n3A_697 = arith.select %gt3A_695, %add3A_693, %select_n3A_669 : vector<16xi1>, vector<16xi32>
      %add3A_698 = arith.constant 6656 : i32
      %add3A_699 = vector.broadcast %add3A_698 : i32 to vector<16xi32>
      %add3A_700 = arith.addi %add3A_500, %add3A_699 : vector<16xi32>
      %gather3A_701 = tpu.vector_load_idx %arg6[%add3A_700] : memref<8192xf32, #tpu.memory_space<vmem>>[vector<16xi32>], vector<16xf32>,
      %gt3A_702 = arith.cmpf ogt, %gather3A_701, %max3A_675 : vector<16xf32>
      %max3A_703 = arith.maximumf %max3A_675, %gather3A_701 : vector<16xf32>
      %select_n3A_704 = arith.select %gt3A_702, %add3A_700, %select_n3A_676 : vector<16xi1>, vector<16xi32>
      %add3A_705 = arith.constant 6912 : i32
      %add3A_706 = vector.broadcast %add3A_705 : i32 to vector<16xi32>
      %add3A_707 = arith.addi %add3A_500, %add3A_706 : vector<16xi32>
      %gather3A_708 = tpu.vector_load_idx %arg6[%add3A_707] : memref<8192xf32, #tpu.memory_space<vmem>>[vector<16xi32>], vector<16xf32>,
      %gt3A_709 = arith.cmpf ogt, %gather3A_708, %max3A_682 : vector<16xf32>
      %max3A_710 = arith.maximumf %max3A_682, %gather3A_708 : vector<16xf32>
      %select_n3A_711 = arith.select %gt3A_709, %add3A_707, %select_n3A_683 : vector<16xi1>, vector<16xi32>
      %add3A_712 = arith.constant 7168 : i32
      %add3A_713 = vector.broadcast %add3A_712 : i32 to vector<16xi32>
      %add3A_714 = arith.addi %add3A_500, %add3A_713 : vector<16xi32>
      %gather3A_715 = tpu.vector_load_idx %arg6[%add3A_714] : memref<8192xf32, #tpu.memory_space<vmem>>[vector<16xi32>], vector<16xf32>,
      %gt3A_716 = arith.cmpf ogt, %gather3A_715, %max3A_689 : vector<16xf32>
      %max3A_717 = arith.maximumf %max3A_689, %gather3A_715 : vector<16xf32>
      %select_n3A_718 = arith.select %gt3A_716, %add3A_714, %select_n3A_690 : vector<16xi1>, vector<16xi32>
      %add3A_719 = arith.constant 7424 : i32
      %add3A_720 = vector.broadcast %add3A_719 : i32 to vector<16xi32>
      %add3A_721 = arith.addi %add3A_500, %add3A_720 : vector<16xi32>
      %gather3A_722 = tpu.vector_load_idx %arg6[%add3A_721] : memref<8192xf32, #tpu.memory_space<vmem>>[vector<16xi32>], vector<16xf32>,
      %gt3A_723 = arith.cmpf ogt, %gather3A_722, %max3A_696 : vector<16xf32>
      %max3A_724 = arith.maximumf %max3A_696, %gather3A_722 : vector<16xf32>
      %select_n3A_725 = arith.select %gt3A_723, %add3A_721, %select_n3A_697 : vector<16xi1>, vector<16xi32>
      %add3A_726 = arith.constant 7680 : i32
      %add3A_727 = vector.broadcast %add3A_726 : i32 to vector<16xi32>
      %add3A_728 = arith.addi %add3A_500, %add3A_727 : vector<16xi32>
      %gather3A_729 = tpu.vector_load_idx %arg6[%add3A_728] : memref<8192xf32, #tpu.memory_space<vmem>>[vector<16xi32>], vector<16xf32>,
      %gt3A_730 = arith.cmpf ogt, %gather3A_729, %max3A_703 : vector<16xf32>
      %max3A_731 = arith.maximumf %max3A_703, %gather3A_729 : vector<16xf32>
      %select_n3A_732 = arith.select %gt3A_730, %add3A_728, %select_n3A_704 : vector<16xi1>, vector<16xi32>
      %add3A_733 = arith.constant 7936 : i32
      %add3A_734 = vector.broadcast %add3A_733 : i32 to vector<16xi32>
      %add3A_735 = arith.addi %add3A_500, %add3A_734 : vector<16xi32>
      %gather3A_736 = tpu.vector_load_idx %arg6[%add3A_735] : memref<8192xf32, #tpu.memory_space<vmem>>[vector<16xi32>], vector<16xf32>,
      %gt3A_737 = arith.cmpf ogt, %gather3A_736, %max3A_710 : vector<16xf32>
      %max3A_738 = arith.maximumf %max3A_710, %gather3A_736 : vector<16xf32>
      %select_n3A_739 = arith.select %gt3A_737, %add3A_735, %select_n3A_711 : vector<16xi1>, vector<16xi32>
      %gt3A_740 = arith.cmpf ogt, %max3A_724, %max3A_717 : vector<16xf32>
      %eq3A_741 = arith.cmpf oeq, %max3A_724, %max3A_717 : vector<16xf32>
      %lt3A_742 = arith.cmpi slt, %select_n3A_725, %select_n3A_718 : vector<16xi32>
      %and3A_743 = arith.andi %eq3A_741, %lt3A_742 : vector<16xi1>
      %or3A_744 = arith.ori %gt3A_740, %and3A_743 : vector<16xi1>
      %select_n3A_745 = arith.select %or3A_744, %max3A_724, %max3A_717 : vector<16xi1>, vector<16xf32>
      %select_n3A_746 = arith.select %or3A_744, %select_n3A_725, %select_n3A_718 : vector<16xi1>, vector<16xi32>
      %gt3A_747 = arith.cmpf ogt, %max3A_731, %select_n3A_745 : vector<16xf32>
      %eq3A_748 = arith.cmpf oeq, %max3A_731, %select_n3A_745 : vector<16xf32>
      %lt3A_749 = arith.cmpi slt, %select_n3A_732, %select_n3A_746 : vector<16xi32>
      %and3A_750 = arith.andi %eq3A_748, %lt3A_749 : vector<16xi1>
      %or3A_751 = arith.ori %gt3A_747, %and3A_750 : vector<16xi1>
      %select_n3A_752 = arith.select %or3A_751, %max3A_731, %select_n3A_745 : vector<16xi1>, vector<16xf32>
      %select_n3A_753 = arith.select %or3A_751, %select_n3A_732, %select_n3A_746 : vector<16xi1>, vector<16xi32>
      %gt3A_754 = arith.cmpf ogt, %max3A_738, %select_n3A_752 : vector<16xf32>
      %eq3A_755 = arith.cmpf oeq, %max3A_738, %select_n3A_752 : vector<16xf32>
      %lt3A_756 = arith.cmpi slt, %select_n3A_739, %select_n3A_753 : vector<16xi32>
      %and3A_757 = arith.andi %eq3A_755, %lt3A_756 : vector<16xi1>
      %or3A_758 = arith.ori %gt3A_754, %and3A_757 : vector<16xi1>
      %select_n3A_759 = arith.select %or3A_758, %max3A_738, %select_n3A_752 : vector<16xi1>, vector<16xf32>
      %select_n3A_760 = arith.select %or3A_758, %select_n3A_739, %select_n3A_753 : vector<16xi1>, vector<16xi32>
      %swap3A_761 = arith.constant 0 : index
      %swap3A_762 = tpu.vector_load %arg9[%swap3A_761] {strides = array<i32>} : memref<16xf32, #tpu.memory_space<vmem>>, vector<16xf32>,
      tpu.vector_store %arg9[%swap3A_761], %select_n3A_759 {strides = array<i32>} : memref<16xf32, #tpu.memory_space<vmem>>, vector<16xf32>,
      %swap3A_763 = arith.constant 0 : index
      %swap3A_764 = tpu.vector_load %arg10[%swap3A_763] {strides = array<i32>} : memref<16xi32, #tpu.memory_space<vmem>>, vector<16xi32>,
      tpu.vector_store %arg10[%swap3A_763], %select_n3A_760 {strides = array<i32>} : memref<16xi32, #tpu.memory_space<vmem>>, vector<16xi32>,
      %xor3A_765 = arith.constant 8 : i32
      %xor3A_766 = vector.broadcast %xor3A_765 : i32 to vector<16xi32>
      %xor3A_767 = arith.xori %iota3A, %xor3A_766 : vector<16xi32>
      %gather3A_768 = tpu.vector_load_idx %arg9[%xor3A_767] : memref<16xf32, #tpu.memory_space<vmem>>[vector<16xi32>], vector<16xf32>,
      %xor3A_769 = arith.constant 8 : i32
      %xor3A_770 = vector.broadcast %xor3A_769 : i32 to vector<16xi32>
      %xor3A_771 = arith.xori %iota3A, %xor3A_770 : vector<16xi32>
      %gather3A_772 = tpu.vector_load_idx %arg10[%xor3A_771] : memref<16xi32, #tpu.memory_space<vmem>>[vector<16xi32>], vector<16xi32>,
      %gt3A_773 = arith.cmpf ogt, %gather3A_768, %select_n3A_759 : vector<16xf32>
      %eq3A_774 = arith.cmpf oeq, %gather3A_768, %select_n3A_759 : vector<16xf32>
      %lt3A_775 = arith.cmpi slt, %gather3A_772, %select_n3A_760 : vector<16xi32>
      %and3A_776 = arith.andi %eq3A_774, %lt3A_775 : vector<16xi1>
      %or3A_777 = arith.ori %gt3A_773, %and3A_776 : vector<16xi1>
      %select_n3A_778 = arith.select %or3A_777, %gather3A_768, %select_n3A_759 : vector<16xi1>, vector<16xf32>
      %select_n3A_779 = arith.select %or3A_777, %gather3A_772, %select_n3A_760 : vector<16xi1>, vector<16xi32>
      %swap3A_780 = arith.constant 0 : index
      %swap3A_781 = tpu.vector_load %arg9[%swap3A_780] {strides = array<i32>} : memref<16xf32, #tpu.memory_space<vmem>>, vector<16xf32>,
      tpu.vector_store %arg9[%swap3A_780], %select_n3A_778 {strides = array<i32>} : memref<16xf32, #tpu.memory_space<vmem>>, vector<16xf32>,
      %swap3A_782 = arith.constant 0 : index
      %swap3A_783 = tpu.vector_load %arg10[%swap3A_782] {strides = array<i32>} : memref<16xi32, #tpu.memory_space<vmem>>, vector<16xi32>,
      tpu.vector_store %arg10[%swap3A_782], %select_n3A_779 {strides = array<i32>} : memref<16xi32, #tpu.memory_space<vmem>>, vector<16xi32>,
      %xor3A_784 = arith.constant 4 : i32
      %xor3A_785 = vector.broadcast %xor3A_784 : i32 to vector<16xi32>
      %xor3A_786 = arith.xori %iota3A, %xor3A_785 : vector<16xi32>
      %gather3A_787 = tpu.vector_load_idx %arg9[%xor3A_786] : memref<16xf32, #tpu.memory_space<vmem>>[vector<16xi32>], vector<16xf32>,
      %xor3A_788 = arith.constant 4 : i32
      %xor3A_789 = vector.broadcast %xor3A_788 : i32 to vector<16xi32>
      %xor3A_790 = arith.xori %iota3A, %xor3A_789 : vector<16xi32>
      %gather3A_791 = tpu.vector_load_idx %arg10[%xor3A_790] : memref<16xi32, #tpu.memory_space<vmem>>[vector<16xi32>], vector<16xi32>,
      %gt3A_792 = arith.cmpf ogt, %gather3A_787, %select_n3A_778 : vector<16xf32>
      %eq3A_793 = arith.cmpf oeq, %gather3A_787, %select_n3A_778 : vector<16xf32>
      %lt3A_794 = arith.cmpi slt, %gather3A_791, %select_n3A_779 : vector<16xi32>
      %and3A_795 = arith.andi %eq3A_793, %lt3A_794 : vector<16xi1>
      %or3A_796 = arith.ori %gt3A_792, %and3A_795 : vector<16xi1>
      %select_n3A_797 = arith.select %or3A_796, %gather3A_787, %select_n3A_778 : vector<16xi1>, vector<16xf32>
      %select_n3A_798 = arith.select %or3A_796, %gather3A_791, %select_n3A_779 : vector<16xi1>, vector<16xi32>
      %swap3A_799 = arith.constant 0 : index
      %swap3A_800 = tpu.vector_load %arg9[%swap3A_799] {strides = array<i32>} : memref<16xf32, #tpu.memory_space<vmem>>, vector<16xf32>,
      tpu.vector_store %arg9[%swap3A_799], %select_n3A_797 {strides = array<i32>} : memref<16xf32, #tpu.memory_space<vmem>>, vector<16xf32>,
      %swap3A_801 = arith.constant 0 : index
      %swap3A_802 = tpu.vector_load %arg10[%swap3A_801] {strides = array<i32>} : memref<16xi32, #tpu.memory_space<vmem>>, vector<16xi32>,
      tpu.vector_store %arg10[%swap3A_801], %select_n3A_798 {strides = array<i32>} : memref<16xi32, #tpu.memory_space<vmem>>, vector<16xi32>,
      %xor3A_803 = arith.constant 2 : i32
      %xor3A_804 = vector.broadcast %xor3A_803 : i32 to vector<16xi32>
      %xor3A_805 = arith.xori %iota3A, %xor3A_804 : vector<16xi32>
      %gather3A_806 = tpu.vector_load_idx %arg9[%xor3A_805] : memref<16xf32, #tpu.memory_space<vmem>>[vector<16xi32>], vector<16xf32>,
      %xor3A_807 = arith.constant 2 : i32
      %xor3A_808 = vector.broadcast %xor3A_807 : i32 to vector<16xi32>
      %xor3A_809 = arith.xori %iota3A, %xor3A_808 : vector<16xi32>
      %gather3A_810 = tpu.vector_load_idx %arg10[%xor3A_809] : memref<16xi32, #tpu.memory_space<vmem>>[vector<16xi32>], vector<16xi32>,
      %gt3A_811 = arith.cmpf ogt, %gather3A_806, %select_n3A_797 : vector<16xf32>
      %eq3A_812 = arith.cmpf oeq, %gather3A_806, %select_n3A_797 : vector<16xf32>
      %lt3A_813 = arith.cmpi slt, %gather3A_810, %select_n3A_798 : vector<16xi32>
      %and3A_814 = arith.andi %eq3A_812, %lt3A_813 : vector<16xi1>
      %or3A_815 = arith.ori %gt3A_811, %and3A_814 : vector<16xi1>
      %select_n3A_816 = arith.select %or3A_815, %gather3A_806, %select_n3A_797 : vector<16xi1>, vector<16xf32>
      %select_n3A_817 = arith.select %or3A_815, %gather3A_810, %select_n3A_798 : vector<16xi1>, vector<16xi32>
      %swap3A_818 = arith.constant 0 : index
      %swap3A_819 = tpu.vector_load %arg9[%swap3A_818] {strides = array<i32>} : memref<16xf32, #tpu.memory_space<vmem>>, vector<16xf32>,
      tpu.vector_store %arg9[%swap3A_818], %select_n3A_816 {strides = array<i32>} : memref<16xf32, #tpu.memory_space<vmem>>, vector<16xf32>,
      %swap3A_820 = arith.constant 0 : index
      %swap3A_821 = tpu.vector_load %arg10[%swap3A_820] {strides = array<i32>} : memref<16xi32, #tpu.memory_space<vmem>>, vector<16xi32>,
      tpu.vector_store %arg10[%swap3A_820], %select_n3A_817 {strides = array<i32>} : memref<16xi32, #tpu.memory_space<vmem>>, vector<16xi32>,
      %xor3A_822 = arith.constant 1 : i32
      %xor3A_823 = vector.broadcast %xor3A_822 : i32 to vector<16xi32>
      %xor3A_824 = arith.xori %iota3A, %xor3A_823 : vector<16xi32>
      %gather3A_825 = tpu.vector_load_idx %arg9[%xor3A_824] : memref<16xf32, #tpu.memory_space<vmem>>[vector<16xi32>], vector<16xf32>,
      %xor3A_826 = arith.constant 1 : i32
      %xor3A_827 = vector.broadcast %xor3A_826 : i32 to vector<16xi32>
      %xor3A_828 = arith.xori %iota3A, %xor3A_827 : vector<16xi32>
      %gather3A_829 = tpu.vector_load_idx %arg10[%xor3A_828] : memref<16xi32, #tpu.memory_space<vmem>>[vector<16xi32>], vector<16xi32>,
      %gt3A_830 = arith.cmpf ogt, %gather3A_825, %select_n3A_816 : vector<16xf32>
      %eq3A_831 = arith.cmpf oeq, %gather3A_825, %select_n3A_816 : vector<16xf32>
      %lt3A_832 = arith.cmpi slt, %gather3A_829, %select_n3A_817 : vector<16xi32>
      %and3A_833 = arith.andi %eq3A_831, %lt3A_832 : vector<16xi1>
      %or3A_834 = arith.ori %gt3A_830, %and3A_833 : vector<16xi1>
      %select_n3A_835 = arith.select %or3A_834, %gather3A_825, %select_n3A_816 : vector<16xi1>, vector<16xf32>
      %select_n3A_836 = arith.select %or3A_834, %gather3A_829, %select_n3A_817 : vector<16xi1>, vector<16xi32>
      %eq3A_837 = arith.cmpi eq, %iota3A, %and3A_496 : vector<16xi32>
      %select_n3A_838 = arith.select %eq3A_837, %select_n3A_835, %scan3A_405 : vector<16xi1>, vector<16xf32>
      %eq3A_839 = arith.cmpi eq, %iota3A, %and3A_496 : vector<16xi32>
      %select_n3A_840 = arith.select %eq3A_839, %select_n3A_836, %scan3A_406 : vector<16xi1>, vector<16xi32>
      scf.yield %select_n3A_838, %select_n3A_840, %select_n3A_488 : vector<16xf32>, vector<16xi32>, vector<16xi32>
    }
    %scan3A_393 = arith.constant 10 : i32
    %mul3A_394 = arith.constant 8192 : i32
    %mul3A_395 = arith.muli %add3A, %mul3A_394 : i32
    %add3A_396 = vector.broadcast %mul3A_395 : i32 to vector<16xi32>
    %add3A_397 = arith.addi %scan3A_392#2, %add3A_396 : vector<16xi32>
    %swap3A_398 = arith.constant 0 : index
    %swap3A_399 = tpu.vector_load %arg12[%swap3A_398] {strides = array<i32>} : memref<16xi32, #tpu.memory_space<vmem>>, vector<16xi32>,
    tpu.vector_store %arg12[%swap3A_398], %add3A_397 {strides = array<i32>} : memref<16xi32, #tpu.memory_space<vmem>>, vector<16xi32>,
    %dma_start3A = arith.constant 0 : i32
    %dma_start3A_400 = arith.constant 0 : i32
    %dma_start3A_401 = tpu.memref_slice %arg2[%dma_start3A, %dma_start3A_400] : memref<262144x256xf32, #tpu.memory_space<hbm>> -> memref<262144x256xf32, #tpu.memory_space<hbm>>
    tpu.enqueue_indirect_dma source(%dma_start3A_401 : memref<262144x256xf32, #tpu.memory_space<hbm>>) target(%arg13 : memref<16x256xf32, #tpu.memory_space<vmem>>) offsets(%arg12 : memref<16xi32, #tpu.memory_space<vmem>>) semaphore(%arg14 : memref<!tpu.dma_semaphore, #tpu.memory_space<semaphore_mem>>)
    %dma_wait3A = arith.constant 0 : i32
    %dma_wait3A_402 = arith.constant 0 : i32
    %dma_wait3A_403 = tpu.memref_slice %arg2[%dma_wait3A, %dma_wait3A_402] : memref<262144x256xf32, #tpu.memory_space<hbm>> -> memref<262144x256xf32, #tpu.memory_space<hbm>>
    tpu.wait_indirect_dma semaphore(%arg14 : memref<!tpu.dma_semaphore, #tpu.memory_space<semaphore_mem>>) src(%dma_wait3A_403 : memref<262144x256xf32, #tpu.memory_space<hbm>>) dst(%arg13 : memref<16x256xf32, #tpu.memory_space<vmem>>)
    "tpu.region"() ({
      %run_scoped3A = tpu.sem_alloc : memref<!tpu.dma_semaphore, #tpu.memory_space<semaphore_mem>>
      %dma_start3A_404 = arith.constant 0 : i32
      %dma_start3A_405 = arith.constant 0 : i32
      %dma_start3A_406 = tpu.memref_slice %arg5[%add3A, %dma_start3A_404, %dma_start3A_405] : memref<32x16x256xf32, #tpu.memory_space<hbm>> -> memref<1x16x256xf32, #tpu.memory_space<hbm>>
      %dma_start3A_407 = tpu.memref_squeeze %dma_start3A_406 : memref<1x16x256xf32, #tpu.memory_space<hbm>> -> memref<16x256xf32, #tpu.memory_space<hbm>>
      %dma_start3A_408 = arith.constant 0 : i32
      %dma_start3A_409 = arith.constant 0 : i32
      %dma_start3A_410 = tpu.memref_slice %arg5[%add3A, %dma_start3A_408, %dma_start3A_409] : memref<32x16x256xf32, #tpu.memory_space<hbm>> -> memref<1x16x256xf32, #tpu.memory_space<hbm>>
      %dma_start3A_411 = tpu.memref_squeeze %dma_start3A_410 : memref<1x16x256xf32, #tpu.memory_space<hbm>> -> memref<16x256xf32, #tpu.memory_space<hbm>>
      tpu.enqueue_dma source(%arg13 : memref<16x256xf32, #tpu.memory_space<vmem>>) target(%dma_start3A_411 : memref<16x256xf32, #tpu.memory_space<hbm>>) target_semaphore(%run_scoped3A : memref<!tpu.dma_semaphore, #tpu.memory_space<semaphore_mem>>)
      %dma_wait3A_412 = arith.constant 0 : i32
      %dma_wait3A_413 = arith.constant 0 : i32
      %dma_wait3A_414 = tpu.memref_slice %arg5[%add3A, %dma_wait3A_412, %dma_wait3A_413] : memref<32x16x256xf32, #tpu.memory_space<hbm>> -> memref<1x16x256xf32, #tpu.memory_space<hbm>>
      %dma_wait3A_415 = tpu.memref_squeeze %dma_wait3A_414 : memref<1x16x256xf32, #tpu.memory_space<hbm>> -> memref<16x256xf32, #tpu.memory_space<hbm>>
      %dma_wait3A_416 = arith.constant 0 : i32
      %dma_wait3A_417 = arith.constant 0 : i32
      %dma_wait3A_418 = tpu.memref_slice %arg5[%add3A, %dma_wait3A_416, %dma_wait3A_417] : memref<32x16x256xf32, #tpu.memory_space<hbm>> -> memref<1x16x256xf32, #tpu.memory_space<hbm>>
      %dma_wait3A_419 = tpu.memref_squeeze %dma_wait3A_418 : memref<1x16x256xf32, #tpu.memory_space<hbm>> -> memref<16x256xf32, #tpu.memory_space<hbm>>
      tpu.wait_dma2 semaphore(%run_scoped3A : memref<!tpu.dma_semaphore, #tpu.memory_space<semaphore_mem>>) src(%arg13 : memref<16x256xf32, #tpu.memory_space<vmem>>) dst(%dma_wait3A_419 : memref<16x256xf32, #tpu.memory_space<hbm>>)
      tpu.yield
    }) : () -> ()
    return
  }
}

</mosaic_0001>

<sc_bundles>
// kernel: kernel.3.cloned.1.call-start
scs
__scs_entry_jumppad:
0x0: {  	(pc) =	sbr.rel $0x88, $3  }
0x1: {  	(tag) =	ssettag $0x0;
	lr =	simm.s32 $0x1  }
0x2: {  	[smem:$0x3F9E] =	sst lr;
	_ =	strace $0xD0000000  }
0x3: {  	_ = 	snop  }
0x4: {  	_ = 	snop  }
0x5: {  	_ = 	snop  }
0x6: {  	_ = 	snop  }
0x7: {  	_ = 	snop  }
__scs_overlays_trampoline_lowered:
0x8: {  	[smem:$0x3FAD] =	sst s0  }
0x9: {  	[smem:$0x3FAE] =	sst s1  }
0xa: {  	[smem:$0x3FAF] =	sst s2  }
0xb: {  	[smem:$0x3FB0] =	sst s3  }
0xc: {  	[smem:$0x3FB1] =	sst s4  }
0xd: {  	[smem:$0x3FB2] =	sst s5  }
0xe: {  	[smem:$0x3FB3] =	sst s6  }
0xf: {  	[smem:$0x3FB4] =	sst s7  }
0x10: {  	[smem:$0x3FB5] =	sst s8  }
0x11: {  	[smem:$0x3FB6] =	sst s9;
	s0 =	simm.s32 @!p0 $0x0  }
0x12: {  	s1 =	sld [smem:$0x3F9C];
	s0 =	simm.s32 @p0 $0x1  }
0x13: {  	[smem:$0x3FB7] =	sst s0;
	s0 =	simm.s32 @!p1 $0x0  }
0x14: {  	s2 =	sld [smem:$0x3F9B];
	s0 =	simm.s32 @p1 $0x1  }
0x15: {  	[smem:$0x3FB8] =	sst s0;
	s0 =	simm.s32 @!p2 $0x0  }
0x16: {  	s3 =	sld [smem:$0x3FDB];
	s0 =	simm.s32 @p2 $0x1  }
0x17: {  	s4 =	simm.s32 $0x1BF5;
	[smem:$0x3FBA] =	sst s0  }
0x18: {  	s0 =	sld [smem:$0x3F9D];
	_ =	swait.ge [sflag:s4], $0x0  }
0x19: {  	s7 =	sld [smem:$0x3F9E]  }
0x1a: {  	s8 =	sadd.s32 $0xFFFFE003, lr  }
0x1b: {  	s9 =	sadd.s32 $0xFFFFFEF7, lr;
	s5 =	simm.s32 $0xFFFFFFFF;
	p2 =	slt.u32 s8, $0xFFFFF086  }
0x1c: {  	p1 =	slt.u32 s9, $0xF7A;
	s5 =	simm.s32 @!p2 $0x0  }
0x1d: {  	s5 =	simm.s32 @p1 $0x1;
	p0 =	seq.s32 s7, s2  }
0x1e: {  	s7 =	smul.u32 @!p0 $0xF7A, s2;
	p2 =	seq.s32 @!p0 s5, $0x0  }
0x1f: {  	s9 =	smul.u32 $0xF7A, s1;
	s8 =	simm.s32 @!p0 $0x1BF5;
	p2 =	por !p2, p0  }
0x20: {  	[sflag:s8] =	ssyncset.s32 @!p0 $0xFFFFF086;
	s6 =	sadd.s32 @!p0 s3, s7;
	s7 =	simm.s32 @!p0 $0x108  }
0x21: {  	s3 =	sadd.s32 s3, s9;
	s6 =	sadd.s32 @!p0 $0x88, s6;
	s7 =	simm.s32 @p2 $0x1082  }
0x22: {  	[simem:s7], [sflag:s8] =	dma.local @!p0 [hbm:s6], $0xF7A  }
0x23: {  	s9 =	sor.u32 $0xD0000000, s2;
	s6 =	simm.s32 $0x108;
	_ =	swait.ge @!p0 [sflag:s8], $0x0  }
0x24: {  	s3 =	sadd.s32 $0x88, s3;
	s6 =	simm.s32 @!p1 $0x1082;
	[sflag:s4] =	ssyncset.s32 $0xFFFFF086  }
0x25: {  	[simem:s6], [sflag:s4] =	dma.local [hbm:s3], $0xF7A  }
0x26: {  	[smem:$0x3F9E] =	sst s1;
	(tag) =	ssettag s2;
	_ =	strace s9  }
0x27: {  	s1 =	sld [smem:$0x3FAE]  }
0x28: {  	s2 =	sld [smem:$0x3FAF]  }
0x29: {  	s4 =	sld [smem:$0x3FB1]  }
0x2a: {  	p0 =	seq.s32 s5, $0x0;
	s5 =	sld [smem:$0x3FB2]  }
0x2b: {  	s6 =	sld [smem:$0x3FB3]  }
0x2c: {  	s7 =	sld [smem:$0x3FB4]  }
0x2d: {  	s3 =	simm.s32 $0x108;
	s8 =	sld [smem:$0x3FB5]  }
0x2e: {  	s3 =	simm.s32 @!p0 $0x1082;
	s9 =	sld [smem:$0x3FB6]  }
0x2f: {  	lr =	sadd.s32 s0, s3;
	s0 =	sld [smem:$0x3FAD]  }
0x30: {  	s3 =	sld [smem:$0x3FB0]  }
0x31: {  	[smem:$0x3FB9] =	sst s10  }
0x32: {  	s10 =	sld [smem:$0x3FB7];
	_ =	sdelay $0x3  }
0x33: {  	p0 =	seq.s32 s10, $0x1;
	s10 =	sld [smem:$0x3FB9];
	_ =	sdelay $0x3  }
0x34: {  	[smem:$0x3FB9] =	sst s10  }
0x35: {  	s10 =	sld [smem:$0x3FB8];
	_ =	sdelay $0x3  }
0x36: {  	p1 =	seq.s32 s10, $0x1;
	s10 =	sld [smem:$0x3FB9];
	_ =	sdelay $0x3  }
0x37: {  	[smem:$0x3FB9] =	sst s10  }
0x38: {  	s10 =	sld [smem:$0x3FBA]  }
0x39: {  	_ = 	snop;
	(pc) =	sbr.ind lr, $3  }
0x3a: {  	_ = 	snop  }
0x3b: {  	_ = 	snop  }
0x3c: {  	p2 =	seq.s32 s10, $0x1;
	s10 =	sld [smem:$0x3FB9]  }
0x3d: {  	_ =	shalt  }
0x3e: {  	_ =	shalt  }
0x3f: {  	_ =	shalt  }
0x40: {  	_ =	shalt  }
0x41: {  	_ =	shalt  }
0x42: {  	_ =	shalt  }
0x43: {  	_ =	shalt  }
0x44: {  	_ =	shalt  }
0x45: {  	_ =	shalt  }
0x46: {  	_ =	shalt  }
0x47: {  	_ =	shalt  }
0x48: {  	_ =	shalt  }
0x49: {  	_ =	shalt  }
0x4a: {  	_ =	shalt  }
0x4b: {  	_ =	shalt  }
0x4c: {  	_ =	shalt  }
0x4d: {  	_ =	shalt  }
0x4e: {  	_ =	shalt  }
0x4f: {  	_ =	shalt  }
0x50: {  	_ =	shalt  }
0x51: {  	_ =	shalt  }
0x52: {  	_ =	shalt  }
0x53: {  	_ =	shalt  }
0x54: {  	_ =	shalt  }
0x55: {  	_ =	shalt  }
0x56: {  	_ =	shalt  }
0x57: {  	_ =	shalt  }
0x58: {  	_ =	shalt  }
0x59: {  	_ =	shalt  }
0x5a: {  	_ =	shalt  }
0x5b: {  	_ =	shalt  }
0x5c: {  	_ =	shalt  }
0x5d: {  	_ =	shalt  }
0x5e: {  	_ =	shalt  }
0x5f: {  	_ =	shalt  }
0x60: {  	_ =	shalt  }
0x61: {  	_ =	shalt  }
0x62: {  	_ =	shalt  }
0x63: {  	_ =	shalt  }
0x64: {  	_ =	shalt  }
0x65: {  	_ =	shalt  }
0x66: {  	_ =	shalt  }
0x67: {  	_ =	shalt  }
0x68: {  	_ =	shalt  }
0x69: {  	_ =	shalt  }
0x6a: {  	_ =	shalt  }
0x6b: {  	_ =	shalt  }
0x6c: {  	_ =	shalt  }
0x6d: {  	_ =	shalt  }
0x6e: {  	_ =	shalt  }
0x6f: {  	_ =	shalt  }
0x70: {  	_ =	shalt  }
0x71: {  	_ =	shalt  }
0x72: {  	_ =	shalt  }
0x73: {  	_ =	shalt  }
0x74: {  	_ =	shalt  }
0x75: {  	_ =	shalt  }
0x76: {  	_ =	shalt  }
0x77: {  	_ =	shalt  }
0x78: {  	_ =	shalt  }
0x79: {  	_ =	shalt  }
0x7a: {  	_ =	shalt  }
0x7b: {  	_ =	shalt  }
0x7c: {  	_ =	shalt  }
0x7d: {  	_ =	shalt  }
0x7e: {  	_ =	shalt  }
0x7f: {  	_ =	shalt  }
0x80: {  	_ =	shalt  }
0x81: {  	_ =	shalt  }
0x82: {  	_ =	shalt  }
0x83: {  	_ =	shalt  }
0x84: {  	_ =	shalt  }
0x85: {  	_ =	shalt  }
0x86: {  	_ =	shalt  }
0x87: {  	_ =	shalt  }
.Lfunc_end0:
.L_simem_size_0:
called_computation_lowered:
.L_overlay_start_0:
0x88: {  	s2 =	sld [smem:$0x3FD9]  }
0x89: {  	s3 =	sld [smem:$0x3FFE];
	_ =	sdelay $0x1  }
0x8a: {  	s1 =	srdreg.scid  }
0x8b: {  	s0 =	sand.u32 $0x1, s1  }
0x8c: {  	s17 =	sshll.u32 s0, $0xA;
	s2 =	sadd.s32 s3, s2  }
0x8d: {  	s2 =	sadd.s32 s2, s17  }
0x8e: {  	[smem:$0x3FC5] =	sst s2  }
0x8f: {  	_ = 	snop  }
0x90: {  	s2 =	sld [smem:$0x3FC9]  }
0x91: {  	s18 =	sld [smem:$0x3FC8]  }
0x92: {  	s4 =	sld [smem:$0x3FC7];
	(tm) =	ssettm $0x1  }
0x93: {  	s5 =	sld [smem:$0x3FFB];
	_ =	sdelay $0x3  }
0x94: {  	_ =	strace s5  }
0x95: {  	s5 =	sld [smem:$0x3FFC];
	_ =	sdelay $0x3  }
0x96: {  	_ =	strace s5  }
0x97: {  	s5 =	sld [smem:$0x3FFD];
	_ =	sdelay $0x3  }
0x98: {  	_ =	strace s5  }
0x99: {  	_ =	strace $0x8FFFFFFF  }
0x9a: {  	s19 =	sld [smem:$0x3FDB];
	_ =	sdelay $0x1  }
0x9b: {  	s6 =	simm.s32 $_scs_section_size  }
0x9c: {  	s7 =	simm.s32 $_size__tile_overlayer_lowered;
	s8 =	simm.s32 $_tile_overlayer_lowered  }
0x9d: {  	s22 =	simm.s32 $0x1BFF;
	s21 =	sshll.u32 s8, $0x1;
	s5 =	sadd.s32 s6, s19  }
0x9e: {  	s9 =	simm.s32 $0x0;
	s20 =	sshll.u32 s7, $0x1;
	s7 =	sadd.s32 s21, s5  }
0x9f: {  	[timem:s9], [sflag:s22] =	dma.local [hbm:s7], s20  }
0xa0: {  	_ =	swait.ge [sflag:s22], s20  }
0xa1: {  	s6 =	ssub.s32 $0x0, s20;
	[sflag:s22] =	ssyncset.done $0x0  }
0xa2: {  	[sflag:s22] =	ssyncadd.s32 s6;
	_ =	sdelay $0x1  }
0xa3: {  	s23 =	simm.s32 $0x1B8B  }
0xa4: {  	_ =	swait.ge [sflag:s23], $0x1  }
0xa5: {  	[sflag:s23] =	ssyncset.done $0x0  }
0xa6: {  	s25 =	simm.s32 $0x1B8E;
	s24 =	sld [smem:$0x3FFE];
	[sflag:s23] =	ssyncadd.s32 $0xFFFFFFFF  }
0xa7: {  	s26 =	simm.s32 $execute0_lowered;
	[smem:$0x3FD2] =	sst s25  }
0xa8: {  	s7 =	sshll.u32 s26, $0x1;
	_ =	strace $0x80000046;
	[dreg:$0x1] =	wrdreg $0xFFFFFFFF  }
0xa9: {  	s28 =	simm.s32 $_size_execute0_lowered;
	s5 =	sadd.s32 s5, s7;
	[dreg:$0x0] =	wrdreg $0x0  }
0xaa: {  	s7 =	sshll.u32 s28, $0x1;
	[dreg:$0x2] =	wrdreg s5  }
0xab: {  	[dreg:$0x3] =	wrdreg s7  }
0xac: {  	[dreg:$0x4] =	wrdreg $0xC0  }
0xad: {  	_ =	task [dreg:s9], $0x5FFFF  }
0xae: {  	[dreg:$0x1] =	wrdreg $0xFFFFFFFF  }
0xaf: {  	[dreg:$0x0] =	wrdreg $0x60  }
0xb0: {  	[dreg:$0x2] =	wrdreg s2  }
0xb1: {  	[dreg:$0x3] =	wrdreg s18  }
0xb2: {  	[dreg:$0x4] =	wrdreg s4  }
0xb3: {  	[dreg:$0x5] =	wrdreg s24  }
0xb4: {  	[dreg:$0x6] =	wrdreg $0x9  }
0xb5: {  	_ =	task.clear_ibuf [dreg:s9], $0x7FFFF;
	_ =	strace $0x90000046  }
0xb6: {  	s29 =	simm.s32 $0x9;
	_ =	strace $0x80000048  }
0xb7: {  	_ =	swait.ge [sflag:s29], $0x1  }
0xb8: {  	[sflag:s29] =	ssyncadd.s32 $0xFFFFFFFF  }
0xb9: {  	_ =	strace $0x90000048  }
0xba: {  	_ =	sfence  }
0xbb: {  	s30 =	sld [smem:$0x0];
	_ =	sdelay $0x2  }
0xbc: {  	s31 =	sshll.u32 s1, $0xD;
	s1 =	sshrl.u32 s1, $0x2  }
0xbd: {  	s3 =	sand.u32 $0x4000, s31;
	s1 =	sadd.s32 s1, s30  }
0xbe: {  	s0 =	sor.u32 s3, s0;
	s1 =	sshll.u32 s1, $0x11  }
0xbf: {  	s0 =	sor.u32 s1, s0  }
0xc0: {  	s0 =	sadd.s32 $0x8F2B, s0  }
0xc1: {  	[sflag:s0] =	ssyncadd.remote.s32 $0x1  }
0xc2: {  	_ =	sfence.sel $0xFFFF  }
0xc3: {  	[dreg:$0x0] =	wrdreg $0xFFFFFFFF;
	(pc) =	sbr.abs _section_cstart, $3  }
0xc4: {  	[dreg:$0x1] =	wrdreg $0xFFFFFFFF  }
0xc5: {  	_ =	task.clear_ibuf [dreg:s9], $0x2FFFF;
	_ =	strace $0x9FFFFFFF  }
0xc6: {  	(tm) =	ssettm $0x7FFFFFFF  }
0xc7: {  	_ =	shalt  }
tec
execute0_lowered:
.L_overlay_start_1:
0x0: {  	(tag) =	ssettag $0x1  }
0x1: {  	s0 =	srdreg.scid  }
0x2: {  	s5 =	sand.u32 $0x1, s0  }
0x3: {  	s0 =	stileid.u32;
	s1 =	sshll.u32 s5, $0x4  }
0x4: {  	s4 =	sor.u32 s0, s1  }
0x5: {  	v0 =	vimm.s32 $0xFEDCBA98;
	s7 =	rddreg [dreg:$0x1];
	s6 =	sshll.u32 s4, $0xD  }
0x6: {  	s8 =	rddreg [dreg:$0x2];
	v1 =	vunpack.c.l.s4.s8 v0;
	v0 =	vmov s6  }
0x7: {  	s9 =	rddreg [dreg:$0x3];
	[tilespmem:$0x1FE00] =	vst v0;
	v0 =	vlaneseq.u32  }
0x8: {  	s2 =	rddreg [dreg:$0x4];
	s3 =	simm.s32 $0x0;
	v20 =	vmul.u32 $0x10, v0  }
0x9: {  	[smem:$0x7FF] =	sst s3  }
0xa: {  	s1 =	rddreg [dreg:$0x0];
	_ =	strace $0x80000047;
	v11 =	vor.u32 $0x100, v20;
	[tilespmem:$0x1FEB0] =	vst v20  }
0xb: {  	v12 =	vor.u32 $0x200, v20;
	[tilespmem:$0x1FE10] =	vst v11  }
0xc: {  	v13 =	vor.u32 $0x300, v20;
	[tilespmem:$0x1FE20] =	vst v12  }
0xd: {  	v14 =	vor.u32 $0x400, v20;
	[tilespmem:$0x1FE30] =	vst v13  }
0xe: {  	v3 =	vimm.s32 $0xBA98FEDC;
	v4 =	vimm.s32 $0x32107654;
	v15 =	vor.u32 $0x500, v20;
	[tilespmem:$0x1FE40] =	vst v14  }
0xf: {  	v3 =	vunpack.c.l.s4.s8 v3;
	v4 =	vunpack.c.l.s4.s8 v4;
	v16 =	vor.u32 $0x600, v20;
	[tilespmem:$0x1FE50] =	vst v15  }
0x10: {  	v17 =	vor.u32 $0x700, v20;
	[tilespmem:$0x1FE60] =	vst v16  }
0x11: {  	v3 =	vunpack.c.0.s8.s32 v3;
	v4 =	vunpack.c.0.s8.s32 v4;
	v18 =	vor.u32 $0x800, v20;
	[tilespmem:$0x1FE70] =	vst v17  }
0x12: {  	v19 =	vor.u32 $0x900, v20;
	[tilespmem:$0x1FE80] =	vst v18  }
0x13: {  	v3 =	vcombine.low v4, v3;
	v4 =	vor.u32 $0xA00, v20;
	[tilespmem:$0x1FE90] =	vst v19  }
0x14: {  	v21 =	vor.u32 $0xB00, v20;
	[tilespmem:$0x1FEA0] =	vst v4  }
0x15: {  	v22 =	vor.u32 $0xC00, v20;
	[tilespmem:$0x1FEC0] =	vst v21  }
0x16: {  	v23 =	vor.u32 $0xD00, v20;
	[tilespmem:$0x1FED0] =	vst v22  }
0x17: {  	v24 =	vor.u32 $0xE00, v20;
	[tilespmem:$0x1FEE0] =	vst v23  }
0x18: {  	v25 =	vor.u32 $0xF00, v20;
	[tilespmem:$0x1FEF0] =	vst v24  }
0x19: {  	v26 =	vor.u32 $0x1000, v20;
	[tilespmem:$0x1FF00] =	vst v25  }
0x1a: {  	v2 =	vimm.s32 $0x76543210;
	v27 =	vor.u32 $0x1100, v20;
	[tilespmem:$0x1FF10] =	vst v26  }
0x1b: {  	v5 =	vimm.s32 $0xDCFE98BA;
	v1 =	vunpack.c.0.s8.s32 v1;
	v28 =	vor.u32 $0x1200, v20;
	[tilespmem:$0x1FF20] =	vst v27  }
0x1c: {  	v6 =	vimm.s32 $0x54761032;
	v7 =	vimm.s32 $0xEFCDAB89;
	v29 =	vor.u32 $0x1300, v20;
	[tilespmem:$0x1FF30] =	vst v28  }
0x1d: {  	v8 =	vimm.s32 $0x67452301;
	v9 =	vand.u32 $0xF, v1;
	v1 =	vor.u32 $0x1400, v20;
	[tilespmem:$0x1FF40] =	vst v29  }
0x1e: {  	vm0 =	vcmask $0x3F10;
	vm1 =	vcmask $0x704;
	v31 =	vor.u32 $0x1500, v20;
	[tilespmem:$0x1FF50] =	vst v1  }
0x1f: {  	vm2 =	vcmask $0xB04;
	v2 =	vunpack.c.l.s4.s8 v2;
	v32 =	vor.u32 $0x1600, v20;
	[tilespmem:$0x1FF60] =	vst v31  }
0x20: {  	s11 =	simm.s32 $0x2000;
	v5 =	vunpack.c.l.s4.s8 v5;
	v6 =	vunpack.c.l.s4.s8 v6;
	v33 =	vor.u32 $0x1700, v20;
	[tilespmem:$0x1FF70] =	vst v32  }
0x21: {  	s12 =	simm.s32 $0x6000;
	s13 =	simm.s32 $0x6080;
	s14 =	simm.s32 $0x4000;
	v7 =	vunpack.c.l.s4.s8 v7;
	v8 =	vunpack.c.l.s4.s8 v8;
	v34 =	vor.u32 $0x1800, v20;
	[tilespmem:$0x1FF80] =	vst v33  }
0x22: {  	s15 =	simm.s32 $0x6100;
	s16 =	simm.s32 $0x6200;
	vm1 =	vmor vm1, vm0;
	s10 =	sshll.u32 s0, $0x7;
	v5 =	vunpack.c.0.s8.s32 v5;
	v35 =	vor.u32 $0x1900, v20;
	[tilespmem:$0x1FF90] =	vst v34  }
0x23: {  	s17 =	simm.s32 $0x6A00;
	s18 =	simm.s32 $0x1;
	v6 =	vunpack.c.0.s8.s32 v6;
	v2 =	vunpack.c.0.s8.s32 v2;
	s6 =	sor.u32 s10, s6;
	v36 =	vor.u32 $0x1A00, v20;
	[tilespmem:$0x1FFA0] =	vst v35  }
0x24: {  	s19 =	simm.s32 $0x0;
	s5 =	ssub.s32 $0x2, s5;
	v7 =	vunpack.c.0.s8.s32 v7;
	v8 =	vunpack.c.0.s8.s32 v8;
	s6 =	sand.u32 $0x30380, s6;
	v37 =	vor.u32 $0x1B00, v20;
	[tilespmem:$0x1FFB0] =	vst v36  }
0x25: {  	vm2 =	vmor vm2, vm0;
	s31 =	sshrl.u32 s5, $0x1;
	s4 =	sshll.u32 s4, $0x9;
	v2 =	vcombine.low v9, v2;
	s6 =	sshrl.u32 s6, $0x3;
	v10 =	vor.u32 $0x1D00, v20;
	[tilespmem:$0x1FFC0] =	vst v37  }
0x26: {  	v5 =	vcombine.low v6, v5;
	v6 =	vcombine.low v8, v7;
	s9 =	sadd.s32 s4, s9;
	s10 =	ssub.s32 s5, s31;
	s4 =	sadd.s32 s7, s6;
	v58 =	vor.u32 $0x1E00, v20;
	[tilespmem:$0x1FFD0] =	vst v10  }
0x27: {  	v7 =	vimm.f32 $-Inf;
	v3 =	vand.u32 $0xF, v3;
	s5 =	sadd.s32 s8, s6;
	s6 =	sadd.s32 $0x400, s9;
	s7 =	smax.u32 s10, $0x1;
	v53 =	vor.u32 $0x1F00, v20;
	[tilespmem:$0x1FFE0] =	vst v58  }
0x28: {  	v5 =	vand.u32 $0xF, v5;
	v6 =	vand.u32 $0xF, v6;
	s8 =	simm.s32 $0x80;
	s9 =	simm.s32 $0x400;
	s10 =	simm.s32 $0x2;
	v38 =	vor.u32 $0x1C00, v20;
	[tilespmem:$0x1FFF0] =	vst v53  }
.LBB2_1:
0x29: {  	[tilespmem:s3], [sflag:$0x2] =	stream.strided.gather [hbm4b:s4+s8], $0x2000, s9, s8, $0x38;
	[tilespmem:$0x7200] =	vst v63  }
0x2a: {  	_ =	swait.ge [sflag:s10], $0x2000  }
0x2b: {  	[sflag:s10] =	ssyncset.done $0x0  }
0x2c: {  	[sflag:s10] =	ssyncadd.s32 $0xFFFFE000  }
0x2d: {  	[tilespmem:s11], [sflag:$0x2] =	stream.strided.gather [hbm4b:s5+s8], $0x2000, s9, s8, $0x38;
	[tilespmem:$0x7200] =	vst v63  }
0x2e: {  	_ =	swait.ge [sflag:s10], $0x2000  }
0x2f: {  	[sflag:s10] =	ssyncset.done $0x0  }
0x30: {  	s20 =	simm.s32 $0x0;
	[sflag:s10] =	ssyncadd.s32 $0xFFFFE000  }
0x31: {  	v39 =	vld [tilespmem:s20+$0x0]  }
0x32: {  	v40 =	vld [tilespmem:s20+$0x10]  }
0x33: {  	v41 =	vld [tilespmem:s20+$0x20]  }
0x34: {  	v48 =	vld [tilespmem:s20+$0x30]  }
0x35: {  	v42 =	vld [tilespmem:s20+$0x40]  }
0x36: {  	v44 =	vld [tilespmem:s20+$0x70];
	v39 =	vadd.f32 $-5.000000000e-01, v39  }
0x37: {  	v40 =	vadd.f32 $-5.000000000e-01, v40  }
0x38: {  	v41 =	vadd.f32 $-5.000000000e-01, v41;
	v43 =	vand.u32 $0x7FFFFFFF, v39  }
0x39: {  	v46 =	vld [tilespmem:s20+$0x50];
	v48 =	vadd.f32 $-5.000000000e-01, v48;
	v40 =	vand.u32 $0x7FFFFFFF, v40;
	v45 =	vsub.f32 $0.0e+00, v43  }
0x3a: {  	v47 =	vld [tilespmem:s20+$0x60];
	v39 =	vimm.s32 $0x0;
	v41 =	vand.u32 $0x7FFFFFFF, v41;
	v40 =	vsub.f32 $0.0e+00, v40  }
0x3b: {  	v43 =	vadd.f32 $-5.000000000e-01, v42;
	v42 =	vadd.f32 $-5.000000000e-01, v44;
	v63 =	vmax.f32 v7, v45  }
0x3c: {  	v41 =	vsub.f32 $0.0e+00, v41;
	[tilespmem:s20+$0x4000] =	vst v45;
	vm5 =	vgt.f32 v45, v7;
	vm3 =	vgt.f32 v40, v63  }
0x3d: {  	[tilespmem:s20+$0x4010] =	vst v40;
	v44 =	vmax.f32 v63, v40;
	v45 =	vsel vm5, v0, v39;
	v40 =	vlaneseq.u32  }
0x3e: {  	s21 =	simm.s32 $0x200;
	[tilespmem:s20+$0x4020] =	vst v41;
	vm4 =	vgt.f32 v41, v44;
	v44 =	vmax.f32 v44, v41;
	v41 =	vlaneseq.u32  }
.LBB2_2:
0x3f: {  	s22 =	sshra.s32 s21, $0x2;
	p0 =	sne.s32 s21, $0x7E00;
	s21 =	sadd.s32 $0x200, s21;
	v43 =	vand.u32 $0x7FFFFFFF, v43;
	v46 =	vadd.f32 $-5.000000000e-01, v46;
	v47 =	vadd.f32 $-5.000000000e-01, v47  }
0x40: {  	v42 =	vand.u32 $0x7FFFFFFF, v42;
	v49 =	vld [tilespmem:s22+$0x70];
	v48 =	vand.u32 $0x7FFFFFFF, v48  }
0x41: {  	v51 =	vadd.s32 $0x70, v40;
	v50 =	vld [tilespmem:s22+$0x40];
	v46 =	vand.u32 $0x7FFFFFFF, v46;
	v47 =	vand.u32 $0x7FFFFFFF, v47  }
0x42: {  	v53 =	vadd.s32 $0x50, v41;
	v54 =	vadd.s32 $0x60, v41;
	v40 =	vadd.s32 $0x80, v40;
	v52 =	vld [tilespmem:s22+$0x30]  }
0x43: {  	v56 =	vadd.s32 $0x30, v41;
	v57 =	vadd.s32 $0x40, v41;
	v58 =	vsub.f32 $0.0e+00, v42;
	v55 =	vld [tilespmem:s22+$0x20]  }
0x44: {  	v60 =	vadd.s32 $0x20, v41;
	v46 =	vsub.f32 $0.0e+00, v46;
	v61 =	vsub.f32 $0.0e+00, v47;
	v59 =	vld [tilespmem:s22+$0x0]  }
0x45: {  	v62 =	vadd.s32 $0x10, v41;
	v63 =	vsub.f32 $0.0e+00, v43;
	v41 =	vmovc v40;
	v48 =	vsub.f32 $0.0e+00, v48;
	v47 =	vld [tilespmem:s22+$0x10];
	[tilespmem:s20+$0x4070] =	vst v58  }
0x46: {  	v45 =	vsel vm3, v62, v45;
	v42 =	vadd.f32 $-5.000000000e-01, v49;
	v43 =	vadd.f32 $-5.000000000e-01, v50;
	[tilespmem:s20+$0x4050] =	vst v46  }
0x47: {  	v45 =	vsel vm4, v60, v45;
	vm3 =	vgt.f32 v48, v44;
	v44 =	vmax.f32 v44, v48;
	[tilespmem:s20+$0x4030] =	vst v48  }
0x48: {  	v45 =	vsel vm3, v56, v45;
	vm3 =	vgt.f32 v63, v44;
	v44 =	vmax.f32 v44, v63;
	[tilespmem:s20+$0x4040] =	vst v63  }
0x49: {  	v45 =	vsel vm3, v57, v45;
	vm3 =	vgt.f32 v46, v44;
	v48 =	vadd.f32 $-5.000000000e-01, v59;
	[tilespmem:s20+$0x4060] =	vst v61;
	s20 =	smov.u32 s22  }
0x4a: {  	v44 =	vmax.f32 v44, v46;
	v45 =	vsel vm3, v53, v45;
	v47 =	vadd.f32 $-5.000000000e-01, v47  }
0x4b: {  	v49 =	vmax.f32 v44, v61;
	v46 =	vand.u32 $0x7FFFFFFF, v48;
	v48 =	vadd.f32 $-5.000000000e-01, v55  }
0x4c: {  	v53 =	vmax.f32 v49, v58;
	v50 =	vsub.f32 $0.0e+00, v46;
	v47 =	vand.u32 $0x7FFFFFFF, v47;
	v46 =	vld [tilespmem:s20+$0x50]  }
.Ltmp0:
0x4d: {  	vm3 =	vgt.f32 v61, v44;
	v55 =	vsub.f32 $0.0e+00, v47;
	v48 =	vand.u32 $0x7FFFFFFF, v48;
	v47 =	vld [tilespmem:s20+$0x60];
	(pc) =	sbr.rel @p0 .LBB2_2-.Ltmp0, $4  }
0x4e: {  	v45 =	vsel vm3, v54, v45;
	[tilespmem:s20+$0x4000] =	vst v50;
	v44 =	vmax.f32 v53, v50;
	v48 =	vsub.f32 $0.0e+00, v48  }
0x4f: {  	vm5 =	vgt.f32 v58, v49;
	[tilespmem:s20+$0x4010] =	vst v55;
	vm3 =	vgt.f32 v55, v44;
	v44 =	vmax.f32 v44, v55  }
0x50: {  	v45 =	vsel vm5, v51, v45;
	vm6 =	vgt.f32 v50, v53;
	[tilespmem:s20+$0x4020] =	vst v48;
	vm4 =	vgt.f32 v48, v44  }
0x51: {  	v45 =	vsel vm6, v40, v45;
	v44 =	vmax.f32 v44, v48;
	v48 =	vadd.f32 $-5.000000000e-01, v52  }
0x52: {  	v46 =	vadd.f32 $-5.000000000e-01, v46  }
0x53: {  	v47 =	vadd.f32 $-5.000000000e-01, v47;
	v43 =	vand.u32 $0x7FFFFFFF, v43;
	v42 =	vand.u32 $0x7FFFFFFF, v42  }
0x54: {  	v49 =	vadd.s32 $0x50, v41;
	v50 =	vadd.s32 $0x60, v41;
	v51 =	vadd.s32 $0x30, v41  }
0x55: {  	v52 =	vadd.s32 $0x40, v41;
	v53 =	vadd.s32 $0x20, v41;
	v60 =	vadd.s32 $0x10, v41  }
0x56: {  	v48 =	vand.u32 $0x7FFFFFFF, v48;
	v42 =	vsub.f32 $0.0e+00, v42;
	v43 =	vsub.f32 $0.0e+00, v43  }
0x57: {  	v41 =	vsel vm3, v60, v45;
	v46 =	vand.u32 $0x7FFFFFFF, v46;
	v48 =	vsub.f32 $0.0e+00, v48  }
0x58: {  	v47 =	vand.u32 $0x7FFFFFFF, v47;
	v41 =	vsel vm4, v53, v41;
	v46 =	vsub.f32 $0.0e+00, v46  }
0x59: {  	v47 =	vsub.f32 $0.0e+00, v47;
	vm3 =	vgt.f32 v48, v44;
	v61 =	vmax.f32 v44, v48  }
0x5a: {  	[tilespmem:s20+$0x4070] =	vst v42;
	v41 =	vsel vm3, v51, v41;
	vm3 =	vgt.f32 v43, v61;
	v44 =	vmax.f32 v61, v43  }
0x5b: {  	[tilespmem:s20+$0x4040] =	vst v43;
	v41 =	vsel vm3, v52, v41;
	vm3 =	vgt.f32 v46, v44;
	v44 =	vmax.f32 v44, v46  }
0x5c: {  	v37 =	vld [tilespmem:$0x1FFC0];
	[tilespmem:s20+$0x4030] =	vst v48;
	v41 =	vsel vm3, v49, v41;
	v62 =	vmax.f32 v44, v47;
	vm3 =	vgt.f32 v47, v44  }
0x5d: {  	v63 =	vadd.s32 $0x70, v40;
	v30 =	vld [tilespmem:$0x1FFE0];
	[tilespmem:s20+$0x4050] =	vst v46;
	v41 =	vsel vm3, v50, v41;
	vm3 =	vgt.f32 v42, v62  }
0x5e: {  	v11 =	vld [tilespmem:$0x1FFF0];
	[tilespmem:s20+$0x4060] =	vst v47;
	s20 =	simm.s32 $0x0;
	v40 =	vmax.f32 v62, v42;
	v41 =	vsel vm3, v63, v41  }
.LBB2_4:
0x5f: {  	[tilespmem:$0x6000] =	vst v40  }
0x60: {  	[tilespmem:$0x6080] =	vst v41  }
0x61: {  	v42 =	vld.idx.msk [tilespmem:v2+s12+$0x0], $0xffff  }
0x62: {  	v43 =	vld.idx.msk [tilespmem:v2+s13+$0x0], $0xffff;
	_ =	sdelay $0x4  }
0x63: {  	vm3 =	veq.f32 v42, v40;
	vm4 =	vlt.s32 v43, v41  }
0x64: {  	vm5 =	vgt.f32 v42, v40;
	vm3 =	vmand vm3, vm4  }
0x65: {  	vm3 =	vmor vm5, vm3  }
0x66: {  	v42 =	vsel vm3, v42, v40  }
0x67: {  	v43 =	vsel vm3, v43, v41;
	[tilespmem:$0x6000] =	vst v42  }
0x68: {  	[tilespmem:$0x6080] =	vst v43  }
0x69: {  	v44 =	vld.idx.msk [tilespmem:v3+s12+$0x0], $0xffff  }
0x6a: {  	v45 =	vld.idx.msk [tilespmem:v3+s13+$0x0], $0xffff;
	_ =	sdelay $0x4  }
0x6b: {  	vm3 =	veq.f32 v44, v42;
	vm8 =	vlt.s32 v45, v43  }
0x6c: {  	vm9 =	vgt.f32 v44, v42;
	vm3 =	vmand vm3, vm8  }
0x6d: {  	vm3 =	vmor vm9, vm3  }
0x6e: {  	v42 =	vsel vm3, v44, v42  }
0x6f: {  	v43 =	vsel vm3, v45, v43;
	[tilespmem:$0x6000] =	vst v42  }
0x70: {  	[tilespmem:$0x6080] =	vst v43  }
0x71: {  	v59 =	vld.idx.msk [tilespmem:v5+s12+$0x0], $0xffff  }
0x72: {  	v60 =	vld.idx.msk [tilespmem:v5+s13+$0x0], $0xffff;
	_ =	sdelay $0x4  }
0x73: {  	vm3 =	veq.f32 v59, v42;
	vm10 =	vlt.s32 v60, v43  }
0x74: {  	vm11 =	vgt.f32 v59, v42;
	vm3 =	vmand vm3, vm10  }
0x75: {  	vm3 =	vmor vm11, vm3  }
0x76: {  	v42 =	vsel vm3, v59, v42  }
0x77: {  	v43 =	vsel vm3, v60, v43;
	[tilespmem:$0x6000] =	vst v42  }
0x78: {  	[tilespmem:$0x6080] =	vst v43  }
0x79: {  	v61 =	vld.idx.msk [tilespmem:v6+s12+$0x0], $0xffff  }
0x7a: {  	v62 =	vld.idx.msk [tilespmem:v6+s13+$0x0], $0xffff;
	_ =	sdelay $0x4  }
0x7b: {  	vm3 =	veq.f32 v61, v42;
	vm12 =	vlt.s32 v62, v43  }
0x7c: {  	v0 =	vld [tilespmem:$0x1FE10];
	vm13 =	vgt.f32 v61, v42;
	vm3 =	vmand vm3, vm12  }
0x7d: {  	vm3 =	vmor vm13, vm3  }
0x7e: {  	v42 =	vsel vm3, v62, v43  }
0x7f: {  	v43 =	vand.u32 $0xF, v42  }
0x80: {  	v63 =	vor.u32 v20, v43  }
0x81: {  	v60 =	vor.u32 v0, v43  }
0x82: {  	v46 =	vor.u32 v12, v43  }
0x83: {  	v48 =	vor.u32 v13, v43  }
0x84: {  	[tilespmem:v42+s14+$0x0] =	vst.idx.msk $0x1, v7  }
0x85: {  	v47 =	vld.idx.msk [tilespmem:v63+s14+$0x0], $0xffff  }
0x86: {  	v49 =	vld.idx.msk [tilespmem:v60+s14+$0x0], $0xffff  }
0x87: {  	v50 =	vor.u32 v14, v43;
	v51 =	vld.idx.msk [tilespmem:v46+s14+$0x0], $0xffff  }
0x88: {  	v52 =	vor.u32 v15, v43;
	v53 =	vld.idx.msk [tilespmem:v48+s14+$0x0], $0xffff  }
0x89: {  	v57 =	vor.u32 v18, v43  }
0x8a: {  	v54 =	vor.u32 v16, v43  }
0x8b: {  	v55 =	vor.u32 v17, v43;
	v59 =	vor.u32 v19, v43;
	v61 =	vor.u32 v4, v43  }
0x8c: {  	v56 =	vld.idx.msk [tilespmem:v50+s14+$0x0], $0xffff;
	vm3 =	vlt.f32 v47, $-Inf;
	vm14 =	vgt.f32 v47, $-Inf;
	vm15 =	vlt.f32 v49, $-Inf  }
0x8d: {  	v58 =	vld.idx.msk [tilespmem:v52+s14+$0x0], $0xffff;
	vm6 =	vgt.f32 v49, $-Inf;
	vm9 =	vgt.f32 v51, $-Inf;
	vm10 =	vlt.f32 v53, $-Inf  }
0x8e: {  	v0 =	vld.idx.msk [tilespmem:v57+s14+$0x0], $0xffff;
	vm11 =	vgt.f32 v53, $-Inf;
	vm3 =	vmor vm14, vm3;
	vm8 =	vmor vm6, vm15  }
0x8f: {  	v44 =	vnsel vm3, $0x0, v63;
	v45 =	vnsel vm8, $0x0, v60;
	vm3 =	vlt.f32 v51, $-Inf;
	v60 =	vld.idx.msk [tilespmem:v54+s14+$0x0], $0xffff  }
0x90: {  	vm12 =	vmor vm11, vm10;
	v63 =	vor.u32 v21, v43;
	vm3 =	vmor vm9, vm3  }
0x91: {  	v62 =	vld.idx.msk [tilespmem:v55+s14+$0x0], $0xffff;
	v48 =	vnsel vm12, $0x0, v48;
	v46 =	vnsel vm3, $0x0, v46;
	vm3 =	vgt.f32 v56, v47  }
0x92: {  	v47 =	vmax.f32 v47, v56;
	v44 =	vsel vm3, v50, v44;
	v50 =	vor.u32 v22, v43  }
0x93: {  	v56 =	vld.idx.msk [tilespmem:v59+s14+$0x0], $0xffff;
	vm3 =	vgt.f32 v58, v49;
	v49 =	vmax.f32 v49, v58;
	v58 =	vor.u32 v23, v43  }
0x94: {  	vm13 =	vgt.f32 v0, v47;
	v45 =	vsel vm3, v52, v45;
	v52 =	vld.idx.msk [tilespmem:v61+s14+$0x0], $0xffff;
	vm3 =	vgt.f32 v60, v51  }
0x95: {  	v51 =	vmax.f32 v51, v60;
	v60 =	vor.u32 v24, v43;
	v46 =	vsel vm3, v54, v46;
	v54 =	vld.idx.msk [tilespmem:v63+s14+$0x0], $0xffff  }
0x96: {  	vm3 =	vgt.f32 v62, v53;
	v53 =	vmax.f32 v53, v62;
	v62 =	vor.u32 v25, v43  }
0x97: {  	v0 =	vmax.f32 v47, v0;
	v44 =	vsel vm13, v57, v44;
	v48 =	vsel vm3, v55, v48;
	v47 =	vld.idx.msk [tilespmem:v50+s14+$0x0], $0xffff  }
0x98: {  	vm3 =	vgt.f32 v56, v49;
	v49 =	vmax.f32 v49, v56;
	v56 =	vor.u32 v26, v43;
	v55 =	vld.idx.msk [tilespmem:v58+s14+$0x0], $0xffff  }
0x99: {  	v57 =	vor.u32 v27, v43;
	v45 =	vsel vm3, v59, v45;
	vm3 =	vgt.f32 v52, v51  }
0x9a: {  	v51 =	vmax.f32 v51, v52;
	v46 =	vsel vm3, v61, v46;
	v52 =	vld.idx.msk [tilespmem:v60+s14+$0x0], $0xffff;
	vm3 =	vgt.f32 v54, v53  }
0x9b: {  	v59 =	vor.u32 v28, v43;
	v53 =	vmax.f32 v53, v54;
	v54 =	vld.idx.msk [tilespmem:v62+s14+$0x0], $0xffff;
	v48 =	vsel vm3, v63, v48  }
0x9c: {  	vm3 =	vgt.f32 v47, v0;
	v0 =	vmax.f32 v0, v47;
	v47 =	vor.u32 v29, v43  }
0x9d: {  	v61 =	vor.u32 v1, v43;
	v44 =	vsel vm3, v50, v44;
	vm3 =	vgt.f32 v55, v49;
	v50 =	vld.idx.msk [tilespmem:v56+s14+$0x0], $0xffff  }
0x9e: {  	v49 =	vmax.f32 v49, v55;
	v55 =	vld.idx.msk [tilespmem:v57+s14+$0x0], $0xffff;
	v45 =	vsel vm3, v58, v45;
	v58 =	vor.u32 v31, v43  }
0x9f: {  	vm3 =	vgt.f32 v52, v51;
	v51 =	vmax.f32 v51, v52;
	v52 =	vor.u32 v32, v43  }
0xa0: {  	v63 =	vor.u32 v33, v43;
	v46 =	vsel vm3, v60, v46;
	vm3 =	vgt.f32 v54, v53;
	v60 =	vld.idx.msk [tilespmem:v59+s14+$0x0], $0xffff  }
0xa1: {  	v53 =	vmax.f32 v53, v54;
	v48 =	vsel vm3, v62, v48;
	v62 =	vor.u32 v34, v43;
	v54 =	vld.idx.msk [tilespmem:v47+s14+$0x0], $0xffff  }
0xa2: {  	v7 =	vor.u32 v35, v43;
	vm3 =	vgt.f32 v50, v0;
	v0 =	vmax.f32 v0, v50;
	v50 =	vld.idx.msk [tilespmem:v61+s14+$0x0], $0xffff  }
0xa3: {  	v8 =	vor.u32 v36, v43;
	v44 =	vsel vm3, v56, v44;
	vm3 =	vgt.f32 v55, v49;
	v56 =	vld.idx.msk [tilespmem:v58+s14+$0x0], $0xffff  }
0xa4: {  	v49 =	vmax.f32 v49, v55;
	v55 =	vld.idx.msk [tilespmem:v52+s14+$0x0], $0xffff;
	v45 =	vsel vm3, v57, v45;
	v57 =	vor.u32 v38, v43  }
0xa5: {  	v9 =	vor.u32 v10, v43;
	vm3 =	vgt.f32 v60, v51;
	v51 =	vmax.f32 v51, v60;
	v60 =	vld.idx.msk [tilespmem:v63+s14+$0x0], $0xffff  }
0xa6: {  	v46 =	vsel vm3, v59, v46;
	vm3 =	vgt.f32 v54, v53;
	v53 =	vmax.f32 v53, v54;
	v54 =	vld.idx.msk [tilespmem:v62+s14+$0x0], $0xffff  }
0xa7: {  	v59 =	vor.u32 v30, v43;
	v47 =	vsel vm3, v47, v48;
	vm3 =	vgt.f32 v50, v0;
	v48 =	vld.idx.msk [tilespmem:v7+s14+$0x0], $0xffff  }
0xa8: {  	v0 =	vmax.f32 v0, v50;
	v50 =	vld.idx.msk [tilespmem:v8+s14+$0x0], $0xffff;
	v44 =	vsel vm3, v61, v44;
	vm3 =	vgt.f32 v56, v49  }
0xa9: {  	v49 =	vmax.f32 v49, v56;
	v45 =	vsel vm3, v58, v45;
	vm3 =	vgt.f32 v55, v51;
	v56 =	vld.idx.msk [tilespmem:v57+s14+$0x0], $0xffff  }
0xaa: {  	v51 =	vmax.f32 v51, v55;
	v55 =	vld.idx.msk [tilespmem:v9+s14+$0x0], $0xffff;
	v46 =	vsel vm3, v52, v46;
	v52 =	vor.u32 v37, v43  }
0xab: {  	vm3 =	vgt.f32 v60, v53;
	v53 =	vmax.f32 v53, v60;
	vm14 =	vgt.f32 v54, v0  }
0xac: {  	v47 =	vsel vm3, v63, v47;
	v0 =	vmax.f32 v0, v54;
	v44 =	vsel vm14, v62, v44  }
0xad: {  	v61 =	vld.idx.msk [tilespmem:v59+s14+$0x0], $0xffff;
	vm3 =	vgt.f32 v48, v49;
	v48 =	vmax.f32 v49, v48;
	v62 =	vor.u32 v11, v43  }
0xae: {  	v63 =	vmax.f32 v51, v50;
	v7 =	vsel vm3, v7, v45;
	vm3 =	vgt.f32 v50, v51  }
0xaf: {  	vm15 =	vgt.f32 v56, v0;
	v0 =	vmax.f32 v0, v56;
	vm8 =	vgt.f32 v55, v48;
	v58 =	vld.idx.msk [tilespmem:v52+s14+$0x0], $0xffff  }
0xb0: {  	v48 =	vmax.f32 v48, v55;
	v44 =	vsel vm15, v57, v44;
	v7 =	vsel vm8, v9, v7  }
0xb1: {  	v8 =	vsel vm3, v8, v46;
	vm3 =	veq.f32 v48, v0;
	vm4 =	vlt.u32 v7, v44  }
0xb2: {  	vm9 =	vgt.f32 v61, v63;
	vm10 =	vgt.f32 v48, v0;
	v9 =	vld.idx.msk [tilespmem:v62+s14+$0x0], $0xffff;
	vm3 =	vmand vm3, vm4  }
0xb3: {  	v45 =	vmax.f32 v63, v61;
	v8 =	vsel vm9, v59, v8;
	vm3 =	vmor vm10, vm3  }
0xb4: {  	v0 =	vsel vm3, v48, v0;
	v7 =	vsel vm3, v7, v44;
	vm3 =	vgt.f32 v58, v53  }
0xb5: {  	vm11 =	vlt.u32 v8, v7;
	v60 =	vsel vm3, v52, v47;
	vm3 =	veq.f32 v45, v0  }
0xb6: {  	v61 =	vmax.f32 v53, v58;
	vm12 =	vgt.f32 v45, v0;
	vm3 =	vmand vm3, vm11  }
0xb7: {  	vm13 =	vgt.f32 v9, v61;
	v9 =	vmax.f32 v61, v9;
	vm3 =	vmor vm12, vm3  }
0xb8: {  	v44 =	vsel vm13, v62, v60;
	v0 =	vsel vm3, v45, v0;
	v7 =	vsel vm3, v8, v7  }
0xb9: {  	vm3 =	veq.f32 v9, v0;
	vm4 =	vlt.u32 v44, v7  }
0xba: {  	vm14 =	vgt.f32 v9, v0;
	vm3 =	vmand vm3, vm4  }
0xbb: {  	vm3 =	vmor vm14, vm3  }
0xbc: {  	v0 =	vsel vm3, v9, v0  }
0xbd: {  	v7 =	vsel vm3, v44, v7;
	[tilespmem:$0x6000] =	vst v0  }
0xbe: {  	[tilespmem:$0x6080] =	vst v7  }
0xbf: {  	v8 =	vld.idx.msk [tilespmem:v2+s12+$0x0], $0xffff  }
0xc0: {  	v9 =	vld.idx.msk [tilespmem:v2+s13+$0x0], $0xffff;
	_ =	sdelay $0x4  }
0xc1: {  	vm3 =	veq.f32 v8, v0;
	vm15 =	vlt.s32 v9, v7  }
0xc2: {  	vm8 =	vgt.f32 v8, v0;
	vm3 =	vmand vm3, vm15  }
0xc3: {  	vm3 =	vmor vm8, vm3  }
0xc4: {  	v0 =	vsel vm3, v8, v0  }
0xc5: {  	v7 =	vsel vm3, v9, v7;
	[tilespmem:$0x6000] =	vst v0  }
0xc6: {  	[tilespmem:$0x6080] =	vst v7  }
0xc7: {  	v8 =	vld.idx.msk [tilespmem:v3+s12+$0x0], $0xffff  }
0xc8: {  	v9 =	vld.idx.msk [tilespmem:v3+s13+$0x0], $0xffff;
	_ =	sdelay $0x4  }
0xc9: {  	vm3 =	veq.f32 v8, v0;
	vm9 =	vlt.s32 v9, v7  }
0xca: {  	vm10 =	vgt.f32 v8, v0;
	vm3 =	vmand vm3, vm9  }
0xcb: {  	vm3 =	vmor vm10, vm3  }
0xcc: {  	v0 =	vsel vm3, v8, v0  }
0xcd: {  	v7 =	vsel vm3, v9, v7;
	[tilespmem:$0x6000] =	vst v0  }
0xce: {  	[tilespmem:$0x6080] =	vst v7  }
0xcf: {  	v8 =	vld.idx.msk [tilespmem:v5+s12+$0x0], $0xffff  }
0xd0: {  	v9 =	vld.idx.msk [tilespmem:v5+s13+$0x0], $0xffff;
	_ =	sdelay $0x4  }
0xd1: {  	vm3 =	veq.f32 v8, v0;
	vm11 =	vlt.s32 v9, v7  }
0xd2: {  	vm12 =	vgt.f32 v8, v0;
	vm3 =	vmand vm3, vm11  }
0xd3: {  	vm3 =	vmor vm12, vm3  }
0xd4: {  	v0 =	vsel vm3, v8, v0  }
0xd5: {  	v7 =	vsel vm3, v9, v7;
	[tilespmem:$0x6000] =	vst v0  }
0xd6: {  	[tilespmem:$0x6080] =	vst v7  }
0xd7: {  	v8 =	vld.idx.msk [tilespmem:v6+s12+$0x0], $0xffff  }
0xd8: {  	v9 =	vld.idx.msk [tilespmem:v6+s13+$0x0], $0xffff;
	_ =	sdelay $0x3  }
0xd9: {  	p0 =	sne.s32 s20, $0x9;
	v63 =	vlaneseq.u32  }
.Ltmp1:
0xda: {  	v62 =	vmov s20;
	vm3 =	veq.f32 v8, v0;
	vm13 =	vlt.s32 v9, v7;
	(pc) =	sbr.rel @p0 .LBB2_4-.Ltmp1, $4  }
0xdb: {  	vm15 =	veq.s32 v62, v63;
	vm14 =	vgt.f32 v8, v0;
	vm3 =	vmand vm3, vm13  }
0xdc: {  	v39 =	vsel vm15, v42, v39;
	vm3 =	vmor vm14, vm3  }
0xdd: {  	v0 =	vsel vm3, v8, v0;
	v7 =	vsel vm3, v9, v7;
	vm3 =	veq.s32 v43, v63  }
0xde: {  	s20 =	sadd.s32 $0x1, s20;
	v40 =	vsel vm3, v0, v40;
	v41 =	vsel vm3, v7, v41;
	v7 =	vimm.f32 $-Inf  }
0xdf: {  	_ =	sdelay $0x2  }
0xe0: {  	[tilespmem:$0x6100] =	vst v39  }
0xe1: {  	v42 =	vld.idx.msk [tilespmem:v39+s11+$0x0], $0xffff;
	_ =	sdelay $0x3  }
0xe2: {  	vm3 =	vmmov $0x3ff;
	v39 =	vlaneseq.u32  }
0xe3: {  	[tilespmem:$0x6080] =	vst v39;
	v0 =	vnsel vm3, $0xFF800000, v42  }
0xe4: {  	[tilespmem:$0x6000] =	vst v0  }
0xe5: {  	v7 =	vld.idx.msk [tilespmem:v2+s12+$0x0], $0xffff  }
0xe6: {  	v8 =	vld.idx.msk [tilespmem:v2+s13+$0x0], $0xffff;
	_ =	sdelay $0x4  }
0xe7: {  	vm4 =	veq.f32 v7, v0;
	vm5 =	vlt.s32 v8, v39  }
0xe8: {  	vm6 =	vgt.f32 v7, v0;
	vm4 =	vmand vm4, vm5  }
0xe9: {  	vm4 =	vmor vm6, vm4  }
0xea: {  	v7 =	vsel vm4, v7, v0  }
0xeb: {  	v8 =	vsel vm4, v8, v39;
	[tilespmem:$0x6000] =	vst v7  }
0xec: {  	[tilespmem:$0x6080] =	vst v8  }
0xed: {  	v9 =	vld.idx.msk [tilespmem:v3+s12+$0x0], $0xffff  }
0xee: {  	v40 =	vld.idx.msk [tilespmem:v3+s13+$0x0], $0xffff;
	_ =	sdelay $0x4  }
0xef: {  	vm4 =	veq.f32 v9, v7;
	vm5 =	vlt.s32 v40, v8  }
0xf0: {  	vm6 =	vgt.f32 v9, v7;
	vm4 =	vmand vm4, vm5  }
0xf1: {  	vm4 =	vmor vm6, vm4  }
0xf2: {  	v7 =	vsel vm4, v9, v7  }
0xf3: {  	v8 =	vsel vm4, v40, v8;
	[tilespmem:$0x6000] =	vst v7  }
0xf4: {  	[tilespmem:$0x6080] =	vst v8  }
0xf5: {  	v48 =	vld.idx.msk [tilespmem:v5+s12+$0x0], $0xffff  }
0xf6: {  	v49 =	vld.idx.msk [tilespmem:v5+s13+$0x0], $0xffff;
	_ =	sdelay $0x4  }
0xf7: {  	vm4 =	veq.f32 v48, v7;
	vm5 =	vlt.s32 v49, v8  }
0xf8: {  	vm6 =	vgt.f32 v48, v7;
	vm4 =	vmand vm4, vm5  }
0xf9: {  	vm4 =	vmor vm6, vm4  }
0xfa: {  	v7 =	vsel vm4, v48, v7  }
0xfb: {  	v8 =	vsel vm4, v49, v8;
	[tilespmem:$0x6000] =	vst v7  }
0xfc: {  	[tilespmem:$0x6080] =	vst v8  }
0xfd: {  	v50 =	vld.idx.msk [tilespmem:v6+s12+$0x0], $0xffff  }
0xfe: {  	v51 =	vld.idx.msk [tilespmem:v6+s13+$0x0], $0xffff;
	_ =	sdelay $0x4  }
0xff: {  	vm4 =	veq.f32 v50, v7;
	vm5 =	vlt.s32 v51, v8  }
0x100: {  	vm6 =	vgt.f32 v50, v7;
	vm4 =	vmand vm4, vm5  }
0x101: {  	vm4 =	vmor vm6, vm4  }
0x102: {  	v7 =	vsel vm4, v51, v8;
	_ =	sdelay $0x2  }
0x103: {  	vm4 =	veq.s32 v7, v39  }
0x104: {  	v0 =	vsel vm4, $0xFF800000, v0  }
0x105: {  	v40 =	vld.idx.msk [tilespmem:v7+s15+$0x0], $0xffff;
	[tilespmem:$0x6000] =	vst v0  }
0x106: {  	[tilespmem:$0x6080] =	vst v39  }
0x107: {  	v7 =	vld.idx.msk [tilespmem:v2+s12+$0x0], $0xffff  }
0x108: {  	v8 =	vld.idx.msk [tilespmem:v2+s13+$0x0], $0xffff;
	_ =	sdelay $0x4  }
0x109: {  	vm4 =	veq.f32 v7, v0;
	vm5 =	vlt.s32 v8, v39  }
0x10a: {  	vm6 =	vgt.f32 v7, v0;
	vm4 =	vmand vm5, vm4  }
0x10b: {  	vm4 =	vmor vm6, vm4  }
0x10c: {  	v7 =	vsel vm4, v7, v0  }
0x10d: {  	v8 =	vsel vm4, v8, v39;
	[tilespmem:$0x6000] =	vst v7  }
0x10e: {  	[tilespmem:$0x6080] =	vst v8  }
0x10f: {  	v52 =	vld.idx.msk [tilespmem:v3+s12+$0x0], $0xffff  }
0x110: {  	v41 =	vld.idx.msk [tilespmem:v3+s13+$0x0], $0xffff;
	_ =	sdelay $0x4  }
0x111: {  	vm4 =	veq.f32 v52, v7;
	vm5 =	vlt.s32 v41, v8  }
0x112: {  	vm6 =	vgt.f32 v52, v7;
	vm4 =	vmand vm4, vm5  }
0x113: {  	vm4 =	vmor vm6, vm4  }
0x114: {  	v7 =	vsel vm4, v52, v7  }
0x115: {  	v8 =	vsel vm4, v41, v8;
	[tilespmem:$0x6000] =	vst v7  }
0x116: {  	[tilespmem:$0x6080] =	vst v8  }
0x117: {  	v53 =	vld.idx.msk [tilespmem:v5+s12+$0x0], $0xffff  }
0x118: {  	v54 =	vld.idx.msk [tilespmem:v5+s13+$0x0], $0xffff;
	_ =	sdelay $0x4  }
0x119: {  	vm4 =	veq.f32 v53, v7;
	vm5 =	vlt.s32 v54, v8  }
0x11a: {  	vm6 =	vgt.f32 v53, v7;
	vm4 =	vmand vm4, vm5  }
0x11b: {  	vm4 =	vmor vm6, vm4  }
0x11c: {  	v7 =	vsel vm4, v53, v7  }
0x11d: {  	v8 =	vsel vm4, v54, v8;
	[tilespmem:$0x6000] =	vst v7  }
0x11e: {  	[tilespmem:$0x6080] =	vst v8  }
0x11f: {  	v55 =	vld.idx.msk [tilespmem:v6+s12+$0x0], $0xffff  }
0x120: {  	v56 =	vld.idx.msk [tilespmem:v6+s13+$0x0], $0xffff;
	_ =	sdelay $0x4  }
0x121: {  	vm4 =	veq.f32 v55, v7;
	vm5 =	vlt.s32 v56, v8  }
0x122: {  	vm6 =	vgt.f32 v55, v7;
	vm4 =	vmand vm4, vm5  }
0x123: {  	vm4 =	vmor vm6, vm4  }
0x124: {  	v7 =	vsel vm4, v56, v8;
	_ =	sdelay $0x2  }
0x125: {  	vm4 =	veq.s32 v7, v39  }
0x126: {  	v0 =	vsel vm4, $0xFF800000, v0  }
0x127: {  	v41 =	vld.idx.msk [tilespmem:v7+s15+$0x0], $0xffff;
	[tilespmem:$0x6000] =	vst v0  }
0x128: {  	[tilespmem:$0x6080] =	vst v39  }
0x129: {  	v7 =	vld.idx.msk [tilespmem:v2+s12+$0x0], $0xffff  }
0x12a: {  	v8 =	vld.idx.msk [tilespmem:v2+s13+$0x0], $0xffff;
	_ =	sdelay $0x4  }
0x12b: {  	vm4 =	veq.f32 v7, v0;
	vm5 =	vlt.s32 v8, v39  }
0x12c: {  	vm6 =	vgt.f32 v7, v0;
	vm4 =	vmand vm5, vm4  }
0x12d: {  	vm4 =	vmor vm6, vm4  }
0x12e: {  	v0 =	vsel vm4, v7, v0  }
0x12f: {  	v7 =	vsel vm4, v8, v39;
	[tilespmem:$0x6000] =	vst v0  }
0x130: {  	[tilespmem:$0x6080] =	vst v7  }
0x131: {  	v8 =	vld.idx.msk [tilespmem:v3+s12+$0x0], $0xffff  }
0x132: {  	v57 =	vld.idx.msk [tilespmem:v3+s13+$0x0], $0xffff;
	_ =	sdelay $0x4  }
0x133: {  	vm4 =	veq.f32 v8, v0;
	vm5 =	vlt.s32 v57, v7  }
0x134: {  	vm6 =	vgt.f32 v8, v0;
	vm4 =	vmand vm4, vm5  }
0x135: {  	vm4 =	vmor vm6, vm4  }
0x136: {  	v0 =	vsel vm4, v8, v0  }
0x137: {  	v7 =	vsel vm4, v57, v7;
	[tilespmem:$0x6000] =	vst v0  }
0x138: {  	[tilespmem:$0x6080] =	vst v7  }
0x139: {  	v8 =	vld.idx.msk [tilespmem:v5+s12+$0x0], $0xffff  }
0x13a: {  	v58 =	vld.idx.msk [tilespmem:v5+s13+$0x0], $0xffff;
	_ =	sdelay $0x4  }
0x13b: {  	vm4 =	veq.f32 v8, v0;
	vm5 =	vlt.s32 v58, v7  }
0x13c: {  	vm6 =	vgt.f32 v8, v0;
	vm4 =	vmand vm4, vm5  }
0x13d: {  	vm4 =	vmor vm6, vm4  }
0x13e: {  	v0 =	vsel vm4, v8, v0  }
0x13f: {  	v7 =	vsel vm4, v58, v7;
	[tilespmem:$0x6000] =	vst v0  }
0x140: {  	[tilespmem:$0x6080] =	vst v7  }
0x141: {  	v8 =	vld.idx.msk [tilespmem:v6+s12+$0x0], $0xffff  }
0x142: {  	v59 =	vld.idx.msk [tilespmem:v6+s13+$0x0], $0xffff;
	_ =	sdelay $0x4  }
0x143: {  	vm4 =	veq.f32 v8, v0;
	vm5 =	vlt.s32 v59, v7  }
0x144: {  	vm6 =	vgt.f32 v8, v0;
	vm4 =	vmand vm4, vm5  }
0x145: {  	vm4 =	vmor vm6, vm4  }
0x146: {  	v0 =	vsel vm4, v59, v7;
	_ =	sdelay $0x2  }
0x147: {  	v7 =	vsub.f32 $0.0e+00, v42;
	_ =	sdelay $0x1  }
0x148: {  	v42 =	vld.idx.msk [tilespmem:v0+s15+$0x0], $0xffff;
	v0 =	vnsel vm3, $0xFF800000, v7;
	[tilespmem:$0x6080] =	vst v39  }
0x149: {  	[tilespmem:$0x6000] =	vst v0  }
0x14a: {  	v7 =	vld.idx.msk [tilespmem:v2+s12+$0x0], $0xffff  }
0x14b: {  	v8 =	vld.idx.msk [tilespmem:v2+s13+$0x0], $0xffff;
	_ =	sdelay $0x4  }
0x14c: {  	vm3 =	veq.f32 v7, v0;
	vm4 =	vlt.s32 v8, v39  }
0x14d: {  	vm5 =	vgt.f32 v7, v0;
	vm3 =	vmand vm3, vm4  }
0x14e: {  	vm3 =	vmor vm5, vm3  }
0x14f: {  	v0 =	vsel vm3, v7, v0  }
0x150: {  	v7 =	vsel vm3, v8, v39;
	[tilespmem:$0x6000] =	vst v0  }
0x151: {  	[tilespmem:$0x6080] =	vst v7  }
0x152: {  	v8 =	vld.idx.msk [tilespmem:v3+s12+$0x0], $0xffff  }
0x153: {  	v60 =	vld.idx.msk [tilespmem:v3+s13+$0x0], $0xffff;
	_ =	sdelay $0x4  }
0x154: {  	vm3 =	veq.f32 v8, v0;
	vm4 =	vlt.s32 v60, v7  }
0x155: {  	vm5 =	vgt.f32 v8, v0;
	vm3 =	vmand vm3, vm4  }
0x156: {  	vm3 =	vmor vm5, vm3  }
0x157: {  	v0 =	vsel vm3, v8, v0  }
0x158: {  	v7 =	vsel vm3, v60, v7;
	[tilespmem:$0x6000] =	vst v0  }
0x159: {  	[tilespmem:$0x6080] =	vst v7  }
0x15a: {  	v8 =	vld.idx.msk [tilespmem:v5+s12+$0x0], $0xffff  }
0x15b: {  	v61 =	vld.idx.msk [tilespmem:v5+s13+$0x0], $0xffff;
	_ =	sdelay $0x4  }
0x15c: {  	vm3 =	veq.f32 v8, v0;
	vm4 =	vlt.s32 v61, v7  }
0x15d: {  	vm5 =	vgt.f32 v8, v0;
	vm3 =	vmand vm3, vm4  }
0x15e: {  	vm3 =	vmor vm5, vm3  }
0x15f: {  	v0 =	vsel vm3, v8, v0  }
0x160: {  	v7 =	vsel vm3, v61, v7;
	[tilespmem:$0x6000] =	vst v0  }
0x161: {  	[tilespmem:$0x6080] =	vst v7  }
0x162: {  	v8 =	vld.idx.msk [tilespmem:v6+s12+$0x0], $0xffff  }
0x163: {  	v62 =	vld.idx.msk [tilespmem:v6+s13+$0x0], $0xffff;
	_ =	sdelay $0x4  }
0x164: {  	vm3 =	veq.f32 v8, v0;
	vm4 =	vlt.s32 v62, v7  }
0x165: {  	vm5 =	vgt.f32 v8, v0;
	vm3 =	vmand vm3, vm4  }
0x166: {  	vm3 =	vmor vm5, vm3  }
0x167: {  	s20 =	simm.s32 $0x0;
	v0 =	vsel vm3, v62, v7  }
0x168: {  	v7 =	vld [tilespmem:s20+$0x0]  }
0x169: {  	v63 =	vld [tilespmem:s20+$0x20]  }
0x16a: {  	v8 =	vld [tilespmem:s20+$0x10]  }
0x16b: {  	v44 =	vld [tilespmem:s20+$0x30]  }
0x16c: {  	v43 =	vld.idx.msk [tilespmem:v0+s15+$0x0], $0xffff  }
0x16d: {  	v0 =	vsub.f32 $0.0e+00, v7;
	v7 =	vld [tilespmem:s20+$0x40]  }
0x16e: {  	v45 =	vimm.f32 $-Inf;
	v46 =	vimm.s32 $0x0  }
0x16f: {  	v48 =	vadd.s32 $0x10, v39;
	v9 =	vsub.f32 $0.0e+00, v63;
	v8 =	vsub.f32 $0.0e+00, v8  }
0x170: {  	v44 =	vsub.f32 $0.0e+00, v44;
	[tilespmem:s20+$0x4000] =	vst v0;
	vm4 =	vgt.f32 v0, v45;
	v0 =	vmax.f32 v45, v0  }
0x171: {  	[tilespmem:s20+$0x4010] =	vst v8;
	vm5 =	vgt.f32 v8, v0;
	v0 =	vmax.f32 v0, v8;
	v8 =	vsel vm4, v39, v46  }
0x172: {  	v47 =	vld [tilespmem:s20+$0x50];
	[tilespmem:s20+$0x4020] =	vst v9;
	vm3 =	vgt.f32 v9, v0;
	v0 =	vmax.f32 v0, v9;
	v7 =	vsub.f32 $0.0e+00, v7  }
0x173: {  	[tilespmem:s20+$0x4030] =	vst v44;
	v45 =	vld [tilespmem:s20+$0x70];
	v49 =	vsel vm5, v48, v8;
	vm4 =	vgt.f32 v44, v0;
	v0 =	vmax.f32 v0, v44  }
0x174: {  	s21 =	simm.s32 $0x200;
	v48 =	vld [tilespmem:s20+$0x60];
	v44 =	vlaneseq.u32;
	[tilespmem:s20+$0x4040] =	vst v7;
	vm5 =	vgt.f32 v7, v0;
	v46 =	vmax.f32 v0, v7  }
.LBB2_6:
0x175: {  	s22 =	sshra.s32 s21, $0x2;
	p0 =	sne.s32 s21, $0x7E00;
	s21 =	sadd.s32 $0x200, s21;
	v0 =	vadd.s32 $0x70, v39  }
0x176: {  	v8 =	vadd.s32 $0x50, v44;
	v9 =	vadd.s32 $0x60, v44;
	v39 =	vadd.s32 $0x80, v39;
	v7 =	vld [tilespmem:s22+$0x0]  }
0x177: {  	v51 =	vadd.s32 $0x20, v44;
	v52 =	vadd.s32 $0x30, v44;
	v53 =	vadd.s32 $0x40, v44;
	v44 =	vmovc v39;
	v50 =	vld [tilespmem:s22+$0x10]  }
0x178: {  	v49 =	vsel vm3, v51, v49;
	v45 =	vsub.f32 $0.0e+00, v45;
	v54 =	vld [tilespmem:s22+$0x20];
	v47 =	vsub.f32 $0.0e+00, v47  }
0x179: {  	v51 =	vadd.s32 $0x10, v39;
	v49 =	vsel vm4, v52, v49;
	v55 =	vld [tilespmem:s22+$0x30];
	v48 =	vsub.f32 $0.0e+00, v48  }
0x17a: {  	v49 =	vsel vm5, v53, v49;
	[tilespmem:s20+$0x4050] =	vst v47;
	vm3 =	vgt.f32 v47, v46;
	v46 =	vmax.f32 v46, v47  }
0x17b: {  	v7 =	vsub.f32 $0.0e+00, v7;
	v47 =	vld [tilespmem:s22+$0x40];
	v8 =	vsel vm3, v8, v49;
	[tilespmem:s20+$0x4060] =	vst v48;
	vm3 =	vgt.f32 v48, v46  }
0x17c: {  	v46 =	vmax.f32 v46, v48;
	v49 =	vsub.f32 $0.0e+00, v50;
	v8 =	vsel vm3, v9, v8;
	[tilespmem:s20+$0x4070] =	vst v45;
	s20 =	smov.u32 s22  }
0x17d: {  	vm3 =	vgt.f32 v45, v46;
	v45 =	vmax.f32 v46, v45;
	[tilespmem:s20+$0x4000] =	vst v7;
	v9 =	vsub.f32 $0.0e+00, v54  }
.Ltmp2:
0x17e: {  	vm4 =	vgt.f32 v7, v45;
	v7 =	vmax.f32 v45, v7;
	[tilespmem:s20+$0x4010] =	vst v49;
	v46 =	vsub.f32 $0.0e+00, v55;
	(pc) =	sbr.rel @p0 .LBB2_6-.Ltmp2, $4  }
0x17f: {  	v0 =	vsel vm3, v0, v8;
	vm5 =	vgt.f32 v49, v7;
	v7 =	vmax.f32 v7, v49;
	[tilespmem:s20+$0x4020] =	vst v9  }
0x180: {  	vm3 =	vgt.f32 v9, v7;
	v7 =	vmax.f32 v7, v9;
	[tilespmem:s20+$0x4030] =	vst v46;
	v8 =	vsub.f32 $0.0e+00, v47;
	v45 =	vld [tilespmem:s20+$0x70]  }
0x181: {  	v0 =	vsel vm4, v39, v0;
	vm4 =	vgt.f32 v46, v7;
	v7 =	vmax.f32 v7, v46;
	v47 =	vld [tilespmem:s20+$0x50]  }
0x182: {  	v49 =	vsel vm5, v51, v0;
	[tilespmem:s20+$0x4040] =	vst v8;
	vm5 =	vgt.f32 v8, v7;
	v46 =	vmax.f32 v7, v8;
	v48 =	vld [tilespmem:s20+$0x60]  }
0x183: {  	_ = 	snop  }
0x184: {  	v0 =	vadd.s32 $0x70, v39;
	v7 =	vadd.s32 $0x50, v44  }
0x185: {  	v8 =	vadd.s32 $0x60, v44;
	v9 =	vadd.s32 $0x20, v44;
	v58 =	vadd.s32 $0x30, v44  }
0x186: {  	v59 =	vadd.s32 $0x40, v44;
	v9 =	vsel vm3, v9, v49;
	v47 =	vsub.f32 $0.0e+00, v47  }
0x187: {  	v45 =	vsub.f32 $0.0e+00, v45;
	v9 =	vsel vm4, v58, v9;
	v60 =	vsub.f32 $0.0e+00, v48  }
0x188: {  	v9 =	vsel vm5, v59, v9;
	vm3 =	vgt.f32 v47, v46;
	v61 =	vmax.f32 v46, v47  }
0x189: {  	v62 =	vsel vm0, $0x0, v40;
	v7 =	vsel vm3, v7, v9;
	vm3 =	vgt.f32 v60, v61  }
0x18a: {  	[tilespmem:s20+$0x4070] =	vst v45;
	v63 =	vmax.f32 v61, v60;
	v7 =	vsel vm3, v8, v7;
	v8 =	vsel vm1, v62, v41  }
0x18b: {  	vm15 =	vmmov $0x1;
	[tilespmem:s20+$0x4050] =	vst v47;
	vm3 =	vgt.f32 v45, v63;
	v8 =	vsel vm2, v8, v42  }
0x18c: {  	p0 =	por $0x1, $0x1;
	[tilespmem:s20+$0x4060] =	vst v60;
	s20 =	simm.s32 $0x4;
	v41 =	vmax.f32 v63, v45;
	v42 =	vsel vm3, v0, v7;
	v39 =	vsel vm15, v43, v8  }
.LBB2_8:
0x18d: {  	[tilespmem:$0x6000] =	vst v41  }
0x18e: {  	[tilespmem:$0x6080] =	vst v42  }
0x18f: {  	v0 =	vld.idx.msk [tilespmem:v2+s12+$0x0], $0xffff  }
0x190: {  	v7 =	vld.idx.msk [tilespmem:v2+s13+$0x0], $0xffff;
	_ =	sdelay $0x4  }
0x191: {  	vm3 =	veq.f32 v0, v41;
	vm4 =	vlt.s32 v7, v42  }
0x192: {  	vm5 =	vgt.f32 v0, v41;
	vm3 =	vmand vm3, vm4  }
0x193: {  	vm3 =	vmor vm5, vm3  }
0x194: {  	v0 =	vsel vm3, v0, v41  }
0x195: {  	v7 =	vsel vm3, v7, v42;
	[tilespmem:$0x6000] =	vst v0  }
0x196: {  	[tilespmem:$0x6080] =	vst v7  }
0x197: {  	v8 =	vld.idx.msk [tilespmem:v3+s12+$0x0], $0xffff  }
0x198: {  	v9 =	vld.idx.msk [tilespmem:v3+s13+$0x0], $0xffff;
	_ =	sdelay $0x4  }
0x199: {  	vm3 =	veq.f32 v8, v0;
	vm8 =	vlt.s32 v9, v7  }
0x19a: {  	vm9 =	vgt.f32 v8, v0;
	vm3 =	vmand vm3, vm8  }
0x19b: {  	vm3 =	vmor vm9, vm3  }
0x19c: {  	v0 =	vsel vm3, v8, v0  }
0x19d: {  	v7 =	vsel vm3, v9, v7;
	[tilespmem:$0x6000] =	vst v0  }
0x19e: {  	[tilespmem:$0x6080] =	vst v7  }
0x19f: {  	v8 =	vld.idx.msk [tilespmem:v5+s12+$0x0], $0xffff  }
0x1a0: {  	v14 =	vld.idx.msk [tilespmem:v5+s13+$0x0], $0xffff;
	_ =	sdelay $0x4  }
0x1a1: {  	vm3 =	veq.f32 v8, v0;
	vm10 =	vlt.s32 v14, v7  }
0x1a2: {  	vm11 =	vgt.f32 v8, v0;
	vm3 =	vmand vm3, vm10  }
0x1a3: {  	vm3 =	vmor vm11, vm3  }
0x1a4: {  	v0 =	vsel vm3, v8, v0  }
0x1a5: {  	v7 =	vsel vm3, v14, v7;
	[tilespmem:$0x6000] =	vst v0  }
0x1a6: {  	[tilespmem:$0x6080] =	vst v7  }
0x1a7: {  	v8 =	vld.idx.msk [tilespmem:v6+s12+$0x0], $0xffff  }
0x1a8: {  	v15 =	vld.idx.msk [tilespmem:v6+s13+$0x0], $0xffff  }
0x1a9: {  	v40 =	vlaneseq.u32  }
0x1aa: {  	v46 =	vmul.u32 $0x10, v40;
	_ =	sdelay $0x1  }
0x1ab: {  	v43 =	vimm.f32 $-Inf;
	v47 =	vor.u32 $0x300, v46  }
0x1ac: {  	v49 =	vor.u32 $0x400, v46;
	vm3 =	veq.f32 v8, v0;
	vm12 =	vlt.s32 v15, v7  }
0x1ad: {  	v51 =	vor.u32 $0x500, v46;
	vm13 =	vgt.f32 v8, v0;
	vm3 =	vmand vm3, vm12  }
0x1ae: {  	v53 =	vor.u32 $0x600, v46;
	v54 =	vor.u32 $0x700, v46;
	vm3 =	vmor vm13, vm3  }
0x1af: {  	v56 =	vor.u32 $0x800, v46;
	v58 =	vor.u32 $0x900, v46;
	v45 =	vsel vm3, v15, v7  }
0x1b0: {  	v60 =	vor.u32 $0xA00, v46;
	v62 =	vor.u32 $0xB00, v46;
	v44 =	vand.u32 $0xF, v45  }
0x1b1: {  	v19 =	vor.u32 $0xC00, v46;
	v7 =	vor.u32 $0x100, v46;
	v0 =	vor.u32 v46, v44  }
0x1b2: {  	v21 =	vor.u32 $0xD00, v46;
	v8 =	vor.u32 $0x200, v46;
	v7 =	vor.u32 v7, v44  }
0x1b3: {  	v24 =	vor.u32 $0xE00, v46;
	v27 =	vor.u32 $0xF00, v46;
	v8 =	vor.u32 v8, v44  }
0x1b4: {  	v29 =	vor.u32 $0x1000, v46;
	v31 =	vor.u32 $0x1100, v46;
	v47 =	vor.u32 v47, v44  }
0x1b5: {  	v34 =	vor.u32 $0x1200, v46;
	v36 =	vor.u32 $0x1300, v46;
	v12 =	vor.u32 $0x1400, v46;
	[tilespmem:v45+s14+$0x0] =	vst.idx.msk $0x1, v43  }
0x1b6: {  	v63 =	vor.u32 $0x1C00, v46;
	v10 =	vor.u32 $0x1E00, v46;
	v49 =	vor.u32 v49, v44;
	v16 =	vld.idx.msk [tilespmem:v0+s14+$0x0], $0xffff  }
0x1b7: {  	v14 =	vor.u32 $0x1500, v46;
	v51 =	vor.u32 v51, v44;
	v53 =	vor.u32 v53, v44;
	v48 =	vld.idx.msk [tilespmem:v7+s14+$0x0], $0xffff  }
0x1b8: {  	v54 =	vor.u32 v54, v44;
	v56 =	vor.u32 v56, v44;
	v58 =	vor.u32 v58, v44;
	v50 =	vld.idx.msk [tilespmem:v8+s14+$0x0], $0xffff  }
0x1b9: {  	v60 =	vor.u32 v60, v44;
	v17 =	vor.u32 v62, v44;
	v20 =	vor.u32 v19, v44;
	v52 =	vld.idx.msk [tilespmem:v47+s14+$0x0], $0xffff  }
0x1ba: {  	v26 =	vor.u32 v24, v44;
	v62 =	vor.u32 v29, v44;
	v13 =	vor.u32 v12, v44  }
0x1bb: {  	v24 =	vor.u32 v63, v44;
	v55 =	vld.idx.msk [tilespmem:v49+s14+$0x0], $0xffff;
	vm3 =	vlt.f32 v16, $-Inf;
	vm14 =	vgt.f32 v16, $-Inf  }
0x1bc: {  	v10 =	vor.u32 v10, v44;
	vm15 =	vgt.f32 v48, $-Inf;
	vm3 =	vmor vm14, vm3  }
0x1bd: {  	v57 =	vld.idx.msk [tilespmem:v51+s14+$0x0], $0xffff;
	vm8 =	vlt.f32 v50, $-Inf;
	v0 =	vnsel vm3, $0x0, v0;
	vm3 =	vlt.f32 v48, $-Inf  }
0x1be: {  	vm9 =	vgt.f32 v50, $-Inf;
	vm10 =	vlt.f32 v52, $-Inf;
	vm3 =	vmor vm15, vm3  }
0x1bf: {  	v59 =	vld.idx.msk [tilespmem:v53+s14+$0x0], $0xffff;
	vm11 =	vgt.f32 v52, $-Inf;
	v7 =	vnsel vm3, $0x0, v7;
	vm3 =	vmor vm9, vm8  }
0x1c0: {  	v61 =	vld.idx.msk [tilespmem:v54+s14+$0x0], $0xffff;
	v9 =	vmax.f32 v16, v55;
	v8 =	vnsel vm3, $0x0, v8;
	vm3 =	vmor vm11, vm10  }
0x1c1: {  	v18 =	vld.idx.msk [tilespmem:v56+s14+$0x0], $0xffff;
	v47 =	vnsel vm3, $0x0, v47;
	vm3 =	vgt.f32 v55, v16;
	v55 =	vor.u32 v27, v44  }
0x1c2: {  	v25 =	vld.idx.msk [tilespmem:v17+s14+$0x0], $0xffff;
	v16 =	vor.u32 $0x1600, v46;
	v0 =	vsel vm3, v49, v0;
	vm3 =	vgt.f32 v57, v48  }
0x1c3: {  	v48 =	vmax.f32 v48, v57;
	v57 =	vor.u32 v21, v44;
	v7 =	vsel vm3, v51, v7  }
0x1c4: {  	v22 =	vld.idx.msk [tilespmem:v58+s14+$0x0], $0xffff;
	vm3 =	vgt.f32 v59, v50;
	v50 =	vmax.f32 v50, v59;
	v51 =	vor.u32 v16, v44  }
0x1c5: {  	v8 =	vsel vm3, v53, v8;
	vm3 =	vgt.f32 v61, v52;
	v52 =	vmax.f32 v52, v61  }
0x1c6: {  	v23 =	vld.idx.msk [tilespmem:v60+s14+$0x0], $0xffff;
	v47 =	vsel vm3, v54, v47;
	vm3 =	vgt.f32 v18, v9;
	v9 =	vmax.f32 v9, v18  }
0x1c7: {  	v28 =	vld.idx.msk [tilespmem:v20+s14+$0x0], $0xffff;
	vm12 =	vgt.f32 v25, v52;
	v52 =	vmax.f32 v52, v25;
	v54 =	vor.u32 v34, v44  }
0x1c8: {  	v32 =	vld.idx.msk [tilespmem:v26+s14+$0x0], $0xffff;
	v18 =	vor.u32 $0x1800, v46;
	v25 =	vor.u32 $0x1D00, v46;
	v0 =	vsel vm3, v56, v0  }
0x1c9: {  	vm3 =	vgt.f32 v22, v48;
	v48 =	vmax.f32 v48, v22;
	v47 =	vsel vm12, v17, v47;
	v30 =	vld.idx.msk [tilespmem:v57+s14+$0x0], $0xffff  }
0x1ca: {  	v33 =	vld.idx.msk [tilespmem:v55+s14+$0x0], $0xffff;
	v56 =	vor.u32 v36, v44;
	v22 =	vor.u32 $0x1A00, v46;
	v63 =	vor.u32 v25, v44  }
0x1cb: {  	v7 =	vsel vm3, v58, v7;
	vm3 =	vgt.f32 v23, v50;
	v58 =	vor.u32 v31, v44  }
0x1cc: {  	v50 =	vmax.f32 v50, v23;
	v8 =	vsel vm3, v60, v8;
	vm3 =	vgt.f32 v28, v9  }
0x1cd: {  	v9 =	vmax.f32 v9, v28;
	v28 =	vor.u32 $0x1700, v46;
	v0 =	vsel vm3, v20, v0  }
0x1ce: {  	v35 =	vld.idx.msk [tilespmem:v62+s14+$0x0], $0xffff;
	v20 =	vor.u32 $0x1900, v46;
	v53 =	vor.u32 v28, v44;
	vm3 =	vgt.f32 v30, v48  }
0x1cf: {  	v19 =	vld.idx.msk [tilespmem:v13+s14+$0x0], $0xffff;
	v49 =	vmax.f32 v52, v33;
	v7 =	vsel vm3, v57, v7;
	vm3 =	vgt.f32 v32, v50  }
0x1d0: {  	v37 =	vld.idx.msk [tilespmem:v58+s14+$0x0], $0xffff;
	v8 =	vsel vm3, v26, v8;
	vm3 =	vgt.f32 v33, v52;
	v52 =	vor.u32 v14, v44  }
0x1d1: {  	v61 =	vor.u32 v22, v44;
	v60 =	vor.u32 v18, v44;
	v15 =	vld.idx.msk [tilespmem:v54+s14+$0x0], $0xffff;
	v21 =	vor.u32 v20, v44  }
0x1d2: {  	v17 =	vld.idx.msk [tilespmem:v56+s14+$0x0], $0xffff;
	v50 =	vmax.f32 v50, v32;
	v32 =	vor.u32 $0x1B00, v46;
	v46 =	vor.u32 $0x1F00, v46  }
0x1d3: {  	v31 =	vld.idx.msk [tilespmem:v24+s14+$0x0], $0xffff;
	v48 =	vmax.f32 v48, v30;
	v34 =	vor.u32 v32, v44;
	v46 =	vor.u32 v46, v44  }
0x1d4: {  	v47 =	vsel vm3, v55, v47;
	vm3 =	vgt.f32 v35, v9;
	v9 =	vmax.f32 v9, v35;
	v35 =	vld.idx.msk [tilespmem:v53+s14+$0x0], $0xffff  }
0x1d5: {  	v0 =	vsel vm3, v62, v0;
	vm3 =	vgt.f32 v37, v48;
	v48 =	vmax.f32 v48, v37;
	v23 =	vld.idx.msk [tilespmem:v52+s14+$0x0], $0xffff  }
0x1d6: {  	v26 =	vld.idx.msk [tilespmem:v51+s14+$0x0], $0xffff;
	v7 =	vsel vm3, v58, v7;
	vm3 =	vgt.f32 v15, v50;
	v50 =	vmax.f32 v50, v15  }
0x1d7: {  	v27 =	vld.idx.msk [tilespmem:v60+s14+$0x0], $0xffff;
	v8 =	vsel vm3, v54, v8;
	vm3 =	vgt.f32 v17, v49;
	v49 =	vmax.f32 v49, v17  }
0x1d8: {  	v29 =	vld.idx.msk [tilespmem:v21+s14+$0x0], $0xffff;
	v47 =	vsel vm3, v56, v47;
	vm3 =	vgt.f32 v19, v9;
	v9 =	vmax.f32 v9, v19  }
0x1d9: {  	v30 =	vld.idx.msk [tilespmem:v61+s14+$0x0], $0xffff;
	vm15 =	vgt.f32 v35, v49;
	v49 =	vmax.f32 v49, v35;
	v0 =	vsel vm3, v13, v0  }
0x1da: {  	v33 =	vld.idx.msk [tilespmem:v63+s14+$0x0], $0xffff;
	v47 =	vsel vm15, v53, v47;
	vm3 =	vgt.f32 v23, v48;
	v48 =	vmax.f32 v48, v23  }
0x1db: {  	v7 =	vsel vm3, v52, v7;
	vm3 =	vgt.f32 v26, v50;
	v50 =	vmax.f32 v50, v26  }
0x1dc: {  	v8 =	vsel vm3, v51, v8;
	vm3 =	vgt.f32 v27, v9;
	v9 =	vmax.f32 v9, v27  }
0x1dd: {  	v36 =	vld.idx.msk [tilespmem:v10+s14+$0x0], $0xffff;
	v0 =	vsel vm3, v60, v0;
	vm3 =	vgt.f32 v29, v48;
	v48 =	vmax.f32 v48, v29  }
0x1de: {  	v37 =	vld.idx.msk [tilespmem:v34+s14+$0x0], $0xffff;
	vm13 =	vgt.f32 v31, v9;
	v9 =	vmax.f32 v9, v31;
	v7 =	vsel vm3, v21, v7  }
0x1df: {  	vm3 =	vgt.f32 v30, v50;
	v50 =	vmax.f32 v50, v30;
	vm14 =	vgt.f32 v33, v48  }
0x1e0: {  	v0 =	vsel vm13, v24, v0;
	v48 =	vmax.f32 v48, v33;
	v7 =	vsel vm14, v63, v7  }
0x1e1: {  	v8 =	vsel vm3, v61, v8;
	vm3 =	veq.f32 v48, v9;
	vm4 =	vlt.u32 v7, v0  }
0x1e2: {  	v57 =	vld.idx.msk [tilespmem:v46+s14+$0x0], $0xffff;
	vm8 =	vgt.f32 v48, v9;
	vm9 =	vgt.f32 v36, v50;
	vm3 =	vmand vm3, vm4  }
0x1e3: {  	v58 =	vmax.f32 v49, v37;
	v8 =	vsel vm9, v10, v8;
	vm3 =	vmor vm8, vm3  }
0x1e4: {  	v9 =	vsel vm3, v48, v9;
	v0 =	vsel vm3, v7, v0;
	v7 =	vmax.f32 v50, v36  }
0x1e5: {  	vm3 =	vgt.f32 v37, v49;
	vm10 =	veq.f32 v7, v9;
	vm11 =	vlt.u32 v8, v0  }
0x1e6: {  	v47 =	vsel vm3, v34, v47;
	vm3 =	vgt.f32 v7, v9;
	vm4 =	vmand vm10, vm11  }
0x1e7: {  	vm12 =	vgt.f32 v57, v58;
	v10 =	vmax.f32 v58, v57;
	vm3 =	vmor vm3, vm4  }
0x1e8: {  	v46 =	vsel vm12, v46, v47;
	v7 =	vsel vm3, v7, v9;
	v0 =	vsel vm3, v8, v0  }
0x1e9: {  	vm3 =	veq.f32 v10, v7;
	vm13 =	vlt.u32 v46, v0  }
0x1ea: {  	vm14 =	vgt.f32 v10, v7;
	vm3 =	vmand vm3, vm13  }
0x1eb: {  	vm3 =	vmor vm14, vm3  }
0x1ec: {  	v7 =	vsel vm3, v10, v7  }
0x1ed: {  	v0 =	vsel vm3, v46, v0;
	[tilespmem:$0x6000] =	vst v7  }
0x1ee: {  	[tilespmem:$0x6080] =	vst v0  }
0x1ef: {  	v8 =	vld.idx.msk [tilespmem:v2+s12+$0x0], $0xffff  }
0x1f0: {  	v59 =	vld.idx.msk [tilespmem:v2+s13+$0x0], $0xffff;
	_ =	sdelay $0x4  }
0x1f1: {  	vm3 =	veq.f32 v8, v7;
	vm15 =	vlt.s32 v59, v0  }
0x1f2: {  	vm8 =	vgt.f32 v8, v7;
	vm3 =	vmand vm3, vm15  }
0x1f3: {  	vm3 =	vmor vm8, vm3  }
0x1f4: {  	v7 =	vsel vm3, v8, v7  }
0x1f5: {  	v0 =	vsel vm3, v59, v0;
	[tilespmem:$0x6000] =	vst v7  }
0x1f6: {  	[tilespmem:$0x6080] =	vst v0  }
0x1f7: {  	v8 =	vld.idx.msk [tilespmem:v3+s12+$0x0], $0xffff  }
0x1f8: {  	v60 =	vld.idx.msk [tilespmem:v3+s13+$0x0], $0xffff;
	_ =	sdelay $0x4  }
0x1f9: {  	vm3 =	veq.f32 v8, v7;
	vm9 =	vlt.s32 v60, v0  }
0x1fa: {  	vm10 =	vgt.f32 v8, v7;
	vm3 =	vmand vm3, vm9  }
0x1fb: {  	vm3 =	vmor vm10, vm3  }
0x1fc: {  	v7 =	vsel vm3, v8, v7  }
0x1fd: {  	v0 =	vsel vm3, v60, v0;
	[tilespmem:$0x6000] =	vst v7  }
0x1fe: {  	[tilespmem:$0x6080] =	vst v0  }
0x1ff: {  	v8 =	vld.idx.msk [tilespmem:v5+s12+$0x0], $0xffff  }
0x200: {  	v61 =	vld.idx.msk [tilespmem:v5+s13+$0x0], $0xffff;
	_ =	sdelay $0x4  }
0x201: {  	vm3 =	veq.f32 v8, v7;
	vm11 =	vlt.s32 v61, v0  }
0x202: {  	vm12 =	vgt.f32 v8, v7;
	vm3 =	vmand vm3, vm11  }
0x203: {  	vm3 =	vmor vm12, vm3  }
0x204: {  	v7 =	vsel vm3, v8, v7  }
0x205: {  	v0 =	vsel vm3, v61, v0;
	[tilespmem:$0x6000] =	vst v7  }
0x206: {  	[tilespmem:$0x6080] =	vst v0  }
0x207: {  	v8 =	vld.idx.msk [tilespmem:v6+s12+$0x0], $0xffff  }
0x208: {  	v62 =	vld.idx.msk [tilespmem:v6+s13+$0x0], $0xffff;
	_ =	sdelay $0x3  }
0x209: {  	p1 =	por p0, p0  }
.Ltmp3:
0x20a: {  	v63 =	vmov s20;
	vm3 =	veq.f32 v8, v7;
	vm13 =	vlt.s32 v62, v0;
	(pc) =	sbr.rel @p1 .LBB2_8-.Ltmp3, $4  }
0x20b: {  	vm14 =	veq.s32 v63, v40;
	vm15 =	vgt.f32 v8, v7;
	vm3 =	vmand vm3, vm13  }
0x20c: {  	v39 =	vsel vm14, v45, v39;
	vm3 =	vmor vm15, vm3  }
0x20d: {  	v7 =	vsel vm3, v8, v7;
	v0 =	vsel vm3, v62, v0;
	vm3 =	veq.s32 v44, v40  }
0x20e: {  	s21 =	simm.s32 $0x0;
	p0 =	por $0x0, $0x0;
	s20 =	simm.s32 $0x5;
	v44 =	vimm.s32 $0x0;
	v41 =	vsel vm3, v7, v41;
	v42 =	vsel vm3, v0, v42  }
0x20f: {  	s22 =	sshra.s32 s21, $0x2  }
0x210: {  	v0 =	vld [tilespmem:s22+$0x0]  }
0x211: {  	v7 =	vld [tilespmem:s22+$0x10]  }
0x212: {  	v8 =	vld [tilespmem:s22+$0x20]  }
0x213: {  	v9 =	vld [tilespmem:s22+$0x30]  }
0x214: {  	v10 =	vadd.s32 $0x10, v40;
	v42 =	vadd.s32 $0x20, v40;
	v45 =	vld [tilespmem:s22+$0x40]  }
0x215: {  	v46 =	vadd.s32 $0x30, v40;
	vm3 =	vgt.f32 v0, v43;
	v0 =	vmax.f32 v43, v0  }
0x216: {  	v63 =	vsel vm3, v40, v44;
	vm3 =	vgt.f32 v7, v0;
	v0 =	vmax.f32 v0, v7  }
0x217: {  	v41 =	vld [tilespmem:s22+$0x70];
	v7 =	vsel vm3, v10, v63;
	vm3 =	vgt.f32 v8, v0;
	v0 =	vmax.f32 v0, v8  }
0x218: {  	v7 =	vsel vm3, v42, v7;
	vm3 =	vgt.f32 v9, v0;
	v0 =	vmax.f32 v0, v9;
	v42 =	vld [tilespmem:s22+$0x50]  }
0x219: {  	s20 =	sadd.s32 $0x200, s21;
	v43 =	vld [tilespmem:s22+$0x60];
	v44 =	vsel vm3, v46, v7;
	vm3 =	vgt.f32 v45, v0;
	v45 =	vmax.f32 v0, v45  }
.LBB2_10:
0x21a: {  	s21 =	sshra.s32 s20, $0x2;
	p0 =	sne.s32 s20, $0x7E00;
	s20 =	sadd.s32 $0x200, s20;
	v0 =	vadd.s32 $0x60, v40;
	v7 =	vadd.s32 $0x70, v40  }
0x21b: {  	v9 =	vadd.s32 $0x40, v40;
	v10 =	vadd.s32 $0x50, v40;
	v40 =	vadd.s32 $0x80, v40;
	v8 =	vld [tilespmem:s21+$0x0]  }
0x21c: {  	v46 =	vadd.s32 $0x10, v40;
	v48 =	vadd.s32 $0x20, v40;
	v49 =	vadd.s32 $0x30, v40;
	v47 =	vld [tilespmem:s21+$0x10]  }
0x21d: {  	v9 =	vsel vm3, v9, v44;
	v50 =	vld [tilespmem:s21+$0x20];
	vm3 =	vgt.f32 v42, v45;
	v42 =	vmax.f32 v45, v42  }
0x21e: {  	v44 =	vld [tilespmem:s21+$0x30];
	v9 =	vsel vm3, v10, v9;
	vm3 =	vgt.f32 v43, v42;
	v10 =	vmax.f32 v42, v43  }
0x21f: {  	v43 =	vld [tilespmem:s21+$0x40];
	v0 =	vsel vm3, v0, v9;
	vm3 =	vgt.f32 v41, v10;
	v9 =	vmax.f32 v10, v41  }
.Ltmp4:
0x220: {  	vm4 =	vgt.f32 v8, v9;
	v8 =	vmax.f32 v9, v8;
	v41 =	vld [tilespmem:s21+$0x70];
	v0 =	vsel vm3, v7, v0;
	(pc) =	sbr.rel @p0 .LBB2_10-.Ltmp4, $4  }
0x221: {  	v0 =	vsel vm4, v40, v0;
	vm3 =	vgt.f32 v47, v8;
	v7 =	vmax.f32 v8, v47  }
0x222: {  	v0 =	vsel vm3, v46, v0;
	vm3 =	vgt.f32 v50, v7;
	v7 =	vmax.f32 v7, v50  }
0x223: {  	v0 =	vsel vm3, v48, v0;
	vm3 =	vgt.f32 v44, v7;
	v7 =	vmax.f32 v7, v44;
	v42 =	vld [tilespmem:s21+$0x50]  }
0x224: {  	v44 =	vsel vm3, v49, v0;
	vm3 =	vgt.f32 v43, v7;
	v45 =	vmax.f32 v7, v43;
	v43 =	vld [tilespmem:s21+$0x60]  }
0x225: {  	v11 =	vld [tilespmem:$0x1FE10]  }
0x226: {  	v12 =	vld [tilespmem:$0x1FE20]  }
0x227: {  	v13 =	vld [tilespmem:$0x1FE30]  }
0x228: {  	v14 =	vld [tilespmem:$0x1FE40]  }
0x229: {  	v15 =	vld [tilespmem:$0x1FE50]  }
0x22a: {  	v16 =	vld [tilespmem:$0x1FE60]  }
0x22b: {  	v17 =	vld [tilespmem:$0x1FE70]  }
0x22c: {  	v18 =	vld [tilespmem:$0x1FE80]  }
0x22d: {  	v19 =	vld [tilespmem:$0x1FE90]  }
0x22e: {  	v4 =	vld [tilespmem:$0x1FEA0]  }
0x22f: {  	v20 =	vld [tilespmem:$0x1FEB0]  }
0x230: {  	v21 =	vld [tilespmem:$0x1FEC0]  }
0x231: {  	v22 =	vld [tilespmem:$0x1FED0]  }
0x232: {  	v23 =	vld [tilespmem:$0x1FEE0]  }
0x233: {  	v24 =	vld [tilespmem:$0x1FEF0]  }
0x234: {  	v25 =	vld [tilespmem:$0x1FF00]  }
0x235: {  	v26 =	vld [tilespmem:$0x1FF10]  }
0x236: {  	v27 =	vld [tilespmem:$0x1FF20]  }
0x237: {  	v28 =	vld [tilespmem:$0x1FF30]  }
0x238: {  	v29 =	vld [tilespmem:$0x1FF40]  }
0x239: {  	v1 =	vld [tilespmem:$0x1FF50]  }
0x23a: {  	v31 =	vld [tilespmem:$0x1FF60]  }
0x23b: {  	v32 =	vld [tilespmem:$0x1FF70]  }
0x23c: {  	v0 =	vadd.s32 $0x60, v40;
	v7 =	vadd.s32 $0x40, v40;
	v8 =	vadd.s32 $0x50, v40;
	v33 =	vld [tilespmem:$0x1FF80]  }
0x23d: {  	v34 =	vld [tilespmem:$0x1FF90];
	v7 =	vsel vm3, v7, v44;
	vm3 =	vgt.f32 v42, v45;
	v9 =	vmax.f32 v45, v42  }
0x23e: {  	v35 =	vld [tilespmem:$0x1FFA0];
	v7 =	vsel vm3, v8, v7;
	vm3 =	vgt.f32 v43, v9;
	v8 =	vmax.f32 v9, v43  }
0x23f: {  	v36 =	vld [tilespmem:$0x1FFB0];
	v9 =	vadd.s32 $0x70, v40;
	v0 =	vsel vm3, v0, v7;
	vm3 =	vgt.f32 v41, v8  }
0x240: {  	s20 =	simm.s32 $0x6;
	v30 =	vlaneseq.u32;
	v63 =	vld [tilespmem:$0x1FFD0];
	v40 =	vmax.f32 v8, v41;
	v41 =	vsel vm3, v9, v0  }
.LBB2_12:
0x241: {  	[tilespmem:$0x6000] =	vst v40  }
0x242: {  	[tilespmem:$0x6080] =	vst v41  }
0x243: {  	v0 =	vld.idx.msk [tilespmem:v2+s12+$0x0], $0xffff  }
0x244: {  	v7 =	vld.idx.msk [tilespmem:v2+s13+$0x0], $0xffff;
	_ =	sdelay $0x4  }
0x245: {  	vm3 =	veq.f32 v0, v40;
	vm4 =	vlt.s32 v7, v41  }
0x246: {  	vm5 =	vgt.f32 v0, v40;
	vm3 =	vmand vm3, vm4  }
0x247: {  	vm3 =	vmor vm5, vm3  }
0x248: {  	v0 =	vsel vm3, v0, v40  }
0x249: {  	v7 =	vsel vm3, v7, v41;
	[tilespmem:$0x6000] =	vst v0  }
0x24a: {  	[tilespmem:$0x6080] =	vst v7  }
0x24b: {  	v8 =	vld.idx.msk [tilespmem:v3+s12+$0x0], $0xffff  }
0x24c: {  	v9 =	vld.idx.msk [tilespmem:v3+s13+$0x0], $0xffff;
	_ =	sdelay $0x4  }
0x24d: {  	vm3 =	veq.f32 v8, v0;
	vm8 =	vlt.s32 v9, v7  }
0x24e: {  	vm9 =	vgt.f32 v8, v0;
	vm3 =	vmand vm3, vm8  }
0x24f: {  	vm3 =	vmor vm9, vm3  }
0x250: {  	v0 =	vsel vm3, v8, v0  }
0x251: {  	v7 =	vsel vm3, v9, v7;
	[tilespmem:$0x6000] =	vst v0  }
0x252: {  	[tilespmem:$0x6080] =	vst v7  }
0x253: {  	v8 =	vld.idx.msk [tilespmem:v5+s12+$0x0], $0xffff  }
0x254: {  	v9 =	vld.idx.msk [tilespmem:v5+s13+$0x0], $0xffff;
	_ =	sdelay $0x4  }
0x255: {  	vm3 =	veq.f32 v8, v0;
	vm10 =	vlt.s32 v9, v7  }
0x256: {  	vm11 =	vgt.f32 v8, v0;
	vm3 =	vmand vm3, vm10  }
0x257: {  	vm3 =	vmor vm11, vm3  }
0x258: {  	v0 =	vsel vm3, v8, v0  }
0x259: {  	v7 =	vsel vm3, v9, v7;
	[tilespmem:$0x6000] =	vst v0  }
0x25a: {  	[tilespmem:$0x6080] =	vst v7  }
0x25b: {  	v8 =	vld.idx.msk [tilespmem:v6+s12+$0x0], $0xffff  }
0x25c: {  	v9 =	vld.idx.msk [tilespmem:v6+s13+$0x0], $0xffff;
	_ =	sdelay $0x4  }
0x25d: {  	vm3 =	veq.f32 v8, v0;
	vm12 =	vlt.s32 v9, v7  }
0x25e: {  	vm13 =	vgt.f32 v8, v0;
	vm3 =	vmand vm3, vm12  }
0x25f: {  	vm3 =	vmor vm13, vm3  }
0x260: {  	v42 =	vsel vm3, v9, v7  }
0x261: {  	v43 =	vand.u32 $0xF, v42  }
0x262: {  	v0 =	vor.u32 v20, v43  }
0x263: {  	v7 =	vor.u32 v11, v43  }
0x264: {  	v8 =	vimm.f32 $-Inf;
	v10 =	vor.u32 v13, v43  }
0x265: {  	[tilespmem:v42+s3+$0x0] =	vst.idx.msk $0x1, v8;
	v8 =	vor.u32 v12, v43;
	_ =	sdelay $0x1  }
0x266: {  	v45 =	vor.u32 v14, v43;
	v9 =	vld.idx.msk [tilespmem:v0+s3+$0x0], $0xffff  }
0x267: {  	v44 =	vld.idx.msk [tilespmem:v7+s3+$0x0], $0xffff  }
0x268: {  	v47 =	vor.u32 v15, v43;
	v48 =	vld.idx.msk [tilespmem:v10+s3+$0x0], $0xffff  }
0x269: {  	v52 =	vor.u32 v18, v43;
	v46 =	vld.idx.msk [tilespmem:v8+s3+$0x0], $0xffff  }
0x26a: {  	v49 =	vor.u32 v16, v43;
	v50 =	vor.u32 v17, v43  }
0x26b: {  	v54 =	vor.u32 v19, v43;
	v56 =	vor.u32 v4, v43;
	v58 =	vor.u32 v21, v43;
	v51 =	vld.idx.msk [tilespmem:v45+s3+$0x0], $0xffff  }
0x26c: {  	vm3 =	vlt.f32 v9, $-Inf;
	vm14 =	vgt.f32 v9, $-Inf;
	vm15 =	vlt.f32 v44, $-Inf  }
0x26d: {  	v53 =	vld.idx.msk [tilespmem:v47+s3+$0x0], $0xffff;
	vm6 =	vgt.f32 v44, $-Inf;
	vm10 =	vlt.f32 v48, $-Inf;
	vm3 =	vmor vm14, vm3  }
0x26e: {  	v59 =	vld.idx.msk [tilespmem:v52+s3+$0x0], $0xffff;
	v0 =	vnsel vm3, $0x0, v0;
	vm3 =	vlt.f32 v46, $-Inf;
	vm9 =	vgt.f32 v46, $-Inf  }
0x26f: {  	v55 =	vld.idx.msk [tilespmem:v49+s3+$0x0], $0xffff;
	vm11 =	vgt.f32 v48, $-Inf;
	vm8 =	vmor vm6, vm15;
	vm3 =	vmor vm9, vm3  }
0x270: {  	vm12 =	vmor vm11, vm10;
	v8 =	vnsel vm3, $0x0, v8;
	vm3 =	vgt.f32 v51, v9  }
0x271: {  	v57 =	vld.idx.msk [tilespmem:v50+s3+$0x0], $0xffff;
	v7 =	vnsel vm8, $0x0, v7;
	v9 =	vmax.f32 v9, v51;
	v0 =	vsel vm3, v45, v0  }
0x272: {  	v37 =	vld.idx.msk [tilespmem:v54+s3+$0x0], $0xffff;
	v45 =	vor.u32 v22, v43;
	vm3 =	vgt.f32 v53, v44;
	v44 =	vmax.f32 v44, v53  }
0x273: {  	v53 =	vor.u32 v23, v43;
	vm13 =	vgt.f32 v59, v9;
	v7 =	vsel vm3, v47, v7  }
0x274: {  	v60 =	vld.idx.msk [tilespmem:v56+s3+$0x0], $0xffff;
	vm3 =	vgt.f32 v55, v46;
	v46 =	vmax.f32 v46, v55;
	v55 =	vor.u32 v24, v43  }
0x275: {  	v10 =	vnsel vm12, $0x0, v10;
	v0 =	vsel vm13, v52, v0  }
0x276: {  	v61 =	vld.idx.msk [tilespmem:v58+s3+$0x0], $0xffff;
	v8 =	vsel vm3, v49, v8;
	vm3 =	vgt.f32 v57, v48;
	v48 =	vmax.f32 v48, v57  }
0x277: {  	v57 =	vor.u32 v25, v43;
	v10 =	vsel vm3, v50, v10;
	vm3 =	vgt.f32 v37, v44;
	v62 =	vld.idx.msk [tilespmem:v45+s3+$0x0], $0xffff  }
0x278: {  	v52 =	vor.u32 v26, v43;
	v44 =	vmax.f32 v44, v37;
	v7 =	vsel vm3, v54, v7;
	v37 =	vld.idx.msk [tilespmem:v53+s3+$0x0], $0xffff  }
0x279: {  	vm3 =	vgt.f32 v60, v46;
	v54 =	vor.u32 v27, v43;
	v46 =	vmax.f32 v46, v60;
	v60 =	vld.idx.msk [tilespmem:v55+s3+$0x0], $0xffff  }
0x27a: {  	v9 =	vmax.f32 v9, v59;
	v8 =	vsel vm3, v56, v8;
	v56 =	vor.u32 v28, v43  }
0x27b: {  	v50 =	vor.u32 v29, v43;
	vm3 =	vgt.f32 v61, v48;
	v48 =	vmax.f32 v48, v61  }
0x27c: {  	v10 =	vsel vm3, v58, v10;
	v58 =	vor.u32 v1, v43;
	v61 =	vld.idx.msk [tilespmem:v57+s3+$0x0], $0xffff;
	vm3 =	vgt.f32 v62, v9  }
0x27d: {  	v9 =	vmax.f32 v9, v62;
	v62 =	vld.idx.msk [tilespmem:v52+s3+$0x0], $0xffff;
	v0 =	vsel vm3, v45, v0;
	vm3 =	vgt.f32 v37, v44  }
0x27e: {  	v51 =	vld.idx.msk [tilespmem:v54+s3+$0x0], $0xffff;
	v7 =	vsel vm3, v53, v7;
	vm3 =	vgt.f32 v60, v46  }
0x27f: {  	v8 =	vsel vm3, v55, v8;
	v55 =	vld.idx.msk [tilespmem:v56+s3+$0x0], $0xffff  }
0x280: {  	v59 =	vor.u32 v33, v43;
	v47 =	vor.u32 v32, v43;
	v49 =	vld.idx.msk [tilespmem:v50+s3+$0x0], $0xffff  }
0x281: {  	v44 =	vmax.f32 v44, v37;
	v37 =	vld.idx.msk [tilespmem:v58+s3+$0x0], $0xffff;
	v53 =	vor.u32 v31, v43;
	vm3 =	vgt.f32 v61, v48  }
0x282: {  	v46 =	vmax.f32 v46, v60;
	v10 =	vsel vm3, v57, v10;
	vm3 =	vgt.f32 v62, v9  }
0x283: {  	v60 =	vor.u32 v35, v43;
	v0 =	vsel vm3, v52, v0;
	vm3 =	vgt.f32 v51, v44  }
0x284: {  	v48 =	vmax.f32 v48, v61;
	v7 =	vsel vm3, v54, v7;
	vm3 =	vgt.f32 v55, v46  }
0x285: {  	v9 =	vmax.f32 v9, v62;
	v8 =	vsel vm3, v56, v8;
	vm3 =	vgt.f32 v49, v48  }
0x286: {  	v10 =	vsel vm3, v50, v10;
	vm3 =	vgt.f32 v37, v9;
	v9 =	vmax.f32 v9, v37;
	v37 =	vld [tilespmem:$0x1FFE0]  }
0x287: {  	v57 =	vor.u32 v34, v43;
	v44 =	vmax.f32 v44, v51;
	v51 =	vld.idx.msk [tilespmem:v47+s3+$0x0], $0xffff  }
0x288: {  	v61 =	vor.u32 v36, v43;
	v52 =	vld.idx.msk [tilespmem:v53+s3+$0x0], $0xffff  }
0x289: {  	v45 =	vld.idx.msk [tilespmem:v60+s3+$0x0], $0xffff  }
0x28a: {  	v54 =	vor.u32 v38, v43;
	v46 =	vmax.f32 v46, v55;
	v55 =	vld.idx.msk [tilespmem:v59+s3+$0x0], $0xffff  }
0x28b: {  	v62 =	vor.u32 v63, v43;
	v56 =	vor.u32 v37, v43;
	v37 =	vld [tilespmem:$0x1FFC0]  }
0x28c: {  	v48 =	vmax.f32 v48, v49;
	v49 =	vld.idx.msk [tilespmem:v57+s3+$0x0], $0xffff  }
0x28d: {  	v50 =	vld.idx.msk [tilespmem:v61+s3+$0x0], $0xffff;
	v0 =	vsel vm3, v58, v0;
	vm3 =	vgt.f32 v52, v44  }
0x28e: {  	v7 =	vsel vm3, v53, v7;
	v53 =	vld [tilespmem:$0x1FFF0]  }
0x28f: {  	v44 =	vmax.f32 v44, v52;
	v52 =	vld.idx.msk [tilespmem:v54+s3+$0x0], $0xffff;
	vm3 =	vgt.f32 v51, v46  }
0x290: {  	v46 =	vmax.f32 v46, v51;
	v8 =	vsel vm3, v47, v8;
	v47 =	vor.u32 v37, v43;
	v37 =	vld.idx.msk [tilespmem:v62+s3+$0x0], $0xffff  }
0x291: {  	vm3 =	vgt.f32 v55, v48;
	v48 =	vmax.f32 v48, v55;
	vm14 =	vgt.f32 v49, v9  }
0x292: {  	v9 =	vmax.f32 v9, v49;
	v10 =	vsel vm3, v59, v10;
	v0 =	vsel vm14, v57, v0  }
0x293: {  	vm3 =	vgt.f32 v45, v44;
	v44 =	vmax.f32 v44, v45;
	v59 =	vor.u32 v53, v43;
	v58 =	vld.idx.msk [tilespmem:v56+s3+$0x0], $0xffff  }
0x294: {  	v7 =	vsel vm3, v60, v7;
	vm3 =	vgt.f32 v50, v46;
	v46 =	vmax.f32 v46, v50  }
0x295: {  	vm15 =	vgt.f32 v52, v9;
	v9 =	vmax.f32 v9, v52;
	v60 =	vld.idx.msk [tilespmem:v47+s3+$0x0], $0xffff;
	vm8 =	vgt.f32 v37, v44  }
0x296: {  	v0 =	vsel vm15, v54, v0;
	v44 =	vmax.f32 v44, v37;
	v7 =	vsel vm8, v62, v7  }
0x297: {  	v8 =	vsel vm3, v61, v8;
	vm3 =	veq.f32 v44, v9;
	vm4 =	vlt.u32 v7, v0  }
0x298: {  	vm9 =	vgt.f32 v58, v46;
	v62 =	vld.idx.msk [tilespmem:v59+s3+$0x0], $0xffff;
	vm10 =	vgt.f32 v44, v9;
	vm3 =	vmand vm3, vm4  }
0x299: {  	v45 =	vmax.f32 v46, v58;
	v8 =	vsel vm9, v56, v8;
	vm3 =	vmor vm10, vm3  }
0x29a: {  	v9 =	vsel vm3, v44, v9;
	v0 =	vsel vm3, v7, v0;
	vm3 =	vgt.f32 v60, v48  }
0x29b: {  	v7 =	vsel vm3, v47, v10;
	vm3 =	veq.f32 v45, v9;
	vm11 =	vlt.u32 v8, v0  }
0x29c: {  	v10 =	vmax.f32 v48, v60;
	vm12 =	vgt.f32 v45, v9;
	vm3 =	vmand vm3, vm11  }
0x29d: {  	vm13 =	vgt.f32 v62, v10;
	v10 =	vmax.f32 v10, v62;
	vm3 =	vmor vm12, vm3  }
0x29e: {  	v7 =	vsel vm13, v59, v7;
	v9 =	vsel vm3, v45, v9;
	v0 =	vsel vm3, v8, v0  }
0x29f: {  	vm3 =	veq.f32 v10, v9;
	vm4 =	vlt.u32 v7, v0  }
0x2a0: {  	vm14 =	vgt.f32 v10, v9;
	vm3 =	vmand vm3, vm4  }
0x2a1: {  	vm3 =	vmor vm14, vm3  }
0x2a2: {  	v8 =	vsel vm3, v10, v9  }
0x2a3: {  	v0 =	vsel vm3, v7, v0;
	[tilespmem:$0x6000] =	vst v8  }
0x2a4: {  	[tilespmem:$0x6080] =	vst v0  }
0x2a5: {  	v7 =	vld.idx.msk [tilespmem:v2+s12+$0x0], $0xffff  }
0x2a6: {  	v9 =	vld.idx.msk [tilespmem:v2+s13+$0x0], $0xffff;
	_ =	sdelay $0x4  }
0x2a7: {  	vm3 =	veq.f32 v7, v8;
	vm15 =	vlt.s32 v9, v0  }
0x2a8: {  	vm8 =	vgt.f32 v7, v8;
	vm3 =	vmand vm3, vm15  }
0x2a9: {  	vm3 =	vmor vm8, vm3  }
0x2aa: {  	v7 =	vsel vm3, v7, v8  }
0x2ab: {  	v0 =	vsel vm3, v9, v0;
	[tilespmem:$0x6000] =	vst v7  }
0x2ac: {  	[tilespmem:$0x6080] =	vst v0  }
0x2ad: {  	v8 =	vld.idx.msk [tilespmem:v3+s12+$0x0], $0xffff  }
0x2ae: {  	v9 =	vld.idx.msk [tilespmem:v3+s13+$0x0], $0xffff;
	_ =	sdelay $0x4  }
0x2af: {  	vm3 =	veq.f32 v8, v7;
	vm9 =	vlt.s32 v9, v0  }
0x2b0: {  	vm10 =	vgt.f32 v8, v7;
	vm3 =	vmand vm3, vm9  }
0x2b1: {  	vm3 =	vmor vm10, vm3  }
0x2b2: {  	v7 =	vsel vm3, v8, v7  }
0x2b3: {  	v0 =	vsel vm3, v9, v0;
	[tilespmem:$0x6000] =	vst v7  }
0x2b4: {  	[tilespmem:$0x6080] =	vst v0  }
0x2b5: {  	v8 =	vld.idx.msk [tilespmem:v5+s12+$0x0], $0xffff  }
0x2b6: {  	v9 =	vld.idx.msk [tilespmem:v5+s13+$0x0], $0xffff;
	_ =	sdelay $0x4  }
0x2b7: {  	vm3 =	veq.f32 v8, v7;
	vm11 =	vlt.s32 v9, v0  }
0x2b8: {  	vm12 =	vgt.f32 v8, v7;
	vm3 =	vmand vm3, vm11  }
0x2b9: {  	vm3 =	vmor vm12, vm3  }
0x2ba: {  	v7 =	vsel vm3, v8, v7  }
0x2bb: {  	v0 =	vsel vm3, v9, v0;
	[tilespmem:$0x6000] =	vst v7  }
0x2bc: {  	[tilespmem:$0x6080] =	vst v0  }
0x2bd: {  	v8 =	vld.idx.msk [tilespmem:v6+s12+$0x0], $0xffff  }
0x2be: {  	v9 =	vld.idx.msk [tilespmem:v6+s13+$0x0], $0xffff;
	_ =	sdelay $0x3  }
0x2bf: {  	p0 =	sne.s32 s20, $0xF  }
.Ltmp5:
0x2c0: {  	vm3 =	veq.f32 v8, v7;
	vm13 =	vlt.s32 v9, v0;
	(pc) =	sbr.rel @p0 .LBB2_12-.Ltmp5, $4  }
0x2c1: {  	v10 =	vmov s20;
	vm14 =	vgt.f32 v8, v7;
	vm3 =	vmand vm3, vm13  }
0x2c2: {  	vm15 =	veq.s32 v10, v30;
	vm3 =	vmor vm14, vm3  }
0x2c3: {  	v7 =	vsel vm3, v8, v7;
	v0 =	vsel vm3, v9, v0;
	vm3 =	veq.s32 v43, v30  }
0x2c4: {  	s20 =	sadd.s32 $0x1, s20;
	v39 =	vsel vm15, v42, v39;
	v40 =	vsel vm3, v7, v40;
	v41 =	vsel vm3, v0, v41  }
0x2c5: {  	v0 =	vld [tilespmem:$0x1FE00];
	_ =	sdelay $0x4  }
0x2c6: {  	v0 =	vadd.s32 v0, v39  }
0x2c7: {  	v7 =	vshll.u32 v0, $0x1  }
0x2c8: {  	v8 =	vand.u32 $0x7, v39;
	v7 =	vand.u32 $0xFFFFFFF0, v7  }
0x2c9: {  	v9 =	vshrl.u32 v30, $0x3;
	v7 =	vor.u32 v8, v7;
	v8 =	vand.u32 $0x7, v30  }
0x2ca: {  	v9 =	vmul.u32 $0x8, v9;
	v8 =	vperm.xlane v7, v8  }
0x2cb: {  	v10 =	vor.u32 $0x8, v30  }
0x2cc: {  	v7 =	vperm.xlane v7, v10;
	v8 =	vadd.s32 v9, v8;
	_ =	sdelay $0x1  }
0x2cd: {  	v7 =	vadd.s32 v9, v7;
	_ =	sdelay $0x1  }
0x2ce: {  	vm3 =	vmmov $0xffff;
	[tilespmem:$0x6180] =	vst v0  }
0x2cf: {  	[tilespmem:s16], [sflag:$0x1] =	stream.indirect_vreg.gather [hbm4b:s1+s3], $0x80, v8, vm3, $0xb8;
	[tilespmem:$0x7200] =	vst v63  }
0x2d0: {  	_ = 	snop  }
0x2d1: {  	[tilespmem:s17], [sflag:$0x1] =	stream.indirect_vreg.gather [hbm4b:s1+s3], $0x80, v7, vm3, $0xb8;
	[tilespmem:$0x7200] =	vst v63  }
0x2d2: {  	s19 =	sadd.s32 $0x1, s19;
	_ =	swait.ge [sflag:s18], $0x1000  }
0x2d3: {  	p0 =	sne.s32 s19, s7;
	[sflag:s18] =	ssyncset.done $0x0  }
.Ltmp6:
0x2d4: {  	[sflag:s18] =	ssyncadd.s32 $0xFFFFF000;
	(pc) =	sbr.rel @p0 .LBB2_1-.Ltmp6, $4  }
0x2d5: {  	[hbm4b:s6+s3] =	stream.linear.scatter [tilespmem:s16], [sflag:$0x2], $0x1000, $0x38;
	[tilespmem:$0x7200] =	vst v63  }
0x2d6: {  	_ =	swait.ge [sflag:s10], $0x1000  }
0x2d7: {  	[sflag:s10] =	ssyncset.done $0x0  }
0x2d8: {  	v0 =	vlaneseq.u32;
	v10 =	vmov v63;
	v7 =	vimm.f32 $-Inf;
	[sflag:s10] =	ssyncadd.s32 $0xFFFFF000  }
0x2d9: {  	_ =	sfence.sel $0x180000  }
0x2da: {  	[bflag:$0x0] =	sbarrier.arrive $0xFFFF  }
0x2db: {  	p0 =	sne.s32 s0, $0x0;
	_ =	strace $0x90000047  }
0x2dc: {  	s0 =	sadd.s32 @!p0 $0x100000, s2;
	[bflag:$0x2] =	sbarrier.arrive $0xFFFF  }
0x2dd: {  	[sflag:s0] =	ssyncadd.tile.s32 @!p0 $0x1;
	_ =	shalt  }
.Lfunc_end2:
_tile_overlayer_lowered:
.L_overlay_start_2:
0x2de: {  	(tag) =	ssettag $0x2  }
0x2df: {  	s0 =	rddreg [dreg:$0x0];
	s2 =	stileid.u32  }
0x2e0: {  	s1 =	rddreg [dreg:$0x1];
	p0 =	sne.s32 s2, $0x0  }
0x2e1: {  	s3 =	rddreg [dreg:$0x2];
	[bflag:$0x3] =	sbarrier.arrive $0xFFFF;
	s2 =	simm.s32 @!p0 $0x1C02  }
0x2e2: {  	[timem:s3], [sflag:s2] =	dma.local @!p0 [hbm:s0], s1  }
0x2e3: {  	s0 =	simm.s32 @!p0 $0x2  }
0x2e4: {  	_ =	swait.ge @!p0 [sflag:s0], s1  }
0x2e5: {  	s1 =	ssub.s32 @!p0 $0x0, s1;
	[sflag:s0] =	ssyncset.done @!p0 $0x0  }
0x2e6: {  	[sflag:s0] =	ssyncadd.s32 @!p0 s1  }
0x2e7: {  	[bflag:$0x3] =	sbarrier.arrive $0xFFFF  }
0x2e8: {  	_ =	shalt  }

</sc_bundles>
